<compile_context>
chip_gen: v7x
topology: tpu7x:2x2x1
jax: 0.10.2.dev20260603
libtpu: 0.0.44.dev20260713+nightly
codegen_flags: <defaults>
</compile_context>

<pallas_src>
import functools

import jax
import jax.numpy as jnp
from jax import lax
from jax.experimental import pallas as pl
from jax.experimental.pallas import tpu as pltpu
from jax.experimental.pallas import tpu_sc as plsc

NU = 10000
NI = 10000
NN = 20000
D = 64
HID = 32
K = 8
NB = 4096
E = 320000

NW = 32
WIN = 128
CPW = 80
G = 4
NGR = CPW // G
WINB = G * WIN
TW = 80
ACC_R = 10240
TRASH = NU
ADJ_PAD = 81920


_MESH = plsc.VectorSubcoreMesh(core_axis_name="c", subcore_axis_name="s")
_SC_PARAMS = pltpu.CompilerParams(use_tc_tiling_on_sc=False)


def _elu(x):
    return jnp.where(x > 0, x, jnp.exp(jnp.minimum(x, 0.0)) - 1.0)


def _p0_body(xi, xu, ei, eu, swt, uwt, sb, ub, wt, av, t_ref, um_ref):
    x_i = xi[...].astype(jnp.bfloat16)
    x_u = xu[...].astype(jnp.bfloat16)
    zi = jnp.dot(x_i, swt[...].astype(jnp.bfloat16),
                 preferred_element_type=jnp.float32) + sb[...]
    im = (ei[...] + _elu(zi)) * 0.5
    zu = jnp.dot(x_u, uwt[...].astype(jnp.bfloat16),
                 preferred_element_type=jnp.float32) + ub[...]
    um_ref[...] = (eu[...] + _elu(zu)) * 0.5
    z = jnp.dot(x_i, wt[...].astype(jnp.bfloat16),
                preferred_element_type=jnp.float32)
    a_all = av[...]
    s1 = jnp.dot(z, a_all[0:HID, :], preferred_element_type=jnp.float32)
    s2 = jnp.dot(z, a_all[HID:2 * HID, :], preferred_element_type=jnp.float32)
    pad = jnp.zeros((im.shape[0], TW - D - 2), jnp.float32)
    t_ref[...] = jnp.concatenate([im, s1, s2, pad], axis=1)


def _p0(xi, xu, ei, eu, sem_W, usem_W, sem_b, usem_b, W, a):
    tr = 1000
    grid = NU // tr
    return pl.pallas_call(
        _p0_body,
        grid=(grid,),
        in_specs=[
            pl.BlockSpec((tr, 1024), lambda i: (i, 0)),
            pl.BlockSpec((tr, 1024), lambda i: (i, 0)),
            pl.BlockSpec((tr, D), lambda i: (i, 0)),
            pl.BlockSpec((tr, D), lambda i: (i, 0)),
            pl.BlockSpec((1024, D), lambda i: (0, 0)),
            pl.BlockSpec((1024, D), lambda i: (0, 0)),
            pl.BlockSpec((1, D), lambda i: (0, 0)),
            pl.BlockSpec((1, D), lambda i: (0, 0)),
            pl.BlockSpec((1024, HID), lambda i: (0, 0)),
            pl.BlockSpec((2 * HID, 1), lambda i: (0, 0)),
        ],
        out_specs=[
            pl.BlockSpec((tr, TW), lambda i: (i, 0)),
            pl.BlockSpec((tr, D), lambda i: (i, 0)),
        ],
        out_shape=[
            jax.ShapeDtypeStruct((NU, TW), jnp.float32),
            jax.ShapeDtypeStruct((NU, D), jnp.float32),
        ],
    )(xi, xu, ei, eu, sem_W, usem_W, sem_b.reshape(1, D),
      usem_b.reshape(1, D), W, a)


def _p2_body(g_ref, t_ref, o_ref):
    t = t_ref[...]
    s2 = t[:, D + 1:D + 2]
    gk = [g_ref[k] for k in range(K)]
    l = jnp.concatenate([g[:, D:D + 1] + s2 for g in gk], axis=1)
    l = jnp.where(l >= 0, l, 0.2 * l)
    m = jnp.max(l, axis=1, keepdims=True)
    e = jnp.exp(l - m)
    att = e / jnp.sum(e, axis=1, keepdims=True)
    h = att[:, 0:1] * gk[0][:, 0:D]
    for k in range(1, K):
        h = h + att[:, k:k + 1] * gk[k][:, 0:D]
    o_ref[...] = (t[:, 0:D] + _elu(h)) * 0.5


def _p2(g3, t):
    tr = 1000
    grid = NI // tr
    return pl.pallas_call(
        _p2_body,
        grid=(grid,),
        in_specs=[
            pl.BlockSpec((K, tr, TW), lambda i: (0, i, 0)),
            pl.BlockSpec((tr, TW), lambda i: (i, 0)),
        ],
        out_specs=pl.BlockSpec((tr, D), lambda i: (i, 0)),
        out_shape=jax.ShapeDtypeStruct((NI, D), jnp.float32),
    )(g3, t)


def _p3_body(x0_ref, c_ref, dis_ref, y0_ref):
    cnt = c_ref[:, 0:1]
    deg = jnp.maximum(cnt, 1.0)
    disv = lax.rsqrt(deg)
    dis_ref[...] = disv
    y0_ref[...] = x0_ref[...] * disv


def _p3(x0, c):
    tr = 2000
    grid = NN // tr
    return pl.pallas_call(
        _p3_body,
        grid=(grid,),
        in_specs=[
            pl.BlockSpec((tr, D), lambda i: (i, 0)),
            pl.BlockSpec((tr, 16), lambda i: (i, 0)),
        ],
        out_specs=[
            pl.BlockSpec((tr, 1), lambda i: (i, 0)),
            pl.BlockSpec((tr, D), lambda i: (i, 0)),
        ],
        out_shape=[
            jax.ShapeDtypeStruct((NN, 1), jnp.float32),
            jax.ShapeDtypeStruct((NN, D), jnp.float32),
        ],
    )(x0, c)


def _p4b_body(p_ref, dis_ref, x0_ref, y1_ref, s1_ref):
    disv = dis_ref[...]
    x1 = p_ref[...] * disv
    y1_ref[...] = x1 * disv
    s1_ref[...] = x0_ref[...] + x1


def _p4b(p, dis, x0):
    tr = 2000
    grid = NN // tr
    return pl.pallas_call(
        _p4b_body,
        grid=(grid,),
        in_specs=[
            pl.BlockSpec((tr, D), lambda i: (i, 0)),
            pl.BlockSpec((tr, 1), lambda i: (i, 0)),
            pl.BlockSpec((tr, D), lambda i: (i, 0)),
        ],
        out_specs=[
            pl.BlockSpec((tr, D), lambda i: (i, 0)),
            pl.BlockSpec((tr, D), lambda i: (i, 0)),
        ],
        out_shape=[
            jax.ShapeDtypeStruct((NN, D), jnp.float32),
            jax.ShapeDtypeStruct((NN, D), jnp.float32),
        ],
    )(p, dis, x0)


def _p5b_body(p_ref, dis_ref, s1_ref, o_ref):
    x2 = p_ref[...] * dis_ref[...]
    o_ref[...] = (s1_ref[...] + x2) * (1.0 / 3.0)


def _p5b(p, dis, s1):
    tr = 2000
    grid = NN // tr
    return pl.pallas_call(
        _p5b_body,
        grid=(grid,),
        in_specs=[
            pl.BlockSpec((tr, D), lambda i: (i, 0)),
            pl.BlockSpec((tr, 1), lambda i: (i, 0)),
            pl.BlockSpec((tr, D), lambda i: (i, 0)),
        ],
        out_specs=pl.BlockSpec((tr, D), lambda i: (i, 0)),
        out_shape=jax.ShapeDtypeStruct((NN, D), jnp.float32),
    )(p, dis, s1)


def _p6_body(g2_ref, o_ref):
    g2 = g2_ref[...]
    o_ref[...] = jnp.sum(g2[:, 0:D] * g2[:, D:2 * D], axis=1, keepdims=True)


def _p6(g2):
    return pl.pallas_call(
        _p6_body,
        grid=(1,),
        in_specs=[pl.BlockSpec((NB, 2 * D), lambda i: (0, 0))],
        out_specs=pl.BlockSpec((NB, 1), lambda i: (0, 0)),
        out_shape=jax.ShapeDtypeStruct((NB, 1), jnp.float32),
    )(g2)


def _sc_gather(table, idx, vd, win):
    n = idx.shape[0]
    nc = n // (NW * win)
    i3 = idx.reshape(NW, nc, win)

    @functools.partial(
        pl.kernel,
        out_type=jax.ShapeDtypeStruct((n, vd), jnp.float32),
        mesh=_MESH,
        scratch_types=[
            pltpu.VMEM((nc, win), jnp.int32),
            pltpu.VMEM((win, vd), jnp.float32),
            pltpu.VMEM((win, vd), jnp.float32),
            pltpu.SemaphoreType.DMA,
            pltpu.SemaphoreType.DMA,
            pltpu.SemaphoreType.DMA,
            pltpu.SemaphoreType.DMA,
        ],
        compiler_params=_SC_PARAMS,
    )
    def k(x_hbm, i_hbm, o_hbm, iv, buf_a, buf_b, ga, gb, sa, sb):
        c = lax.axis_index("c")
        s = lax.axis_index("s")
        w = c * 16 + s
        pltpu.sync_copy(i_hbm.at[w], iv)
        base = w * nc * win

        pltpu.async_copy(x_hbm.at[iv.at[0]], buf_a, ga)
        if nc > 1:
            pltpu.async_copy(x_hbm.at[iv.at[1]], buf_b, gb)

        @pl.loop(0, nc, step=2)
        def _(t):
            for buf, gsem, ssem, off in ((buf_a, ga, sa, 0),
                                         (buf_b, gb, sb, 1)):
                def step(buf=buf, gsem=gsem, ssem=ssem, ti=t + off):
                    pltpu.make_async_copy(x_hbm.at[iv.at[ti]], buf,
                                          gsem).wait()
                    dst = o_hbm.at[pl.ds(base + ti * win, win)]
                    pltpu.async_copy(buf, dst, ssem)
                    pltpu.make_async_copy(buf, dst, ssem).wait()

                    def prefetch(buf=buf, gsem=gsem, ti=ti):
                        pltpu.async_copy(x_hbm.at[iv.at[ti + 2]], buf, gsem)

                    if nc > 2:
                        pl.when(ti + 2 < nc)(prefetch)

                if nc % 2 == 0 or off == 0:
                    step()
                else:
                    pl.when(t + off < nc)(step)

    return k(table, i3)


def _sc_adj_deg(table, idx, rowr):
    n = idx.shape[0]
    vd = table.shape[1]
    nc = n // (NW * WINB)
    i3 = idx.reshape(NW, nc, WINB)

    @functools.partial(
        pl.kernel,
        out_type=[jax.ShapeDtypeStruct((n, vd), jnp.float32),
                  jax.ShapeDtypeStruct((2, NU, 16), jnp.float32)],
        mesh=_MESH,
        scratch_types=[
            pltpu.VMEM((nc, WINB), jnp.int32),
            pltpu.VMEM((NGR, WINB), jnp.int32),
            pltpu.VMEM((WINB, vd), jnp.float32),
            pltpu.VMEM((WINB, vd), jnp.float32),
            pltpu.VMEM((WINB, 16), jnp.float32),
            pltpu.VMEM_SHARED((ACC_R, 16), jnp.float32),
            pltpu.SemaphoreType.DMA,
            pltpu.SemaphoreType.DMA,
            pltpu.SemaphoreType.DMA,
            pltpu.SemaphoreType.DMA,
            pltpu.SemaphoreType.DMA,
        ],
        compiler_params=_SC_PARAMS,
    )
    def k(x_hbm, i_hbm, rowr_hbm, o_hbm, c_hbm, iv, rowv, buf_a, buf_b,
          ones_v, accd, ga, gb, sa, sb, dsem):
        c = lax.axis_index("c")
        s = lax.axis_index("s")
        w = c * 16 + s
        pltpu.sync_copy(i_hbm.at[w], iv)
        pltpu.sync_copy(rowr_hbm.at[w], rowv)

        @pl.loop(0, WINB)
        def _(j):
            ones_v.at[pl.ds(j, 1), :][...] = jnp.full((1, 16), 1.0, jnp.float32)

        @pl.loop(0, WIN)
        def _(j):
            @pl.loop(0, 16, step=16)
            def _(q):
                buf_a.at[pl.ds(j, 1), pl.ds(q, 16)][...] = (
                    jnp.zeros((1, 16), jnp.float32))

        zsrc = buf_a.at[pl.ds(0, WIN), pl.ds(0, 16)]
        rows_per = ACC_R // 16
        nz = rows_per // WIN
        for q in range(nz):
            pltpu.async_copy(zsrc, accd.at[pl.ds(s * rows_per + q * WIN, WIN)],
                             dsem)
        for q in range(nz):
            pltpu.make_async_copy(
                zsrc, accd.at[pl.ds(s * rows_per + q * WIN, WIN)], dsem).wait()

        plsc.subcore_barrier()

        base = w * nc * WINB
        pltpu.async_copy(x_hbm.at[iv.at[0]], buf_a, ga)
        pltpu.async_copy(x_hbm.at[iv.at[1]], buf_b, gb)

        @pl.loop(0, nc, step=2)
        def _(t):
            for buf, gsem, ssem, off in ((buf_a, ga, sa, 0),
                                         (buf_b, gb, sb, 1)):
                def step(buf=buf, gsem=gsem, ssem=ssem, ti=t + off):
                    for j in range(4):
                        pltpu.async_copy(ones_v, accd.at[rowv.at[ti * 4 + j]],
                                         dsem, add=True)
                    pltpu.make_async_copy(x_hbm.at[iv.at[ti]], buf,
                                          gsem).wait()
                    dst = o_hbm.at[pl.ds(base + ti * WINB, WINB)]
                    pltpu.async_copy(buf, dst, ssem)
                    pltpu.make_async_copy(buf, dst, ssem).wait()

                    def prefetch(buf=buf, gsem=gsem, ti=ti):
                        pltpu.async_copy(x_hbm.at[iv.at[ti + 2]], buf, gsem)

                    pl.when(ti + 2 < nc)(prefetch)
                    for j in range(4):
                        pltpu.make_async_copy(ones_v,
                                              accd.at[rowv.at[ti * 4 + j]],
                                              dsem).wait()

                if off == 0:
                    step()
                else:
                    pl.when(t + off < nc)(step)

        plsc.subcore_barrier()
        out_per = NU // 16
        pltpu.sync_copy(accd.at[pl.ds(s * out_per, out_per)],
                        c_hbm.at[c].at[pl.ds(s * out_per, out_per)])

    return k(table, i3, rowr)


def _sc_layer(y, colr, rowr):
    @functools.partial(
        pl.kernel,
        out_type=jax.ShapeDtypeStruct((2, NU, D), jnp.float32),
        mesh=_MESH,
        scratch_types=[
            pltpu.VMEM((NGR, WINB), jnp.int32),
            pltpu.VMEM((NGR, WINB), jnp.int32),
            pltpu.VMEM((WINB, D), jnp.float32),
            pltpu.VMEM((WINB, D), jnp.float32),
            pltpu.VMEM_SHARED((ACC_R, D), jnp.float32),
            pltpu.SemaphoreType.DMA,
            pltpu.SemaphoreType.DMA,
            pltpu.SemaphoreType.DMA,
            pltpu.SemaphoreType.DMA,
        ],
        compiler_params=_SC_PARAMS,
    )
    def k(y_hbm, colr_hbm, rowr_hbm, p_hbm, colv, rowv, buf_a, buf_b,
          acc, gsem_a, gsem_b, ssem_a, ssem_b):
        c = lax.axis_index("c")
        s = lax.axis_index("s")
        w = c * 16 + s
        pltpu.sync_copy(colr_hbm.at[w], colv)
        pltpu.sync_copy(rowr_hbm.at[w], rowv)

        @pl.loop(0, WIN)
        def _(j):
            @pl.loop(0, D, step=16)
            def _(q):
                buf_a.at[pl.ds(j, 1), pl.ds(q, 16)][...] = (
                    jnp.zeros((1, 16), jnp.float32))

        zsrc = buf_a.at[pl.ds(0, WIN)]
        rows_per = ACC_R // 16
        nz = rows_per // WIN
        for q in range(nz):
            pltpu.async_copy(zsrc, acc.at[pl.ds(s * rows_per + q * WIN, WIN)],
                             gsem_a)
        for q in range(nz):
            pltpu.make_async_copy(
                zsrc, acc.at[pl.ds(s * rows_per + q * WIN, WIN)],
                gsem_a).wait()

        plsc.subcore_barrier()

        def gather(buf, gsem, gi):
            pltpu.async_copy(y_hbm.at[colv.at[gi]], buf, gsem)

        gather(buf_a, gsem_a, 0)
        gather(buf_b, gsem_b, 1)

        @pl.loop(0, NGR, step=2)
        def _(gidx):
            for buf, gsem, ssem, off in ((buf_a, gsem_a, ssem_a, 0),
                                         (buf_b, gsem_b, ssem_b, 1)):
                gi = gidx + off
                pltpu.make_async_copy(y_hbm.at[colv.at[gi]], buf, gsem).wait()
                rdst = acc.at[rowv.at[gi]]
                pltpu.async_copy(buf, rdst, ssem, add=True)
                pltpu.make_async_copy(buf, rdst, ssem).wait()

                def prefetch(buf=buf, gsem=gsem, gi=gi):
                    gather(buf, gsem, gi + 2)

                pl.when(gi + 2 < NGR)(prefetch)

        plsc.subcore_barrier()
        out_per = NU // 16
        pltpu.sync_copy(acc.at[pl.ds(s * out_per, out_per)],
                        p_hbm.at[c].at[pl.ds(s * out_per, out_per)])

    return k(y, colr, rowr)


def kernel(users, items, adj_matrix, g_row, g_col, g_val,
           emb_user, emb_item, semantic_emb, user_semantic_emb,
           sem_W, sem_b, usem_W, usem_b, W, a):
    t, um = _p0(semantic_emb, user_semantic_emb, emb_item, emb_user,
                sem_W, usem_W, sem_b, usem_b, W, a)

    half = E // 2
    hcap = 16 * CPW * WIN
    padh = hcap - half
    tr_pad = jnp.full((padh,), TRASH, jnp.int32)
    c0_pad = jnp.zeros((padh,), jnp.int32)
    rowr = jnp.concatenate(
        [g_row[:half], tr_pad, g_row[half:] - NU, tr_pad]).reshape(NW, NGR, WINB)
    colr = jnp.concatenate(
        [g_col[:half], c0_pad, g_col[half:], c0_pad]).reshape(NW, NGR, WINB)

    af = jnp.pad(jnp.transpose(adj_matrix),
                 ((0, 0), (0, ADJ_PAD // K - NI))).reshape(-1)
    g, c2 = _sc_adj_deg(t, af, rowr)
    c = c2.reshape(NN, 16)
    imf = _p2(g.reshape(K, ADJ_PAD // K, TW), t)

    x0 = jnp.concatenate([um, imf], axis=0)
    dis, y0 = _p3(x0, c)

    p1 = _sc_layer(y0, colr, rowr).reshape(NN, D)
    y1, s1 = _p4b(p1, dis, x0)
    p2 = _sc_layer(y1, colr, rowr).reshape(NN, D)
    light = _p5b(p2, dis, s1)

    si = jnp.stack([users, items + NU], axis=1).reshape(2 * NB)
    g2 = _sc_gather(light, si, D, 256)
    o = _p6(g2.reshape(NB, 2 * D))
    return o[:, 0]

# --- scband reference (transcript-rebuilt; emitter-appended) ---
"""Pipeline reference for scband-co-la-kg-model-56264071578153 (READ-ONLY COPY).

The authoritative reference and input builder live on the scoring server;
editing this copy changes nothing except your own understanding.
"""

import jax, jax.numpy as jnp
import numpy as np

N_USERS = 10000
N_ITEMS = 10000
N_NODES = N_USERS + N_ITEMS
D = 64
SEM_DIM = 1024
HID = 32
K = 8
B = 4096
N_LAYERS = 2
E_UI = 160000


def setup_inputs(seed: int = 0) -> dict:
    key = jax.random.key(seed)
    ks = jax.random.split(key, 10)
    rng = np.random.default_rng(0)

    users = jnp.asarray(rng.integers(0, N_USERS, size=(B,)), dtype=jnp.int32)
    items = jnp.asarray(rng.integers(0, N_ITEMS, size=(B,)), dtype=jnp.int32)

    # KG precomputed neighbor item-ids per item [I, K]
    adj_matrix = jnp.asarray(rng.integers(0, N_ITEMS, size=(N_ITEMS, K)), dtype=jnp.int32)

    # symmetric normalized bipartite interaction graph (LightGCN Graph)
    eu = rng.integers(0, N_USERS, size=(E_UI,))
    ei = rng.integers(0, N_ITEMS, size=(E_UI,))
    row = np.concatenate([eu, ei + N_USERS])
    col = np.concatenate([ei + N_USERS, eu])
    deg = np.bincount(row, minlength=N_NODES).astype(np.float32)
    deg = np.maximum(deg, 1.0)
    val = (1.0 / np.sqrt(deg[row] * deg[col])).astype(np.float32)

    emb_user = jax.random.normal(ks[0], (N_USERS, D), dtype=jnp.float32) * 0.1
    emb_item = jax.random.normal(ks[1], (N_ITEMS, D), dtype=jnp.float32) * 0.1
    semantic_emb = jax.random.normal(ks[2], (N_ITEMS, SEM_DIM), dtype=jnp.float32)
    user_semantic_emb = jax.random.normal(ks[3], (N_USERS, SEM_DIM), dtype=jnp.float32)
    sem_W = jax.random.normal(ks[4], (SEM_DIM, D), dtype=jnp.float32) * 0.03
    sem_b = jnp.zeros((D,), dtype=jnp.float32)
    usem_W = jax.random.normal(ks[5], (SEM_DIM, D), dtype=jnp.float32) * 0.03
    usem_b = jnp.zeros((D,), dtype=jnp.float32)
    W = jax.random.normal(ks[6], (SEM_DIM, HID), dtype=jnp.float32) * 0.06
    a = jax.random.normal(ks[7], (2 * HID, 1), dtype=jnp.float32) * 0.1

    return {
        'users': users, 'items': items, 'adj_matrix': adj_matrix,
        'g_row': jnp.asarray(row, dtype=jnp.int32), 'g_col': jnp.asarray(col, dtype=jnp.int32),
        'g_val': jnp.asarray(val),
        'emb_user': emb_user, 'emb_item': emb_item,
        'semantic_emb': semantic_emb, 'user_semantic_emb': user_semantic_emb,
        'sem_W': sem_W, 'sem_b': sem_b, 'usem_W': usem_W, 'usem_b': usem_b,
        'W': W, 'a': a,
    }


def reference(users, items, adj_matrix, g_row, g_col, g_val,
              emb_user, emb_item, semantic_emb, user_semantic_emb,
              sem_W, sem_b, usem_W, usem_b, W, a):
    # eval mode: all dropouts are identity
    items_sem = jax.nn.elu(semantic_emb @ sem_W + sem_b)
    items_merged = (emb_item + items_sem) / 2.0
    users_sem = jax.nn.elu(user_semantic_emb @ usem_W + usem_b)
    users_merged = (emb_user + users_sem) / 2.0

    # KG neighbor attention (GAT-style over precomputed item neighbors)
    neighbor_emb = jnp.take(items_merged, adj_matrix, axis=0)      # [I, K, D]
    neighbor_sem = jnp.take(semantic_emb, adj_matrix, axis=0)      # [I, K, SEM]
    Wh = neighbor_sem @ W                                          # [I, K, HID]
    Wh0 = jnp.broadcast_to((semantic_emb @ W)[:, None, :], Wh.shape)
    Wc = jnp.concatenate([Wh, Wh0], axis=-1)                       # [I, K, 2*HID]
    att = jnp.squeeze(Wc @ a, -1)                                  # [I, K]
    att = jax.nn.leaky_relu(att, negative_slope=0.2)
    att = jax.nn.softmax(att, axis=1)
    h_prime = jax.nn.elu(jnp.sum(att[..., None] * neighbor_emb, axis=1))
    items_merged = (items_merged + h_prime) / 2.0

    # LightGCN propagation with sparse normalized adjacency
    all_emb = jnp.concatenate([users_merged, items_merged], axis=0)
    embs = [all_emb]
    for _ in range(N_LAYERS):
        msg = g_val[:, None] * jnp.take(all_emb, g_col, axis=0)
        all_emb = jax.ops.segment_sum(msg, g_row, num_segments=N_NODES)
        embs.append(all_emb)
    light_out = jnp.mean(jnp.stack(embs, axis=1), axis=1)
    users_out = light_out[:N_USERS]
    items_out = light_out[N_USERS:]

    ue = jnp.take(users_out, users, axis=0)
    ie = jnp.take(items_out, items, axis=0)
    return jnp.sum(ue * ie, axis=1)

if __name__ == "__main__":
    import jax
    _d = setup_inputs()
    print(jax.jit(kernel)(*tuple(_d.values())))

</pallas_src>

<mosaic_0001>
#map = affine_map<(d0, d1) -> (0, 0)>
#map1 = affine_map<(d0, d1) -> (0, 0, 0)>
module attributes {stable_mosaic.version = 14 : i64} {
  func.func @k(%arg0: i32, %arg1: i32, %arg2: memref<20000x64xf32, #tpu.memory_space<hbm>>, %arg3: memref<32x1x256xi32, #tpu.memory_space<hbm>>, %arg4: memref<8192x64xf32, #tpu.memory_space<hbm>>, %arg5: memref<1x256xi32, #tpu.memory_space<vmem>>, %arg6: memref<256x64xf32, #tpu.memory_space<vmem>>, %arg7: memref<256x64xf32, #tpu.memory_space<vmem>>, %arg8: memref<!tpu.dma_semaphore, #tpu.memory_space<semaphore_mem>>, %arg9: memref<!tpu.dma_semaphore, #tpu.memory_space<semaphore_mem>>, %arg10: memref<!tpu.dma_semaphore, #tpu.memory_space<semaphore_mem>>, %arg11: memref<!tpu.dma_semaphore, #tpu.memory_space<semaphore_mem>>) attributes {dimension_semantics = [#tpu.dimension_semantics<core_parallel>, #tpu.dimension_semantics<subcore_parallel>], iteration_bounds = array<i64: 2, 16>, scalar_prefetch = 0 : i64, scratch_operands = 7 : i64, tpu.core_type = #tpu.core_type<sc_vector_subcore>, window_params = [{transform_indices = #map}, {transform_indices = #map1}, {transform_indices = #map}]} {
    %mul3A = arith.constant 16 : i32
    %mul3A_0 = arith.muli %arg0, %mul3A : i32
    %add3A = arith.addi %mul3A_0, %arg1 : i32
    "tpu.region"() ({
      %run_scoped3A = tpu.sem_alloc : memref<!tpu.dma_semaphore, #tpu.memory_space<semaphore_mem>>
      %dma_start3A_40 = arith.constant 0 : i32
      %dma_start3A_41 = arith.constant 0 : i32
      %dma_start3A_42 = tpu.memref_slice %arg3[%add3A, %dma_start3A_40, %dma_start3A_41] : memref<32x1x256xi32, #tpu.memory_space<hbm>> -> memref<1x1x256xi32, #tpu.memory_space<hbm>>
      %dma_start3A_43 = tpu.memref_squeeze %dma_start3A_42 : memref<1x1x256xi32, #tpu.memory_space<hbm>> -> memref<1x256xi32, #tpu.memory_space<hbm>>
      %dma_start3A_44 = arith.constant 0 : i32
      %dma_start3A_45 = arith.constant 0 : i32
      %dma_start3A_46 = tpu.memref_slice %arg3[%add3A, %dma_start3A_44, %dma_start3A_45] : memref<32x1x256xi32, #tpu.memory_space<hbm>> -> memref<1x1x256xi32, #tpu.memory_space<hbm>>
      %dma_start3A_47 = tpu.memref_squeeze %dma_start3A_46 : memref<1x1x256xi32, #tpu.memory_space<hbm>> -> memref<1x256xi32, #tpu.memory_space<hbm>>
      tpu.enqueue_dma source(%dma_start3A_47 : memref<1x256xi32, #tpu.memory_space<hbm>>) target(%arg5 : memref<1x256xi32, #tpu.memory_space<vmem>>) target_semaphore(%run_scoped3A : memref<!tpu.dma_semaphore, #tpu.memory_space<semaphore_mem>>)
      %dma_wait3A_48 = arith.constant 0 : i32
      %dma_wait3A_49 = arith.constant 0 : i32
      %dma_wait3A_50 = tpu.memref_slice %arg3[%add3A, %dma_wait3A_48, %dma_wait3A_49] : memref<32x1x256xi32, #tpu.memory_space<hbm>> -> memref<1x1x256xi32, #tpu.memory_space<hbm>>
      %dma_wait3A_51 = tpu.memref_squeeze %dma_wait3A_50 : memref<1x1x256xi32, #tpu.memory_space<hbm>> -> memref<1x256xi32, #tpu.memory_space<hbm>>
      %dma_wait3A_52 = arith.constant 0 : i32
      %dma_wait3A_53 = arith.constant 0 : i32
      %dma_wait3A_54 = tpu.memref_slice %arg3[%add3A, %dma_wait3A_52, %dma_wait3A_53] : memref<32x1x256xi32, #tpu.memory_space<hbm>> -> memref<1x1x256xi32, #tpu.memory_space<hbm>>
      %dma_wait3A_55 = tpu.memref_squeeze %dma_wait3A_54 : memref<1x1x256xi32, #tpu.memory_space<hbm>> -> memref<1x256xi32, #tpu.memory_space<hbm>>
      tpu.wait_dma2 semaphore(%run_scoped3A : memref<!tpu.dma_semaphore, #tpu.memory_space<semaphore_mem>>) src(%dma_wait3A_55 : memref<1x256xi32, #tpu.memory_space<hbm>>) dst(%arg5 : memref<1x256xi32, #tpu.memory_space<vmem>>)
      tpu.yield
    }) : () -> ()
    %mul3A_1 = arith.constant 1 : i32
    %mul3A_2 = arith.muli %add3A, %mul3A_1 : i32
    %mul3A_3 = arith.constant 256 : i32
    %mul3A_4 = arith.muli %mul3A_2, %mul3A_3 : i32
    %dma_start3A = arith.constant 0 : i32
    %dma_start3A_5 = arith.constant 0 : i32
    %dma_start3A_6 = tpu.memref_slice %arg5[%dma_start3A, %dma_start3A_5] : memref<1x256xi32, #tpu.memory_space<vmem>> -> memref<1x256xi32, #tpu.memory_space<vmem>>
    %dma_start3A_7 = tpu.memref_squeeze %dma_start3A_6 : memref<1x256xi32, #tpu.memory_space<vmem>> -> memref<256xi32, #tpu.memory_space<vmem>>
    %dma_start3A_8 = arith.constant 0 : i32
    %dma_start3A_9 = arith.constant 0 : i32
    %dma_start3A_10 = tpu.memref_slice %arg2[%dma_start3A_8, %dma_start3A_9] : memref<20000x64xf32, #tpu.memory_space<hbm>> -> memref<20000x64xf32, #tpu.memory_space<hbm>>
    tpu.enqueue_indirect_dma source(%dma_start3A_10 : memref<20000x64xf32, #tpu.memory_space<hbm>>) target(%arg6 : memref<256x64xf32, #tpu.memory_space<vmem>>) offsets(%dma_start3A_7 : memref<256xi32, #tpu.memory_space<vmem>>) semaphore(%arg8 : memref<!tpu.dma_semaphore, #tpu.memory_space<semaphore_mem>>)
    %scan3A = arith.constant 0 : i32
    %mul3A_11 = arith.constant 2 : i32
    %mul3A_12 = arith.muli %scan3A, %mul3A_11 : i32
    %add3A_13 = arith.constant 0 : i32
    %add3A_14 = arith.addi %add3A_13, %mul3A_12 : i32
    %add3A_15 = arith.constant 0 : i32
    %add3A_16 = arith.addi %add3A_14, %add3A_15 : i32
    %dma_wait3A = arith.constant 0 : i32
    %dma_wait3A_17 = tpu.memref_slice %arg5[%add3A_16, %dma_wait3A] : memref<1x256xi32, #tpu.memory_space<vmem>> -> memref<1x256xi32, #tpu.memory_space<vmem>>
    %dma_wait3A_18 = tpu.memref_squeeze %dma_wait3A_17 : memref<1x256xi32, #tpu.memory_space<vmem>> -> memref<256xi32, #tpu.memory_space<vmem>>
    %dma_wait3A_19 = arith.constant 0 : i32
    %dma_wait3A_20 = arith.constant 0 : i32
    %dma_wait3A_21 = tpu.memref_slice %arg2[%dma_wait3A_19, %dma_wait3A_20] : memref<20000x64xf32, #tpu.memory_space<hbm>> -> memref<20000x64xf32, #tpu.memory_space<hbm>>
    tpu.wait_indirect_dma semaphore(%arg8 : memref<!tpu.dma_semaphore, #tpu.memory_space<semaphore_mem>>) src(%dma_wait3A_21 : memref<20000x64xf32, #tpu.memory_space<hbm>>) dst(%arg6 : memref<256x64xf32, #tpu.memory_space<vmem>>)
    %mul3A_22 = arith.constant 256 : i32
    %mul3A_23 = arith.muli %add3A_16, %mul3A_22 : i32
    %add3A_24 = arith.addi %mul3A_4, %mul3A_23 : i32
    %dma_start3A_25 = arith.constant 0 : i32
    %dma_start3A_26 = tpu.memref_slice %arg4[%add3A_24, %dma_start3A_25] : memref<8192x64xf32, #tpu.memory_space<hbm>> -> memref<256x64xf32, #tpu.memory_space<hbm>>
    %dma_start3A_27 = arith.constant 0 : i32
    %dma_start3A_28 = tpu.memref_slice %arg4[%add3A_24, %dma_start3A_27] : memref<8192x64xf32, #tpu.memory_space<hbm>> -> memref<256x64xf32, #tpu.memory_space<hbm>>
    tpu.enqueue_dma source(%arg6 : memref<256x64xf32, #tpu.memory_space<vmem>>) target(%dma_start3A_28 : memref<256x64xf32, #tpu.memory_space<hbm>>) target_semaphore(%arg10 : memref<!tpu.dma_semaphore, #tpu.memory_space<semaphore_mem>>)
    %dma_wait3A_29 = arith.constant 0 : i32
    %dma_wait3A_30 = tpu.memref_slice %arg4[%add3A_24, %dma_wait3A_29] : memref<8192x64xf32, #tpu.memory_space<hbm>> -> memref<256x64xf32, #tpu.memory_space<hbm>>
    %dma_wait3A_31 = arith.constant 0 : i32
    %dma_wait3A_32 = tpu.memref_slice %arg4[%add3A_24, %dma_wait3A_31] : memref<8192x64xf32, #tpu.memory_space<hbm>> -> memref<256x64xf32, #tpu.memory_space<hbm>>
    tpu.wait_dma2 semaphore(%arg10 : memref<!tpu.dma_semaphore, #tpu.memory_space<semaphore_mem>>) src(%arg6 : memref<256x64xf32, #tpu.memory_space<vmem>>) dst(%dma_wait3A_32 : memref<256x64xf32, #tpu.memory_space<hbm>>)
    %add3A_33 = arith.constant 1 : i32
    %add3A_34 = arith.addi %add3A_14, %add3A_33 : i32
    %add3A_35 = arith.constant 1 : i32
    %add3A_36 = arith.addi %add3A_14, %add3A_35 : i32
    %lt3A = arith.constant 1 : i32
    %lt3A_37 = arith.cmpi slt, %add3A_36, %lt3A : i32
    %convert_element_type3A = arith.extui %lt3A_37 : i1 to i32
    %cond3A = arith.constant 0 : i32
    %cond3A_38 = arith.cmpi ne, %convert_element_type3A, %cond3A : i32
    scf.if %cond3A_38 {
      %dma_wait3A_40 = arith.constant 0 : i32
      %dma_wait3A_41 = tpu.memref_slice %arg5[%add3A_34, %dma_wait3A_40] : memref<1x256xi32, #tpu.memory_space<vmem>> -> memref<1x256xi32, #tpu.memory_space<vmem>>
      %dma_wait3A_42 = tpu.memref_squeeze %dma_wait3A_41 : memref<1x256xi32, #tpu.memory_space<vmem>> -> memref<256xi32, #tpu.memory_space<vmem>>
      %dma_wait3A_43 = arith.constant 0 : i32
      %dma_wait3A_44 = arith.constant 0 : i32
      %dma_wait3A_45 = tpu.memref_slice %arg2[%dma_wait3A_43, %dma_wait3A_44] : memref<20000x64xf32, #tpu.memory_space<hbm>> -> memref<20000x64xf32, #tpu.memory_space<hbm>>
      tpu.wait_indirect_dma semaphore(%arg9 : memref<!tpu.dma_semaphore, #tpu.memory_space<semaphore_mem>>) src(%dma_wait3A_45 : memref<20000x64xf32, #tpu.memory_space<hbm>>) dst(%arg7 : memref<256x64xf32, #tpu.memory_space<vmem>>)
      %mul3A_46 = arith.constant 256 : i32
      %mul3A_47 = arith.muli %add3A_34, %mul3A_46 : i32
      %add3A_48 = arith.addi %mul3A_4, %mul3A_47 : i32
      %dma_start3A_49 = arith.constant 0 : i32
      %dma_start3A_50 = tpu.memref_slice %arg4[%add3A_48, %dma_start3A_49] : memref<8192x64xf32, #tpu.memory_space<hbm>> -> memref<256x64xf32, #tpu.memory_space<hbm>>
      %dma_start3A_51 = arith.constant 0 : i32
      %dma_start3A_52 = tpu.memref_slice %arg4[%add3A_48, %dma_start3A_51] : memref<8192x64xf32, #tpu.memory_space<hbm>> -> memref<256x64xf32, #tpu.memory_space<hbm>>
      tpu.enqueue_dma source(%arg7 : memref<256x64xf32, #tpu.memory_space<vmem>>) target(%dma_start3A_52 : memref<256x64xf32, #tpu.memory_space<hbm>>) target_semaphore(%arg11 : memref<!tpu.dma_semaphore, #tpu.memory_space<semaphore_mem>>)
      %dma_wait3A_53 = arith.constant 0 : i32
      %dma_wait3A_54 = tpu.memref_slice %arg4[%add3A_48, %dma_wait3A_53] : memref<8192x64xf32, #tpu.memory_space<hbm>> -> memref<256x64xf32, #tpu.memory_space<hbm>>
      %dma_wait3A_55 = arith.constant 0 : i32
      %dma_wait3A_56 = tpu.memref_slice %arg4[%add3A_48, %dma_wait3A_55] : memref<8192x64xf32, #tpu.memory_space<hbm>> -> memref<256x64xf32, #tpu.memory_space<hbm>>
      tpu.wait_dma2 semaphore(%arg11 : memref<!tpu.dma_semaphore, #tpu.memory_space<semaphore_mem>>) src(%arg7 : memref<256x64xf32, #tpu.memory_space<vmem>>) dst(%dma_wait3A_56 : memref<256x64xf32, #tpu.memory_space<hbm>>)
    } else {
    }
    %scan3A_39 = arith.constant 1 : i32
    return
  }
}

#map = affine_map<(d0, d1) -> (0, 0)>
#map1 = affine_map<(d0, d1) -> (0, 0, 0)>
module attributes {stable_mosaic.version = 14 : i64} {
  func.func @k(%arg0: i32, %arg1: i32, %arg2: memref<20000x64xf32, #tpu.memory_space<hbm>>, %arg3: memref<32x20x512xi32, #tpu.memory_space<hbm>>, %arg4: memref<32x20x512xi32, #tpu.memory_space<hbm>>, %arg5: memref<2x10000x64xf32, #tpu.memory_space<hbm>>, %arg6: memref<20x512xi32, #tpu.memory_space<vmem>>, %arg7: memref<20x512xi32, #tpu.memory_space<vmem>>, %arg8: memref<512x64xf32, #tpu.memory_space<vmem>>, %arg9: memref<512x64xf32, #tpu.memory_space<vmem>>, %arg10: memref<10240x64xf32, #tpu.memory_space<vmem_shared>>, %arg11: memref<!tpu.dma_semaphore, #tpu.memory_space<semaphore_mem>>, %arg12: memref<!tpu.dma_semaphore, #tpu.memory_space<semaphore_mem>>, %arg13: memref<!tpu.dma_semaphore, #tpu.memory_space<semaphore_mem>>, %arg14: memref<!tpu.dma_semaphore, #tpu.memory_space<semaphore_mem>>) attributes {dimension_semantics = [#tpu.dimension_semantics<core_parallel>, #tpu.dimension_semantics<subcore_parallel>], iteration_bounds = array<i64: 2, 16>, scalar_prefetch = 0 : i64, scratch_operands = 9 : i64, tpu.core_type = #tpu.core_type<sc_vector_subcore>, window_params = [{transform_indices = #map}, {transform_indices = #map1}, {transform_indices = #map1}, {transform_indices = #map1}]} {
    %mul3A = arith.constant 16 : i32
    %mul3A_0 = arith.muli %arg0, %mul3A : i32
    %add3A = arith.addi %mul3A_0, %arg1 : i32
    "tpu.region"() ({
      %run_scoped3A = tpu.sem_alloc : memref<!tpu.dma_semaphore, #tpu.memory_space<semaphore_mem>>
      %dma_start3A_167 = arith.constant 0 : i32
      %dma_start3A_168 = arith.constant 0 : i32
      %dma_start3A_169 = tpu.memref_slice %arg3[%add3A, %dma_start3A_167, %dma_start3A_168] : memref<32x20x512xi32, #tpu.memory_space<hbm>> -> memref<1x20x512xi32, #tpu.memory_space<hbm>>
      %dma_start3A_170 = tpu.memref_squeeze %dma_start3A_169 : memref<1x20x512xi32, #tpu.memory_space<hbm>> -> memref<20x512xi32, #tpu.memory_space<hbm>>
      %dma_start3A_171 = arith.constant 0 : i32
      %dma_start3A_172 = arith.constant 0 : i32
      %dma_start3A_173 = tpu.memref_slice %arg3[%add3A, %dma_start3A_171, %dma_start3A_172] : memref<32x20x512xi32, #tpu.memory_space<hbm>> -> memref<1x20x512xi32, #tpu.memory_space<hbm>>
      %dma_start3A_174 = tpu.memref_squeeze %dma_start3A_173 : memref<1x20x512xi32, #tpu.memory_space<hbm>> -> memref<20x512xi32, #tpu.memory_space<hbm>>
      tpu.enqueue_dma source(%dma_start3A_174 : memref<20x512xi32, #tpu.memory_space<hbm>>) target(%arg6 : memref<20x512xi32, #tpu.memory_space<vmem>>) target_semaphore(%run_scoped3A : memref<!tpu.dma_semaphore, #tpu.memory_space<semaphore_mem>>)
      %dma_wait3A_175 = arith.constant 0 : i32
      %dma_wait3A_176 = arith.constant 0 : i32
      %dma_wait3A_177 = tpu.memref_slice %arg3[%add3A, %dma_wait3A_175, %dma_wait3A_176] : memref<32x20x512xi32, #tpu.memory_space<hbm>> -> memref<1x20x512xi32, #tpu.memory_space<hbm>>
      %dma_wait3A_178 = tpu.memref_squeeze %dma_wait3A_177 : memref<1x20x512xi32, #tpu.memory_space<hbm>> -> memref<20x512xi32, #tpu.memory_space<hbm>>
      %dma_wait3A_179 = arith.constant 0 : i32
      %dma_wait3A_180 = arith.constant 0 : i32
      %dma_wait3A_181 = tpu.memref_slice %arg3[%add3A, %dma_wait3A_179, %dma_wait3A_180] : memref<32x20x512xi32, #tpu.memory_space<hbm>> -> memref<1x20x512xi32, #tpu.memory_space<hbm>>
      %dma_wait3A_182 = tpu.memref_squeeze %dma_wait3A_181 : memref<1x20x512xi32, #tpu.memory_space<hbm>> -> memref<20x512xi32, #tpu.memory_space<hbm>>
      tpu.wait_dma2 semaphore(%run_scoped3A : memref<!tpu.dma_semaphore, #tpu.memory_space<semaphore_mem>>) src(%dma_wait3A_182 : memref<20x512xi32, #tpu.memory_space<hbm>>) dst(%arg6 : memref<20x512xi32, #tpu.memory_space<vmem>>)
      tpu.yield
    }) : () -> ()
    "tpu.region"() ({
      %run_scoped3A = tpu.sem_alloc : memref<!tpu.dma_semaphore, #tpu.memory_space<semaphore_mem>>
      %dma_start3A_167 = arith.constant 0 : i32
      %dma_start3A_168 = arith.constant 0 : i32
      %dma_start3A_169 = tpu.memref_slice %arg4[%add3A, %dma_start3A_167, %dma_start3A_168] : memref<32x20x512xi32, #tpu.memory_space<hbm>> -> memref<1x20x512xi32, #tpu.memory_space<hbm>>
      %dma_start3A_170 = tpu.memref_squeeze %dma_start3A_169 : memref<1x20x512xi32, #tpu.memory_space<hbm>> -> memref<20x512xi32, #tpu.memory_space<hbm>>
      %dma_start3A_171 = arith.constant 0 : i32
      %dma_start3A_172 = arith.constant 0 : i32
      %dma_start3A_173 = tpu.memref_slice %arg4[%add3A, %dma_start3A_171, %dma_start3A_172] : memref<32x20x512xi32, #tpu.memory_space<hbm>> -> memref<1x20x512xi32, #tpu.memory_space<hbm>>
      %dma_start3A_174 = tpu.memref_squeeze %dma_start3A_173 : memref<1x20x512xi32, #tpu.memory_space<hbm>> -> memref<20x512xi32, #tpu.memory_space<hbm>>
      tpu.enqueue_dma source(%dma_start3A_174 : memref<20x512xi32, #tpu.memory_space<hbm>>) target(%arg7 : memref<20x512xi32, #tpu.memory_space<vmem>>) target_semaphore(%run_scoped3A : memref<!tpu.dma_semaphore, #tpu.memory_space<semaphore_mem>>)
      %dma_wait3A_175 = arith.constant 0 : i32
      %dma_wait3A_176 = arith.constant 0 : i32
      %dma_wait3A_177 = tpu.memref_slice %arg4[%add3A, %dma_wait3A_175, %dma_wait3A_176] : memref<32x20x512xi32, #tpu.memory_space<hbm>> -> memref<1x20x512xi32, #tpu.memory_space<hbm>>
      %dma_wait3A_178 = tpu.memref_squeeze %dma_wait3A_177 : memref<1x20x512xi32, #tpu.memory_space<hbm>> -> memref<20x512xi32, #tpu.memory_space<hbm>>
      %dma_wait3A_179 = arith.constant 0 : i32
      %dma_wait3A_180 = arith.constant 0 : i32
      %dma_wait3A_181 = tpu.memref_slice %arg4[%add3A, %dma_wait3A_179, %dma_wait3A_180] : memref<32x20x512xi32, #tpu.memory_space<hbm>> -> memref<1x20x512xi32, #tpu.memory_space<hbm>>
      %dma_wait3A_182 = tpu.memref_squeeze %dma_wait3A_181 : memref<1x20x512xi32, #tpu.memory_space<hbm>> -> memref<20x512xi32, #tpu.memory_space<hbm>>
      tpu.wait_dma2 semaphore(%run_scoped3A : memref<!tpu.dma_semaphore, #tpu.memory_space<semaphore_mem>>) src(%dma_wait3A_182 : memref<20x512xi32, #tpu.memory_space<hbm>>) dst(%arg7 : memref<20x512xi32, #tpu.memory_space<vmem>>)
      tpu.yield
    }) : () -> ()
    %scan3A = arith.constant 0 : i32
    %scan3A_1 = arith.constant 128 : i32
    %scan3A_2 = arith.addi %scan3A, %scan3A_1 : i32
    %scan3A_3 = arith.constant 1 : i32
    scf.for %scan3A_167 = %scan3A to %scan3A_2 step %scan3A_3  : i32 {
      %mul3A_168 = arith.constant 1 : i32
      %mul3A_169 = arith.muli %scan3A_167, %mul3A_168 : i32
      %add3A_170 = arith.constant 0 : i32
      %add3A_171 = arith.addi %add3A_170, %mul3A_169 : i32
      %scan3A_172 = arith.constant 0 : i32
      %scan3A_173 = arith.constant 4 : i32
      %scan3A_174 = arith.addi %scan3A_172, %scan3A_173 : i32
      %scan3A_175 = arith.constant 1 : i32
      scf.for %scan3A_177 = %scan3A_172 to %scan3A_174 step %scan3A_175  : i32 {
        %mul3A_178 = arith.constant 16 : i32
        %mul3A_179 = arith.muli %scan3A_177, %mul3A_178 : i32
        %add3A_180 = arith.constant 0 : i32
        %add3A_181 = arith.addi %add3A_180, %mul3A_179 : i32
        %broadcast_in_dim3A = arith.constant 0.000000e+00 : f32
        %broadcast_in_dim3A_182 = vector.broadcast %broadcast_in_dim3A : f32 to vector<1x16xf32>
        %swap3A = arith.index_cast %add3A_171 : i32 to index
        %swap3A_183 = arith.index_cast %add3A_181 : i32 to index
        %swap3A_184 = tpu.vector_load %arg8[%swap3A, %swap3A_183] {strides = array<i32>} : memref<512x64xf32, #tpu.memory_space<vmem>>, vector<1x16xf32>,
        %swap3A_185 = vector.shape_cast %swap3A_184 : vector<1x16xf32> to vector<1x16xf32>
        %swap3A_186 = vector.shape_cast %broadcast_in_dim3A_182 : vector<1x16xf32> to vector<1x16xf32>
        tpu.vector_store %arg8[%swap3A, %swap3A_183], %swap3A_186 {strides = array<i32>} : memref<512x64xf32, #tpu.memory_space<vmem>>, vector<1x16xf32>,
      }
      %scan3A_176 = arith.constant 4 : i32
    }
    %scan3A_4 = arith.constant 128 : i32
    %mul3A_5 = arith.constant 640 : i32
    %mul3A_6 = arith.muli %arg1, %mul3A_5 : i32
    %add3A_7 = arith.constant 0 : i32
    %add3A_8 = arith.addi %mul3A_6, %add3A_7 : i32
    %dma_start3A = arith.constant 0 : i32
    %dma_start3A_9 = arith.constant 0 : i32
    %dma_start3A_10 = tpu.memref_slice %arg8[%dma_start3A, %dma_start3A_9] : memref<512x64xf32, #tpu.memory_space<vmem>> -> memref<128x64xf32, #tpu.memory_space<vmem>>
    %dma_start3A_11 = arith.constant 0 : i32
    %dma_start3A_12 = tpu.memref_slice %arg10[%add3A_8, %dma_start3A_11] : memref<10240x64xf32, #tpu.memory_space<vmem_shared>> -> memref<128x64xf32, #tpu.memory_space<vmem_shared>>
    %dma_start3A_13 = arith.constant 0 : i32
    %dma_start3A_14 = tpu.memref_slice %arg10[%add3A_8, %dma_start3A_13] : memref<10240x64xf32, #tpu.memory_space<vmem_shared>> -> memref<128x64xf32, #tpu.memory_space<vmem_shared>>
    %dma_start3A_15 = arith.constant 0 : i32
    %dma_start3A_16 = arith.constant 0 : i32
    %dma_start3A_17 = tpu.memref_slice %arg8[%dma_start3A_15, %dma_start3A_16] : memref<512x64xf32, #tpu.memory_space<vmem>> -> memref<128x64xf32, #tpu.memory_space<vmem>>
    tpu.enqueue_dma source(%dma_start3A_17 : memref<128x64xf32, #tpu.memory_space<vmem>>) target(%dma_start3A_14 : memref<128x64xf32, #tpu.memory_space<vmem_shared>>) target_semaphore(%arg11 : memref<!tpu.dma_semaphore, #tpu.memory_space<semaphore_mem>>)
    %mul3A_18 = arith.constant 640 : i32
    %mul3A_19 = arith.muli %arg1, %mul3A_18 : i32
    %add3A_20 = arith.constant 128 : i32
    %add3A_21 = arith.addi %mul3A_19, %add3A_20 : i32
    %dma_start3A_22 = arith.constant 0 : i32
    %dma_start3A_23 = arith.constant 0 : i32
    %dma_start3A_24 = tpu.memref_slice %arg8[%dma_start3A_22, %dma_start3A_23] : memref<512x64xf32, #tpu.memory_space<vmem>> -> memref<128x64xf32, #tpu.memory_space<vmem>>
    %dma_start3A_25 = arith.constant 0 : i32
    %dma_start3A_26 = tpu.memref_slice %arg10[%add3A_21, %dma_start3A_25] : memref<10240x64xf32, #tpu.memory_space<vmem_shared>> -> memref<128x64xf32, #tpu.memory_space<vmem_shared>>
    %dma_start3A_27 = arith.constant 0 : i32
    %dma_start3A_28 = tpu.memref_slice %arg10[%add3A_21, %dma_start3A_27] : memref<10240x64xf32, #tpu.memory_space<vmem_shared>> -> memref<128x64xf32, #tpu.memory_space<vmem_shared>>
    %dma_start3A_29 = arith.constant 0 : i32
    %dma_start3A_30 = arith.constant 0 : i32
    %dma_start3A_31 = tpu.memref_slice %arg8[%dma_start3A_29, %dma_start3A_30] : memref<512x64xf32, #tpu.memory_space<vmem>> -> memref<128x64xf32, #tpu.memory_space<vmem>>
    tpu.enqueue_dma source(%dma_start3A_31 : memref<128x64xf32, #tpu.memory_space<vmem>>) target(%dma_start3A_28 : memref<128x64xf32, #tpu.memory_space<vmem_shared>>) target_semaphore(%arg11 : memref<!tpu.dma_semaphore, #tpu.memory_space<semaphore_mem>>)
    %mul3A_32 = arith.constant 640 : i32
    %mul3A_33 = arith.muli %arg1, %mul3A_32 : i32
    %add3A_34 = arith.constant 256 : i32
    %add3A_35 = arith.addi %mul3A_33, %add3A_34 : i32
    %dma_start3A_36 = arith.constant 0 : i32
    %dma_start3A_37 = arith.constant 0 : i32
    %dma_start3A_38 = tpu.memref_slice %arg8[%dma_start3A_36, %dma_start3A_37] : memref<512x64xf32, #tpu.memory_space<vmem>> -> memref<128x64xf32, #tpu.memory_space<vmem>>
    %dma_start3A_39 = arith.constant 0 : i32
    %dma_start3A_40 = tpu.memref_slice %arg10[%add3A_35, %dma_start3A_39] : memref<10240x64xf32, #tpu.memory_space<vmem_shared>> -> memref<128x64xf32, #tpu.memory_space<vmem_shared>>
    %dma_start3A_41 = arith.constant 0 : i32
    %dma_start3A_42 = tpu.memref_slice %arg10[%add3A_35, %dma_start3A_41] : memref<10240x64xf32, #tpu.memory_space<vmem_shared>> -> memref<128x64xf32, #tpu.memory_space<vmem_shared>>
    %dma_start3A_43 = arith.constant 0 : i32
    %dma_start3A_44 = arith.constant 0 : i32
    %dma_start3A_45 = tpu.memref_slice %arg8[%dma_start3A_43, %dma_start3A_44] : memref<512x64xf32, #tpu.memory_space<vmem>> -> memref<128x64xf32, #tpu.memory_space<vmem>>
    tpu.enqueue_dma source(%dma_start3A_45 : memref<128x64xf32, #tpu.memory_space<vmem>>) target(%dma_start3A_42 : memref<128x64xf32, #tpu.memory_space<vmem_shared>>) target_semaphore(%arg11 : memref<!tpu.dma_semaphore, #tpu.memory_space<semaphore_mem>>)
    %mul3A_46 = arith.constant 640 : i32
    %mul3A_47 = arith.muli %arg1, %mul3A_46 : i32
    %add3A_48 = arith.constant 384 : i32
    %add3A_49 = arith.addi %mul3A_47, %add3A_48 : i32
    %dma_start3A_50 = arith.constant 0 : i32
    %dma_start3A_51 = arith.constant 0 : i32
    %dma_start3A_52 = tpu.memref_slice %arg8[%dma_start3A_50, %dma_start3A_51] : memref<512x64xf32, #tpu.memory_space<vmem>> -> memref<128x64xf32, #tpu.memory_space<vmem>>
    %dma_start3A_53 = arith.constant 0 : i32
    %dma_start3A_54 = tpu.memref_slice %arg10[%add3A_49, %dma_start3A_53] : memref<10240x64xf32, #tpu.memory_space<vmem_shared>> -> memref<128x64xf32, #tpu.memory_space<vmem_shared>>
    %dma_start3A_55 = arith.constant 0 : i32
    %dma_start3A_56 = tpu.memref_slice %arg10[%add3A_49, %dma_start3A_55] : memref<10240x64xf32, #tpu.memory_space<vmem_shared>> -> memref<128x64xf32, #tpu.memory_space<vmem_shared>>
    %dma_start3A_57 = arith.constant 0 : i32
    %dma_start3A_58 = arith.constant 0 : i32
    %dma_start3A_59 = tpu.memref_slice %arg8[%dma_start3A_57, %dma_start3A_58] : memref<512x64xf32, #tpu.memory_space<vmem>> -> memref<128x64xf32, #tpu.memory_space<vmem>>
    tpu.enqueue_dma source(%dma_start3A_59 : memref<128x64xf32, #tpu.memory_space<vmem>>) target(%dma_start3A_56 : memref<128x64xf32, #tpu.memory_space<vmem_shared>>) target_semaphore(%arg11 : memref<!tpu.dma_semaphore, #tpu.memory_space<semaphore_mem>>)
    %mul3A_60 = arith.constant 640 : i32
    %mul3A_61 = arith.muli %arg1, %mul3A_60 : i32
    %add3A_62 = arith.constant 512 : i32
    %add3A_63 = arith.addi %mul3A_61, %add3A_62 : i32
    %dma_start3A_64 = arith.constant 0 : i32
    %dma_start3A_65 = arith.constant 0 : i32
    %dma_start3A_66 = tpu.memref_slice %arg8[%dma_start3A_64, %dma_start3A_65] : memref<512x64xf32, #tpu.memory_space<vmem>> -> memref<128x64xf32, #tpu.memory_space<vmem>>
    %dma_start3A_67 = arith.constant 0 : i32
    %dma_start3A_68 = tpu.memref_slice %arg10[%add3A_63, %dma_start3A_67] : memref<10240x64xf32, #tpu.memory_space<vmem_shared>> -> memref<128x64xf32, #tpu.memory_space<vmem_shared>>
    %dma_start3A_69 = arith.constant 0 : i32
    %dma_start3A_70 = tpu.memref_slice %arg10[%add3A_63, %dma_start3A_69] : memref<10240x64xf32, #tpu.memory_space<vmem_shared>> -> memref<128x64xf32, #tpu.memory_space<vmem_shared>>
    %dma_start3A_71 = arith.constant 0 : i32
    %dma_start3A_72 = arith.constant 0 : i32
    %dma_start3A_73 = tpu.memref_slice %arg8[%dma_start3A_71, %dma_start3A_72] : memref<512x64xf32, #tpu.memory_space<vmem>> -> memref<128x64xf32, #tpu.memory_space<vmem>>
    tpu.enqueue_dma source(%dma_start3A_73 : memref<128x64xf32, #tpu.memory_space<vmem>>) target(%dma_start3A_70 : memref<128x64xf32, #tpu.memory_space<vmem_shared>>) target_semaphore(%arg11 : memref<!tpu.dma_semaphore, #tpu.memory_space<semaphore_mem>>)
    %mul3A_74 = arith.constant 640 : i32
    %mul3A_75 = arith.muli %arg1, %mul3A_74 : i32
    %add3A_76 = arith.constant 0 : i32
    %add3A_77 = arith.addi %mul3A_75, %add3A_76 : i32
    %dma_wait3A = arith.constant 0 : i32
    %dma_wait3A_78 = arith.constant 0 : i32
    %dma_wait3A_79 = tpu.memref_slice %arg8[%dma_wait3A, %dma_wait3A_78] : memref<512x64xf32, #tpu.memory_space<vmem>> -> memref<128x64xf32, #tpu.memory_space<vmem>>
    %dma_wait3A_80 = arith.constant 0 : i32
    %dma_wait3A_81 = tpu.memref_slice %arg10[%add3A_77, %dma_wait3A_80] : memref<10240x64xf32, #tpu.memory_space<vmem_shared>> -> memref<128x64xf32, #tpu.memory_space<vmem_shared>>
    %dma_wait3A_82 = arith.constant 0 : i32
    %dma_wait3A_83 = tpu.memref_slice %arg10[%add3A_77, %dma_wait3A_82] : memref<10240x64xf32, #tpu.memory_space<vmem_shared>> -> memref<128x64xf32, #tpu.memory_space<vmem_shared>>
    %dma_wait3A_84 = arith.constant 0 : i32
    %dma_wait3A_85 = arith.constant 0 : i32
    %dma_wait3A_86 = tpu.memref_slice %arg8[%dma_wait3A_84, %dma_wait3A_85] : memref<512x64xf32, #tpu.memory_space<vmem>> -> memref<128x64xf32, #tpu.memory_space<vmem>>
    tpu.wait_dma2 semaphore(%arg11 : memref<!tpu.dma_semaphore, #tpu.memory_space<semaphore_mem>>) src(%dma_wait3A_86 : memref<128x64xf32, #tpu.memory_space<vmem>>) dst(%dma_wait3A_83 : memref<128x64xf32, #tpu.memory_space<vmem_shared>>)
    %mul3A_87 = arith.constant 640 : i32
    %mul3A_88 = arith.muli %arg1, %mul3A_87 : i32
    %add3A_89 = arith.constant 128 : i32
    %add3A_90 = arith.addi %mul3A_88, %add3A_89 : i32
    %dma_wait3A_91 = arith.constant 0 : i32
    %dma_wait3A_92 = arith.constant 0 : i32
    %dma_wait3A_93 = tpu.memref_slice %arg8[%dma_wait3A_91, %dma_wait3A_92] : memref<512x64xf32, #tpu.memory_space<vmem>> -> memref<128x64xf32, #tpu.memory_space<vmem>>
    %dma_wait3A_94 = arith.constant 0 : i32
    %dma_wait3A_95 = tpu.memref_slice %arg10[%add3A_90, %dma_wait3A_94] : memref<10240x64xf32, #tpu.memory_space<vmem_shared>> -> memref<128x64xf32, #tpu.memory_space<vmem_shared>>
    %dma_wait3A_96 = arith.constant 0 : i32
    %dma_wait3A_97 = tpu.memref_slice %arg10[%add3A_90, %dma_wait3A_96] : memref<10240x64xf32, #tpu.memory_space<vmem_shared>> -> memref<128x64xf32, #tpu.memory_space<vmem_shared>>
    %dma_wait3A_98 = arith.constant 0 : i32
    %dma_wait3A_99 = arith.constant 0 : i32
    %dma_wait3A_100 = tpu.memref_slice %arg8[%dma_wait3A_98, %dma_wait3A_99] : memref<512x64xf32, #tpu.memory_space<vmem>> -> memref<128x64xf32, #tpu.memory_space<vmem>>
    tpu.wait_dma2 semaphore(%arg11 : memref<!tpu.dma_semaphore, #tpu.memory_space<semaphore_mem>>) src(%dma_wait3A_100 : memref<128x64xf32, #tpu.memory_space<vmem>>) dst(%dma_wait3A_97 : memref<128x64xf32, #tpu.memory_space<vmem_shared>>)
    %mul3A_101 = arith.constant 640 : i32
    %mul3A_102 = arith.muli %arg1, %mul3A_101 : i32
    %add3A_103 = arith.constant 256 : i32
    %add3A_104 = arith.addi %mul3A_102, %add3A_103 : i32
    %dma_wait3A_105 = arith.constant 0 : i32
    %dma_wait3A_106 = arith.constant 0 : i32
    %dma_wait3A_107 = tpu.memref_slice %arg8[%dma_wait3A_105, %dma_wait3A_106] : memref<512x64xf32, #tpu.memory_space<vmem>> -> memref<128x64xf32, #tpu.memory_space<vmem>>
    %dma_wait3A_108 = arith.constant 0 : i32
    %dma_wait3A_109 = tpu.memref_slice %arg10[%add3A_104, %dma_wait3A_108] : memref<10240x64xf32, #tpu.memory_space<vmem_shared>> -> memref<128x64xf32, #tpu.memory_space<vmem_shared>>
    %dma_wait3A_110 = arith.constant 0 : i32
    %dma_wait3A_111 = tpu.memref_slice %arg10[%add3A_104, %dma_wait3A_110] : memref<10240x64xf32, #tpu.memory_space<vmem_shared>> -> memref<128x64xf32, #tpu.memory_space<vmem_shared>>
    %dma_wait3A_112 = arith.constant 0 : i32
    %dma_wait3A_113 = arith.constant 0 : i32
    %dma_wait3A_114 = tpu.memref_slice %arg8[%dma_wait3A_112, %dma_wait3A_113] : memref<512x64xf32, #tpu.memory_space<vmem>> -> memref<128x64xf32, #tpu.memory_space<vmem>>
    tpu.wait_dma2 semaphore(%arg11 : memref<!tpu.dma_semaphore, #tpu.memory_space<semaphore_mem>>) src(%dma_wait3A_114 : memref<128x64xf32, #tpu.memory_space<vmem>>) dst(%dma_wait3A_111 : memref<128x64xf32, #tpu.memory_space<vmem_shared>>)
    %mul3A_115 = arith.constant 640 : i32
    %mul3A_116 = arith.muli %arg1, %mul3A_115 : i32
    %add3A_117 = arith.constant 384 : i32
    %add3A_118 = arith.addi %mul3A_116, %add3A_117 : i32
    %dma_wait3A_119 = arith.constant 0 : i32
    %dma_wait3A_120 = arith.constant 0 : i32
    %dma_wait3A_121 = tpu.memref_slice %arg8[%dma_wait3A_119, %dma_wait3A_120] : memref<512x64xf32, #tpu.memory_space<vmem>> -> memref<128x64xf32, #tpu.memory_space<vmem>>
    %dma_wait3A_122 = arith.constant 0 : i32
    %dma_wait3A_123 = tpu.memref_slice %arg10[%add3A_118, %dma_wait3A_122] : memref<10240x64xf32, #tpu.memory_space<vmem_shared>> -> memref<128x64xf32, #tpu.memory_space<vmem_shared>>
    %dma_wait3A_124 = arith.constant 0 : i32
    %dma_wait3A_125 = tpu.memref_slice %arg10[%add3A_118, %dma_wait3A_124] : memref<10240x64xf32, #tpu.memory_space<vmem_shared>> -> memref<128x64xf32, #tpu.memory_space<vmem_shared>>
    %dma_wait3A_126 = arith.constant 0 : i32
    %dma_wait3A_127 = arith.constant 0 : i32
    %dma_wait3A_128 = tpu.memref_slice %arg8[%dma_wait3A_126, %dma_wait3A_127] : memref<512x64xf32, #tpu.memory_space<vmem>> -> memref<128x64xf32, #tpu.memory_space<vmem>>
    tpu.wait_dma2 semaphore(%arg11 : memref<!tpu.dma_semaphore, #tpu.memory_space<semaphore_mem>>) src(%dma_wait3A_128 : memref<128x64xf32, #tpu.memory_space<vmem>>) dst(%dma_wait3A_125 : memref<128x64xf32, #tpu.memory_space<vmem_shared>>)
    %mul3A_129 = arith.constant 640 : i32
    %mul3A_130 = arith.muli %arg1, %mul3A_129 : i32
    %add3A_131 = arith.constant 512 : i32
    %add3A_132 = arith.addi %mul3A_130, %add3A_131 : i32
    %dma_wait3A_133 = arith.constant 0 : i32
    %dma_wait3A_134 = arith.constant 0 : i32
    %dma_wait3A_135 = tpu.memref_slice %arg8[%dma_wait3A_133, %dma_wait3A_134] : memref<512x64xf32, #tpu.memory_space<vmem>> -> memref<128x64xf32, #tpu.memory_space<vmem>>
    %dma_wait3A_136 = arith.constant 0 : i32
    %dma_wait3A_137 = tpu.memref_slice %arg10[%add3A_132, %dma_wait3A_136] : memref<10240x64xf32, #tpu.memory_space<vmem_shared>> -> memref<128x64xf32, #tpu.memory_space<vmem_shared>>
    %dma_wait3A_138 = arith.constant 0 : i32
    %dma_wait3A_139 = tpu.memref_slice %arg10[%add3A_132, %dma_wait3A_138] : memref<10240x64xf32, #tpu.memory_space<vmem_shared>> -> memref<128x64xf32, #tpu.memory_space<vmem_shared>>
    %dma_wait3A_140 = arith.constant 0 : i32
    %dma_wait3A_141 = arith.constant 0 : i32
    %dma_wait3A_142 = tpu.memref_slice %arg8[%dma_wait3A_140, %dma_wait3A_141] : memref<512x64xf32, #tpu.memory_space<vmem>> -> memref<128x64xf32, #tpu.memory_space<vmem>>
    tpu.wait_dma2 semaphore(%arg11 : memref<!tpu.dma_semaphore, #tpu.memory_space<semaphore_mem>>) src(%dma_wait3A_142 : memref<128x64xf32, #tpu.memory_space<vmem>>) dst(%dma_wait3A_139 : memref<128x64xf32, #tpu.memory_space<vmem_shared>>)
    %barrier3A = arith.constant 0 : index
    tpu.barrier barrier_id(%barrier3A)
    %dma_start3A_143 = arith.constant 0 : i32
    %dma_start3A_144 = arith.constant 0 : i32
    %dma_start3A_145 = tpu.memref_slice %arg6[%dma_start3A_143, %dma_start3A_144] : memref<20x512xi32, #tpu.memory_space<vmem>> -> memref<1x512xi32, #tpu.memory_space<vmem>>
    %dma_start3A_146 = tpu.memref_squeeze %dma_start3A_145 : memref<1x512xi32, #tpu.memory_space<vmem>> -> memref<512xi32, #tpu.memory_space<vmem>>
    %dma_start3A_147 = arith.constant 0 : i32
    %dma_start3A_148 = arith.constant 0 : i32
    %dma_start3A_149 = tpu.memref_slice %arg2[%dma_start3A_147, %dma_start3A_148] : memref<20000x64xf32, #tpu.memory_space<hbm>> -> memref<20000x64xf32, #tpu.memory_space<hbm>>
    tpu.enqueue_indirect_dma source(%dma_start3A_149 : memref<20000x64xf32, #tpu.memory_space<hbm>>) target(%arg8 : memref<512x64xf32, #tpu.memory_space<vmem>>) offsets(%dma_start3A_146 : memref<512xi32, #tpu.memory_space<vmem>>) semaphore(%arg11 : memref<!tpu.dma_semaphore, #tpu.memory_space<semaphore_mem>>)
    %dma_start3A_150 = arith.constant 1 : i32
    %dma_start3A_151 = arith.constant 0 : i32
    %dma_start3A_152 = tpu.memref_slice %arg6[%dma_start3A_150, %dma_start3A_151] : memref<20x512xi32, #tpu.memory_space<vmem>> -> memref<1x512xi32, #tpu.memory_space<vmem>>
    %dma_start3A_153 = tpu.memref_squeeze %dma_start3A_152 : memref<1x512xi32, #tpu.memory_space<vmem>> -> memref<512xi32, #tpu.memory_space<vmem>>
    %dma_start3A_154 = arith.constant 0 : i32
    %dma_start3A_155 = arith.constant 0 : i32
    %dma_start3A_156 = tpu.memref_slice %arg2[%dma_start3A_154, %dma_start3A_155] : memref<20000x64xf32, #tpu.memory_space<hbm>> -> memref<20000x64xf32, #tpu.memory_space<hbm>>
    tpu.enqueue_indirect_dma source(%dma_start3A_156 : memref<20000x64xf32, #tpu.memory_space<hbm>>) target(%arg9 : memref<512x64xf32, #tpu.memory_space<vmem>>) offsets(%dma_start3A_153 : memref<512xi32, #tpu.memory_space<vmem>>) semaphore(%arg12 : memref<!tpu.dma_semaphore, #tpu.memory_space<semaphore_mem>>)
    %scan3A_157 = arith.constant 0 : i32
    %scan3A_158 = arith.constant 10 : i32
    %scan3A_159 = arith.addi %scan3A_157, %scan3A_158 : i32
    %scan3A_160 = arith.constant 1 : i32
    scf.for %scan3A_167 = %scan3A_157 to %scan3A_159 step %scan3A_160  : i32 {
      %mul3A_168 = arith.constant 2 : i32
      %mul3A_169 = arith.muli %scan3A_167, %mul3A_168 : i32
      %add3A_170 = arith.constant 0 : i32
      %add3A_171 = arith.addi %add3A_170, %mul3A_169 : i32
      %add3A_172 = arith.constant 0 : i32
      %add3A_173 = arith.addi %add3A_171, %add3A_172 : i32
      %dma_wait3A_174 = arith.constant 0 : i32
      %dma_wait3A_175 = tpu.memref_slice %arg6[%add3A_173, %dma_wait3A_174] : memref<20x512xi32, #tpu.memory_space<vmem>> -> memref<1x512xi32, #tpu.memory_space<vmem>>
      %dma_wait3A_176 = tpu.memref_squeeze %dma_wait3A_175 : memref<1x512xi32, #tpu.memory_space<vmem>> -> memref<512xi32, #tpu.memory_space<vmem>>
      %dma_wait3A_177 = arith.constant 0 : i32
      %dma_wait3A_178 = arith.constant 0 : i32
      %dma_wait3A_179 = tpu.memref_slice %arg2[%dma_wait3A_177, %dma_wait3A_178] : memref<20000x64xf32, #tpu.memory_space<hbm>> -> memref<20000x64xf32, #tpu.memory_space<hbm>>
      tpu.wait_indirect_dma semaphore(%arg11 : memref<!tpu.dma_semaphore, #tpu.memory_space<semaphore_mem>>) src(%dma_wait3A_179 : memref<20000x64xf32, #tpu.memory_space<hbm>>) dst(%arg8 : memref<512x64xf32, #tpu.memory_space<vmem>>)
      %dma_start3A_180 = arith.constant 0 : i32
      %dma_start3A_181 = tpu.memref_slice %arg7[%add3A_173, %dma_start3A_180] : memref<20x512xi32, #tpu.memory_space<vmem>> -> memref<1x512xi32, #tpu.memory_space<vmem>>
      %dma_start3A_182 = tpu.memref_squeeze %dma_start3A_181 : memref<1x512xi32, #tpu.memory_space<vmem>> -> memref<512xi32, #tpu.memory_space<vmem>>
      %dma_start3A_183 = arith.constant 0 : i32
      %dma_start3A_184 = arith.constant 0 : i32
      %dma_start3A_185 = tpu.memref_slice %arg10[%dma_start3A_183, %dma_start3A_184] : memref<10240x64xf32, #tpu.memory_space<vmem_shared>> -> memref<10240x64xf32, #tpu.memory_space<vmem_shared>>
      tpu.enqueue_indirect_dma source(%arg8 : memref<512x64xf32, #tpu.memory_space<vmem>>) target(%dma_start3A_185 : memref<10240x64xf32, #tpu.memory_space<vmem_shared>>) offsets(%dma_start3A_182 : memref<512xi32, #tpu.memory_space<vmem>>) semaphore(%arg13 : memref<!tpu.dma_semaphore, #tpu.memory_space<semaphore_mem>>) {add = true}
      %dma_wait3A_186 = arith.constant 0 : i32
      %dma_wait3A_187 = tpu.memref_slice %arg7[%add3A_173, %dma_wait3A_186] : memref<20x512xi32, #tpu.memory_space<vmem>> -> memref<1x512xi32, #tpu.memory_space<vmem>>
      %dma_wait3A_188 = tpu.memref_squeeze %dma_wait3A_187 : memref<1x512xi32, #tpu.memory_space<vmem>> -> memref<512xi32, #tpu.memory_space<vmem>>
      %dma_wait3A_189 = arith.constant 0 : i32
      %dma_wait3A_190 = arith.constant 0 : i32
      %dma_wait3A_191 = tpu.memref_slice %arg10[%dma_wait3A_189, %dma_wait3A_190] : memref<10240x64xf32, #tpu.memory_space<vmem_shared>> -> memref<10240x64xf32, #tpu.memory_space<vmem_shared>>
      tpu.wait_indirect_dma semaphore(%arg13 : memref<!tpu.dma_semaphore, #tpu.memory_space<semaphore_mem>>) src(%arg8 : memref<512x64xf32, #tpu.memory_space<vmem>>) dst(%dma_wait3A_191 : memref<10240x64xf32, #tpu.memory_space<vmem_shared>>)
      %add3A_192 = arith.constant 2 : i32
      %add3A_193 = arith.addi %add3A_173, %add3A_192 : i32
      %lt3A = arith.constant 20 : i32
      %lt3A_194 = arith.cmpi slt, %add3A_193, %lt3A : i32
      %convert_element_type3A = arith.extui %lt3A_194 : i1 to i32
      %cond3A = arith.constant 0 : i32
      %cond3A_195 = arith.cmpi ne, %convert_element_type3A, %cond3A : i32
      scf.if %cond3A_195 {
        %add3A_223 = arith.constant 2 : i32
        %add3A_224 = arith.addi %add3A_173, %add3A_223 : i32
        %dma_start3A_225 = arith.constant 0 : i32
        %dma_start3A_226 = tpu.memref_slice %arg6[%add3A_224, %dma_start3A_225] : memref<20x512xi32, #tpu.memory_space<vmem>> -> memref<1x512xi32, #tpu.memory_space<vmem>>
        %dma_start3A_227 = tpu.memref_squeeze %dma_start3A_226 : memref<1x512xi32, #tpu.memory_space<vmem>> -> memref<512xi32, #tpu.memory_space<vmem>>
        %dma_start3A_228 = arith.constant 0 : i32
        %dma_start3A_229 = arith.constant 0 : i32
        %dma_start3A_230 = tpu.memref_slice %arg2[%dma_start3A_228, %dma_start3A_229] : memref<20000x64xf32, #tpu.memory_space<hbm>> -> memref<20000x64xf32, #tpu.memory_space<hbm>>
        tpu.enqueue_indirect_dma source(%dma_start3A_230 : memref<20000x64xf32, #tpu.memory_space<hbm>>) target(%arg8 : memref<512x64xf32, #tpu.memory_space<vmem>>) offsets(%dma_start3A_227 : memref<512xi32, #tpu.memory_space<vmem>>) semaphore(%arg11 : memref<!tpu.dma_semaphore, #tpu.memory_space<semaphore_mem>>)
      } else {
      }
      %add3A_196 = arith.constant 1 : i32
      %add3A_197 = arith.addi %add3A_171, %add3A_196 : i32
      %dma_wait3A_198 = arith.constant 0 : i32
      %dma_wait3A_199 = tpu.memref_slice %arg6[%add3A_197, %dma_wait3A_198] : memref<20x512xi32, #tpu.memory_space<vmem>> -> memref<1x512xi32, #tpu.memory_space<vmem>>
      %dma_wait3A_200 = tpu.memref_squeeze %dma_wait3A_199 : memref<1x512xi32, #tpu.memory_space<vmem>> -> memref<512xi32, #tpu.memory_space<vmem>>
      %dma_wait3A_201 = arith.constant 0 : i32
      %dma_wait3A_202 = arith.constant 0 : i32
      %dma_wait3A_203 = tpu.memref_slice %arg2[%dma_wait3A_201, %dma_wait3A_202] : memref<20000x64xf32, #tpu.memory_space<hbm>> -> memref<20000x64xf32, #tpu.memory_space<hbm>>
      tpu.wait_indirect_dma semaphore(%arg12 : memref<!tpu.dma_semaphore, #tpu.memory_space<semaphore_mem>>) src(%dma_wait3A_203 : memref<20000x64xf32, #tpu.memory_space<hbm>>) dst(%arg9 : memref<512x64xf32, #tpu.memory_space<vmem>>)
      %dma_start3A_204 = arith.constant 0 : i32
      %dma_start3A_205 = tpu.memref_slice %arg7[%add3A_197, %dma_start3A_204] : memref<20x512xi32, #tpu.memory_space<vmem>> -> memref<1x512xi32, #tpu.memory_space<vmem>>
      %dma_start3A_206 = tpu.memref_squeeze %dma_start3A_205 : memref<1x512xi32, #tpu.memory_space<vmem>> -> memref<512xi32, #tpu.memory_space<vmem>>
      %dma_start3A_207 = arith.constant 0 : i32
      %dma_start3A_208 = arith.constant 0 : i32
      %dma_start3A_209 = tpu.memref_slice %arg10[%dma_start3A_207, %dma_start3A_208] : memref<10240x64xf32, #tpu.memory_space<vmem_shared>> -> memref<10240x64xf32, #tpu.memory_space<vmem_shared>>
      tpu.enqueue_indirect_dma source(%arg9 : memref<512x64xf32, #tpu.memory_space<vmem>>) target(%dma_start3A_209 : memref<10240x64xf32, #tpu.memory_space<vmem_shared>>) offsets(%dma_start3A_206 : memref<512xi32, #tpu.memory_space<vmem>>) semaphore(%arg14 : memref<!tpu.dma_semaphore, #tpu.memory_space<semaphore_mem>>) {add = true}
      %dma_wait3A_210 = arith.constant 0 : i32
      %dma_wait3A_211 = tpu.memref_slice %arg7[%add3A_197, %dma_wait3A_210] : memref<20x512xi32, #tpu.memory_space<vmem>> -> memref<1x512xi32, #tpu.memory_space<vmem>>
      %dma_wait3A_212 = tpu.memref_squeeze %dma_wait3A_211 : memref<1x512xi32, #tpu.memory_space<vmem>> -> memref<512xi32, #tpu.memory_space<vmem>>
      %dma_wait3A_213 = arith.constant 0 : i32
      %dma_wait3A_214 = arith.constant 0 : i32
      %dma_wait3A_215 = tpu.memref_slice %arg10[%dma_wait3A_213, %dma_wait3A_214] : memref<10240x64xf32, #tpu.memory_space<vmem_shared>> -> memref<10240x64xf32, #tpu.memory_space<vmem_shared>>
      tpu.wait_indirect_dma semaphore(%arg14 : memref<!tpu.dma_semaphore, #tpu.memory_space<semaphore_mem>>) src(%arg9 : memref<512x64xf32, #tpu.memory_space<vmem>>) dst(%dma_wait3A_215 : memref<10240x64xf32, #tpu.memory_space<vmem_shared>>)
      %add3A_216 = arith.constant 2 : i32
      %add3A_217 = arith.addi %add3A_197, %add3A_216 : i32
      %lt3A_218 = arith.constant 20 : i32
      %lt3A_219 = arith.cmpi slt, %add3A_217, %lt3A_218 : i32
      %convert_element_type3A_220 = arith.extui %lt3A_219 : i1 to i32
      %cond3A_221 = arith.constant 0 : i32
      %cond3A_222 = arith.cmpi ne, %convert_element_type3A_220, %cond3A_221 : i32
      scf.if %cond3A_222 {
        %add3A_223 = arith.constant 2 : i32
        %add3A_224 = arith.addi %add3A_197, %add3A_223 : i32
        %dma_start3A_225 = arith.constant 0 : i32
        %dma_start3A_226 = tpu.memref_slice %arg6[%add3A_224, %dma_start3A_225] : memref<20x512xi32, #tpu.memory_space<vmem>> -> memref<1x512xi32, #tpu.memory_space<vmem>>
        %dma_start3A_227 = tpu.memref_squeeze %dma_start3A_226 : memref<1x512xi32, #tpu.memory_space<vmem>> -> memref<512xi32, #tpu.memory_space<vmem>>
        %dma_start3A_228 = arith.constant 0 : i32
        %dma_start3A_229 = arith.constant 0 : i32
        %dma_start3A_230 = tpu.memref_slice %arg2[%dma_start3A_228, %dma_start3A_229] : memref<20000x64xf32, #tpu.memory_space<hbm>> -> memref<20000x64xf32, #tpu.memory_space<hbm>>
        tpu.enqueue_indirect_dma source(%dma_start3A_230 : memref<20000x64xf32, #tpu.memory_space<hbm>>) target(%arg9 : memref<512x64xf32, #tpu.memory_space<vmem>>) offsets(%dma_start3A_227 : memref<512xi32, #tpu.memory_space<vmem>>) semaphore(%arg12 : memref<!tpu.dma_semaphore, #tpu.memory_space<semaphore_mem>>)
      } else {
      }
    }
    %scan3A_161 = arith.constant 10 : i32
    %barrier3A_162 = arith.constant 0 : index
    tpu.barrier barrier_id(%barrier3A_162)
    %mul3A_163 = arith.constant 625 : i32
    %mul3A_164 = arith.muli %arg1, %mul3A_163 : i32
    %mul3A_165 = arith.constant 625 : i32
    %mul3A_166 = arith.muli %arg1, %mul3A_165 : i32
    "tpu.region"() ({
      %run_scoped3A = tpu.sem_alloc : memref<!tpu.dma_semaphore, #tpu.memory_space<semaphore_mem>>
      %dma_start3A_167 = arith.constant 0 : i32
      %dma_start3A_168 = arith.constant 0 : i32
      %dma_start3A_169 = tpu.memref_slice %arg5[%arg0, %dma_start3A_167, %dma_start3A_168] : memref<2x10000x64xf32, #tpu.memory_space<hbm>> -> memref<1x10000x64xf32, #tpu.memory_space<hbm>>
      %dma_start3A_170 = tpu.memref_squeeze %dma_start3A_169 : memref<1x10000x64xf32, #tpu.memory_space<hbm>> -> memref<10000x64xf32, #tpu.memory_space<hbm>>
      %dma_start3A_171 = arith.constant 0 : i32
      %dma_start3A_172 = tpu.memref_slice %dma_start3A_170[%mul3A_166, %dma_start3A_171] : memref<10000x64xf32, #tpu.memory_space<hbm>> -> memref<625x64xf32, #tpu.memory_space<hbm>>
      %dma_start3A_173 = arith.constant 0 : i32
      %dma_start3A_174 = tpu.memref_slice %arg10[%mul3A_164, %dma_start3A_173] : memref<10240x64xf32, #tpu.memory_space<vmem_shared>> -> memref<625x64xf32, #tpu.memory_space<vmem_shared>>
      tpu.enqueue_dma source(%dma_start3A_174 : memref<625x64xf32, #tpu.memory_space<vmem_shared>>) target(%dma_start3A_172 : memref<625x64xf32, #tpu.memory_space<hbm>>) target_semaphore(%run_scoped3A : memref<!tpu.dma_semaphore, #tpu.memory_space<semaphore_mem>>)
      %dma_wait3A_175 = arith.constant 0 : i32
      %dma_wait3A_176 = arith.constant 0 : i32
      %dma_wait3A_177 = tpu.memref_slice %arg5[%arg0, %dma_wait3A_175, %dma_wait3A_176] : memref<2x10000x64xf32, #tpu.memory_space<hbm>> -> memref<1x10000x64xf32, #tpu.memory_space<hbm>>
      %dma_wait3A_178 = tpu.memref_squeeze %dma_wait3A_177 : memref<1x10000x64xf32, #tpu.memory_space<hbm>> -> memref<10000x64xf32, #tpu.memory_space<hbm>>
      %dma_wait3A_179 = arith.constant 0 : i32
      %dma_wait3A_180 = tpu.memref_slice %dma_wait3A_178[%mul3A_166, %dma_wait3A_179] : memref<10000x64xf32, #tpu.memory_space<hbm>> -> memref<625x64xf32, #tpu.memory_space<hbm>>
      %dma_wait3A_181 = arith.constant 0 : i32
      %dma_wait3A_182 = tpu.memref_slice %arg10[%mul3A_164, %dma_wait3A_181] : memref<10240x64xf32, #tpu.memory_space<vmem_shared>> -> memref<625x64xf32, #tpu.memory_space<vmem_shared>>
      tpu.wait_dma2 semaphore(%run_scoped3A : memref<!tpu.dma_semaphore, #tpu.memory_space<semaphore_mem>>) src(%dma_wait3A_182 : memref<625x64xf32, #tpu.memory_space<vmem_shared>>) dst(%dma_wait3A_180 : memref<625x64xf32, #tpu.memory_space<hbm>>)
      tpu.yield
    }) : () -> ()
    return
  }
}

#map = affine_map<(d0, d1) -> (0, 0)>
#map1 = affine_map<(d0, d1) -> (0, 0, 0)>
module attributes {stable_mosaic.version = 14 : i64} {
  func.func @k(%arg0: i32, %arg1: i32, %arg2: memref<10000x80xf32, #tpu.memory_space<hbm>>, %arg3: memref<32x5x512xi32, #tpu.memory_space<hbm>>, %arg4: memref<32x20x512xi32, #tpu.memory_space<hbm>>, %arg5: memref<81920x80xf32, #tpu.memory_space<hbm>>, %arg6: memref<2x10000x16xf32, #tpu.memory_space<hbm>>, %arg7: memref<5x512xi32, #tpu.memory_space<vmem>>, %arg8: memref<20x512xi32, #tpu.memory_space<vmem>>, %arg9: memref<512x80xf32, #tpu.memory_space<vmem>>, %arg10: memref<512x80xf32, #tpu.memory_space<vmem>>, %arg11: memref<512x16xf32, #tpu.memory_space<vmem>>, %arg12: memref<10240x16xf32, #tpu.memory_space<vmem_shared>>, %arg13: memref<!tpu.dma_semaphore, #tpu.memory_space<semaphore_mem>>, %arg14: memref<!tpu.dma_semaphore, #tpu.memory_space<semaphore_mem>>, %arg15: memref<!tpu.dma_semaphore, #tpu.memory_space<semaphore_mem>>, %arg16: memref<!tpu.dma_semaphore, #tpu.memory_space<semaphore_mem>>, %arg17: memref<!tpu.dma_semaphore, #tpu.memory_space<semaphore_mem>>) attributes {dimension_semantics = [#tpu.dimension_semantics<core_parallel>, #tpu.dimension_semantics<subcore_parallel>], iteration_bounds = array<i64: 2, 16>, scalar_prefetch = 0 : i64, scratch_operands = 11 : i64, tpu.core_type = #tpu.core_type<sc_vector_subcore>, window_params = [{transform_indices = #map}, {transform_indices = #map1}, {transform_indices = #map1}, {transform_indices = #map}, {transform_indices = #map1}]} {
    %mul3A = arith.constant 16 : i32
    %mul3A_0 = arith.muli %arg0, %mul3A : i32
    %add3A = arith.addi %mul3A_0, %arg1 : i32
    "tpu.region"() ({
      %run_scoped3A = tpu.sem_alloc : memref<!tpu.dma_semaphore, #tpu.memory_space<semaphore_mem>>
      %dma_start3A_176 = arith.constant 0 : i32
      %dma_start3A_177 = arith.constant 0 : i32
      %dma_start3A_178 = tpu.memref_slice %arg3[%add3A, %dma_start3A_176, %dma_start3A_177] : memref<32x5x512xi32, #tpu.memory_space<hbm>> -> memref<1x5x512xi32, #tpu.memory_space<hbm>>
      %dma_start3A_179 = tpu.memref_squeeze %dma_start3A_178 : memref<1x5x512xi32, #tpu.memory_space<hbm>> -> memref<5x512xi32, #tpu.memory_space<hbm>>
      %dma_start3A_180 = arith.constant 0 : i32
      %dma_start3A_181 = arith.constant 0 : i32
      %dma_start3A_182 = tpu.memref_slice %arg3[%add3A, %dma_start3A_180, %dma_start3A_181] : memref<32x5x512xi32, #tpu.memory_space<hbm>> -> memref<1x5x512xi32, #tpu.memory_space<hbm>>
      %dma_start3A_183 = tpu.memref_squeeze %dma_start3A_182 : memref<1x5x512xi32, #tpu.memory_space<hbm>> -> memref<5x512xi32, #tpu.memory_space<hbm>>
      tpu.enqueue_dma source(%dma_start3A_183 : memref<5x512xi32, #tpu.memory_space<hbm>>) target(%arg7 : memref<5x512xi32, #tpu.memory_space<vmem>>) target_semaphore(%run_scoped3A : memref<!tpu.dma_semaphore, #tpu.memory_space<semaphore_mem>>)
      %dma_wait3A_184 = arith.constant 0 : i32
      %dma_wait3A_185 = arith.constant 0 : i32
      %dma_wait3A_186 = tpu.memref_slice %arg3[%add3A, %dma_wait3A_184, %dma_wait3A_185] : memref<32x5x512xi32, #tpu.memory_space<hbm>> -> memref<1x5x512xi32, #tpu.memory_space<hbm>>
      %dma_wait3A_187 = tpu.memref_squeeze %dma_wait3A_186 : memref<1x5x512xi32, #tpu.memory_space<hbm>> -> memref<5x512xi32, #tpu.memory_space<hbm>>
      %dma_wait3A_188 = arith.constant 0 : i32
      %dma_wait3A_189 = arith.constant 0 : i32
      %dma_wait3A_190 = tpu.memref_slice %arg3[%add3A, %dma_wait3A_188, %dma_wait3A_189] : memref<32x5x512xi32, #tpu.memory_space<hbm>> -> memref<1x5x512xi32, #tpu.memory_space<hbm>>
      %dma_wait3A_191 = tpu.memref_squeeze %dma_wait3A_190 : memref<1x5x512xi32, #tpu.memory_space<hbm>> -> memref<5x512xi32, #tpu.memory_space<hbm>>
      tpu.wait_dma2 semaphore(%run_scoped3A : memref<!tpu.dma_semaphore, #tpu.memory_space<semaphore_mem>>) src(%dma_wait3A_191 : memref<5x512xi32, #tpu.memory_space<hbm>>) dst(%arg7 : memref<5x512xi32, #tpu.memory_space<vmem>>)
      tpu.yield
    }) : () -> ()
    "tpu.region"() ({
      %run_scoped3A = tpu.sem_alloc : memref<!tpu.dma_semaphore, #tpu.memory_space<semaphore_mem>>
      %dma_start3A_176 = arith.constant 0 : i32
      %dma_start3A_177 = arith.constant 0 : i32
      %dma_start3A_178 = tpu.memref_slice %arg4[%add3A, %dma_start3A_176, %dma_start3A_177] : memref<32x20x512xi32, #tpu.memory_space<hbm>> -> memref<1x20x512xi32, #tpu.memory_space<hbm>>
      %dma_start3A_179 = tpu.memref_squeeze %dma_start3A_178 : memref<1x20x512xi32, #tpu.memory_space<hbm>> -> memref<20x512xi32, #tpu.memory_space<hbm>>
      %dma_start3A_180 = arith.constant 0 : i32
      %dma_start3A_181 = arith.constant 0 : i32
      %dma_start3A_182 = tpu.memref_slice %arg4[%add3A, %dma_start3A_180, %dma_start3A_181] : memref<32x20x512xi32, #tpu.memory_space<hbm>> -> memref<1x20x512xi32, #tpu.memory_space<hbm>>
      %dma_start3A_183 = tpu.memref_squeeze %dma_start3A_182 : memref<1x20x512xi32, #tpu.memory_space<hbm>> -> memref<20x512xi32, #tpu.memory_space<hbm>>
      tpu.enqueue_dma source(%dma_start3A_183 : memref<20x512xi32, #tpu.memory_space<hbm>>) target(%arg8 : memref<20x512xi32, #tpu.memory_space<vmem>>) target_semaphore(%run_scoped3A : memref<!tpu.dma_semaphore, #tpu.memory_space<semaphore_mem>>)
      %dma_wait3A_184 = arith.constant 0 : i32
      %dma_wait3A_185 = arith.constant 0 : i32
      %dma_wait3A_186 = tpu.memref_slice %arg4[%add3A, %dma_wait3A_184, %dma_wait3A_185] : memref<32x20x512xi32, #tpu.memory_space<hbm>> -> memref<1x20x512xi32, #tpu.memory_space<hbm>>
      %dma_wait3A_187 = tpu.memref_squeeze %dma_wait3A_186 : memref<1x20x512xi32, #tpu.memory_space<hbm>> -> memref<20x512xi32, #tpu.memory_space<hbm>>
      %dma_wait3A_188 = arith.constant 0 : i32
      %dma_wait3A_189 = arith.constant 0 : i32
      %dma_wait3A_190 = tpu.memref_slice %arg4[%add3A, %dma_wait3A_188, %dma_wait3A_189] : memref<32x20x512xi32, #tpu.memory_space<hbm>> -> memref<1x20x512xi32, #tpu.memory_space<hbm>>
      %dma_wait3A_191 = tpu.memref_squeeze %dma_wait3A_190 : memref<1x20x512xi32, #tpu.memory_space<hbm>> -> memref<20x512xi32, #tpu.memory_space<hbm>>
      tpu.wait_dma2 semaphore(%run_scoped3A : memref<!tpu.dma_semaphore, #tpu.memory_space<semaphore_mem>>) src(%dma_wait3A_191 : memref<20x512xi32, #tpu.memory_space<hbm>>) dst(%arg8 : memref<20x512xi32, #tpu.memory_space<vmem>>)
      tpu.yield
    }) : () -> ()
    %scan3A = arith.constant 0 : i32
    %scan3A_1 = arith.constant 512 : i32
    %scan3A_2 = arith.addi %scan3A, %scan3A_1 : i32
    %scan3A_3 = arith.constant 1 : i32
    scf.for %scan3A_176 = %scan3A to %scan3A_2 step %scan3A_3  : i32 {
      %mul3A_177 = arith.constant 1 : i32
      %mul3A_178 = arith.muli %scan3A_176, %mul3A_177 : i32
      %add3A_179 = arith.constant 0 : i32
      %add3A_180 = arith.addi %add3A_179, %mul3A_178 : i32
      %broadcast_in_dim3A = arith.constant 1.000000e+00 : f32
      %broadcast_in_dim3A_181 = vector.broadcast %broadcast_in_dim3A : f32 to vector<1x16xf32>
      %swap3A = arith.index_cast %add3A_180 : i32 to index
      %swap3A_182 = arith.constant 0 : index
      %swap3A_183 = tpu.vector_load %arg11[%swap3A, %swap3A_182] {strides = array<i32>} : memref<512x16xf32, #tpu.memory_space<vmem>>, vector<1x16xf32>,
      %swap3A_184 = vector.shape_cast %swap3A_183 : vector<1x16xf32> to vector<1x16xf32>
      %swap3A_185 = vector.shape_cast %broadcast_in_dim3A_181 : vector<1x16xf32> to vector<1x16xf32>
      tpu.vector_store %arg11[%swap3A, %swap3A_182], %swap3A_185 {strides = array<i32>} : memref<512x16xf32, #tpu.memory_space<vmem>>, vector<1x16xf32>,
    }
    %scan3A_4 = arith.constant 512 : i32
    %scan3A_5 = arith.constant 0 : i32
    %scan3A_6 = arith.constant 128 : i32
    %scan3A_7 = arith.addi %scan3A_5, %scan3A_6 : i32
    %scan3A_8 = arith.constant 1 : i32
    scf.for %scan3A_176 = %scan3A_5 to %scan3A_7 step %scan3A_8  : i32 {
      %mul3A_177 = arith.constant 1 : i32
      %mul3A_178 = arith.muli %scan3A_176, %mul3A_177 : i32
      %add3A_179 = arith.constant 0 : i32
      %add3A_180 = arith.addi %add3A_179, %mul3A_178 : i32
      %scan3A_181 = arith.constant 0 : i32
      %mul3A_182 = arith.constant 16 : i32
      %mul3A_183 = arith.muli %scan3A_181, %mul3A_182 : i32
      %add3A_184 = arith.constant 0 : i32
      %add3A_185 = arith.addi %add3A_184, %mul3A_183 : i32
      %broadcast_in_dim3A = arith.constant 0.000000e+00 : f32
      %broadcast_in_dim3A_186 = vector.broadcast %broadcast_in_dim3A : f32 to vector<1x16xf32>
      %swap3A = arith.index_cast %add3A_180 : i32 to index
      %swap3A_187 = arith.index_cast %add3A_185 : i32 to index
      %swap3A_188 = tpu.vector_load %arg9[%swap3A, %swap3A_187] {strides = array<i32>} : memref<512x80xf32, #tpu.memory_space<vmem>>, vector<1x16xf32>,
      %swap3A_189 = vector.shape_cast %swap3A_188 : vector<1x16xf32> to vector<1x16xf32>
      %swap3A_190 = vector.shape_cast %broadcast_in_dim3A_186 : vector<1x16xf32> to vector<1x16xf32>
      tpu.vector_store %arg9[%swap3A, %swap3A_187], %swap3A_190 {strides = array<i32>} : memref<512x80xf32, #tpu.memory_space<vmem>>, vector<1x16xf32>,
      %scan3A_191 = arith.constant 1 : i32
    }
    %scan3A_9 = arith.constant 128 : i32
    %mul3A_10 = arith.constant 640 : i32
    %mul3A_11 = arith.muli %arg1, %mul3A_10 : i32
    %add3A_12 = arith.constant 0 : i32
    %add3A_13 = arith.addi %mul3A_11, %add3A_12 : i32
    %dma_start3A = arith.constant 0 : i32
    %dma_start3A_14 = arith.constant 0 : i32
    %dma_start3A_15 = tpu.memref_slice %arg9[%dma_start3A, %dma_start3A_14] : memref<512x80xf32, #tpu.memory_space<vmem>> -> memref<128x16xf32, #tpu.memory_space<vmem>>
    %dma_start3A_16 = arith.constant 0 : i32
    %dma_start3A_17 = tpu.memref_slice %arg12[%add3A_13, %dma_start3A_16] : memref<10240x16xf32, #tpu.memory_space<vmem_shared>> -> memref<128x16xf32, #tpu.memory_space<vmem_shared>>
    %dma_start3A_18 = arith.constant 0 : i32
    %dma_start3A_19 = tpu.memref_slice %arg12[%add3A_13, %dma_start3A_18] : memref<10240x16xf32, #tpu.memory_space<vmem_shared>> -> memref<128x16xf32, #tpu.memory_space<vmem_shared>>
    %dma_start3A_20 = arith.constant 0 : i32
    %dma_start3A_21 = arith.constant 0 : i32
    %dma_start3A_22 = tpu.memref_slice %arg9[%dma_start3A_20, %dma_start3A_21] : memref<512x80xf32, #tpu.memory_space<vmem>> -> memref<128x16xf32, #tpu.memory_space<vmem>>
    tpu.enqueue_dma source(%dma_start3A_22 : memref<128x16xf32, #tpu.memory_space<vmem>>) target(%dma_start3A_19 : memref<128x16xf32, #tpu.memory_space<vmem_shared>>) target_semaphore(%arg17 : memref<!tpu.dma_semaphore, #tpu.memory_space<semaphore_mem>>)
    %mul3A_23 = arith.constant 640 : i32
    %mul3A_24 = arith.muli %arg1, %mul3A_23 : i32
    %add3A_25 = arith.constant 128 : i32
    %add3A_26 = arith.addi %mul3A_24, %add3A_25 : i32
    %dma_start3A_27 = arith.constant 0 : i32
    %dma_start3A_28 = arith.constant 0 : i32
    %dma_start3A_29 = tpu.memref_slice %arg9[%dma_start3A_27, %dma_start3A_28] : memref<512x80xf32, #tpu.memory_space<vmem>> -> memref<128x16xf32, #tpu.memory_space<vmem>>
    %dma_start3A_30 = arith.constant 0 : i32
    %dma_start3A_31 = tpu.memref_slice %arg12[%add3A_26, %dma_start3A_30] : memref<10240x16xf32, #tpu.memory_space<vmem_shared>> -> memref<128x16xf32, #tpu.memory_space<vmem_shared>>
    %dma_start3A_32 = arith.constant 0 : i32
    %dma_start3A_33 = tpu.memref_slice %arg12[%add3A_26, %dma_start3A_32] : memref<10240x16xf32, #tpu.memory_space<vmem_shared>> -> memref<128x16xf32, #tpu.memory_space<vmem_shared>>
    %dma_start3A_34 = arith.constant 0 : i32
    %dma_start3A_35 = arith.constant 0 : i32
    %dma_start3A_36 = tpu.memref_slice %arg9[%dma_start3A_34, %dma_start3A_35] : memref<512x80xf32, #tpu.memory_space<vmem>> -> memref<128x16xf32, #tpu.memory_space<vmem>>
    tpu.enqueue_dma source(%dma_start3A_36 : memref<128x16xf32, #tpu.memory_space<vmem>>) target(%dma_start3A_33 : memref<128x16xf32, #tpu.memory_space<vmem_shared>>) target_semaphore(%arg17 : memref<!tpu.dma_semaphore, #tpu.memory_space<semaphore_mem>>)
    %mul3A_37 = arith.constant 640 : i32
    %mul3A_38 = arith.muli %arg1, %mul3A_37 : i32
    %add3A_39 = arith.constant 256 : i32
    %add3A_40 = arith.addi %mul3A_38, %add3A_39 : i32
    %dma_start3A_41 = arith.constant 0 : i32
    %dma_start3A_42 = arith.constant 0 : i32
    %dma_start3A_43 = tpu.memref_slice %arg9[%dma_start3A_41, %dma_start3A_42] : memref<512x80xf32, #tpu.memory_space<vmem>> -> memref<128x16xf32, #tpu.memory_space<vmem>>
    %dma_start3A_44 = arith.constant 0 : i32
    %dma_start3A_45 = tpu.memref_slice %arg12[%add3A_40, %dma_start3A_44] : memref<10240x16xf32, #tpu.memory_space<vmem_shared>> -> memref<128x16xf32, #tpu.memory_space<vmem_shared>>
    %dma_start3A_46 = arith.constant 0 : i32
    %dma_start3A_47 = tpu.memref_slice %arg12[%add3A_40, %dma_start3A_46] : memref<10240x16xf32, #tpu.memory_space<vmem_shared>> -> memref<128x16xf32, #tpu.memory_space<vmem_shared>>
    %dma_start3A_48 = arith.constant 0 : i32
    %dma_start3A_49 = arith.constant 0 : i32
    %dma_start3A_50 = tpu.memref_slice %arg9[%dma_start3A_48, %dma_start3A_49] : memref<512x80xf32, #tpu.memory_space<vmem>> -> memref<128x16xf32, #tpu.memory_space<vmem>>
    tpu.enqueue_dma source(%dma_start3A_50 : memref<128x16xf32, #tpu.memory_space<vmem>>) target(%dma_start3A_47 : memref<128x16xf32, #tpu.memory_space<vmem_shared>>) target_semaphore(%arg17 : memref<!tpu.dma_semaphore, #tpu.memory_space<semaphore_mem>>)
    %mul3A_51 = arith.constant 640 : i32
    %mul3A_52 = arith.muli %arg1, %mul3A_51 : i32
    %add3A_53 = arith.constant 384 : i32
    %add3A_54 = arith.addi %mul3A_52, %add3A_53 : i32
    %dma_start3A_55 = arith.constant 0 : i32
    %dma_start3A_56 = arith.constant 0 : i32
    %dma_start3A_57 = tpu.memref_slice %arg9[%dma_start3A_55, %dma_start3A_56] : memref<512x80xf32, #tpu.memory_space<vmem>> -> memref<128x16xf32, #tpu.memory_space<vmem>>
    %dma_start3A_58 = arith.constant 0 : i32
    %dma_start3A_59 = tpu.memref_slice %arg12[%add3A_54, %dma_start3A_58] : memref<10240x16xf32, #tpu.memory_space<vmem_shared>> -> memref<128x16xf32, #tpu.memory_space<vmem_shared>>
    %dma_start3A_60 = arith.constant 0 : i32
    %dma_start3A_61 = tpu.memref_slice %arg12[%add3A_54, %dma_start3A_60] : memref<10240x16xf32, #tpu.memory_space<vmem_shared>> -> memref<128x16xf32, #tpu.memory_space<vmem_shared>>
    %dma_start3A_62 = arith.constant 0 : i32
    %dma_start3A_63 = arith.constant 0 : i32
    %dma_start3A_64 = tpu.memref_slice %arg9[%dma_start3A_62, %dma_start3A_63] : memref<512x80xf32, #tpu.memory_space<vmem>> -> memref<128x16xf32, #tpu.memory_space<vmem>>
    tpu.enqueue_dma source(%dma_start3A_64 : memref<128x16xf32, #tpu.memory_space<vmem>>) target(%dma_start3A_61 : memref<128x16xf32, #tpu.memory_space<vmem_shared>>) target_semaphore(%arg17 : memref<!tpu.dma_semaphore, #tpu.memory_space<semaphore_mem>>)
    %mul3A_65 = arith.constant 640 : i32
    %mul3A_66 = arith.muli %arg1, %mul3A_65 : i32
    %add3A_67 = arith.constant 512 : i32
    %add3A_68 = arith.addi %mul3A_66, %add3A_67 : i32
    %dma_start3A_69 = arith.constant 0 : i32
    %dma_start3A_70 = arith.constant 0 : i32
    %dma_start3A_71 = tpu.memref_slice %arg9[%dma_start3A_69, %dma_start3A_70] : memref<512x80xf32, #tpu.memory_space<vmem>> -> memref<128x16xf32, #tpu.memory_space<vmem>>
    %dma_start3A_72 = arith.constant 0 : i32
    %dma_start3A_73 = tpu.memref_slice %arg12[%add3A_68, %dma_start3A_72] : memref<10240x16xf32, #tpu.memory_space<vmem_shared>> -> memref<128x16xf32, #tpu.memory_space<vmem_shared>>
    %dma_start3A_74 = arith.constant 0 : i32
    %dma_start3A_75 = tpu.memref_slice %arg12[%add3A_68, %dma_start3A_74] : memref<10240x16xf32, #tpu.memory_space<vmem_shared>> -> memref<128x16xf32, #tpu.memory_space<vmem_shared>>
    %dma_start3A_76 = arith.constant 0 : i32
    %dma_start3A_77 = arith.constant 0 : i32
    %dma_start3A_78 = tpu.memref_slice %arg9[%dma_start3A_76, %dma_start3A_77] : memref<512x80xf32, #tpu.memory_space<vmem>> -> memref<128x16xf32, #tpu.memory_space<vmem>>
    tpu.enqueue_dma source(%dma_start3A_78 : memref<128x16xf32, #tpu.memory_space<vmem>>) target(%dma_start3A_75 : memref<128x16xf32, #tpu.memory_space<vmem_shared>>) target_semaphore(%arg17 : memref<!tpu.dma_semaphore, #tpu.memory_space<semaphore_mem>>)
    %mul3A_79 = arith.constant 640 : i32
    %mul3A_80 = arith.muli %arg1, %mul3A_79 : i32
    %add3A_81 = arith.constant 0 : i32
    %add3A_82 = arith.addi %mul3A_80, %add3A_81 : i32
    %dma_wait3A = arith.constant 0 : i32
    %dma_wait3A_83 = arith.constant 0 : i32
    %dma_wait3A_84 = tpu.memref_slice %arg9[%dma_wait3A, %dma_wait3A_83] : memref<512x80xf32, #tpu.memory_space<vmem>> -> memref<128x16xf32, #tpu.memory_space<vmem>>
    %dma_wait3A_85 = arith.constant 0 : i32
    %dma_wait3A_86 = tpu.memref_slice %arg12[%add3A_82, %dma_wait3A_85] : memref<10240x16xf32, #tpu.memory_space<vmem_shared>> -> memref<128x16xf32, #tpu.memory_space<vmem_shared>>
    %dma_wait3A_87 = arith.constant 0 : i32
    %dma_wait3A_88 = tpu.memref_slice %arg12[%add3A_82, %dma_wait3A_87] : memref<10240x16xf32, #tpu.memory_space<vmem_shared>> -> memref<128x16xf32, #tpu.memory_space<vmem_shared>>
    %dma_wait3A_89 = arith.constant 0 : i32
    %dma_wait3A_90 = arith.constant 0 : i32
    %dma_wait3A_91 = tpu.memref_slice %arg9[%dma_wait3A_89, %dma_wait3A_90] : memref<512x80xf32, #tpu.memory_space<vmem>> -> memref<128x16xf32, #tpu.memory_space<vmem>>
    tpu.wait_dma2 semaphore(%arg17 : memref<!tpu.dma_semaphore, #tpu.memory_space<semaphore_mem>>) src(%dma_wait3A_91 : memref<128x16xf32, #tpu.memory_space<vmem>>) dst(%dma_wait3A_88 : memref<128x16xf32, #tpu.memory_space<vmem_shared>>)
    %mul3A_92 = arith.constant 640 : i32
    %mul3A_93 = arith.muli %arg1, %mul3A_92 : i32
    %add3A_94 = arith.constant 128 : i32
    %add3A_95 = arith.addi %mul3A_93, %add3A_94 : i32
    %dma_wait3A_96 = arith.constant 0 : i32
    %dma_wait3A_97 = arith.constant 0 : i32
    %dma_wait3A_98 = tpu.memref_slice %arg9[%dma_wait3A_96, %dma_wait3A_97] : memref<512x80xf32, #tpu.memory_space<vmem>> -> memref<128x16xf32, #tpu.memory_space<vmem>>
    %dma_wait3A_99 = arith.constant 0 : i32
    %dma_wait3A_100 = tpu.memref_slice %arg12[%add3A_95, %dma_wait3A_99] : memref<10240x16xf32, #tpu.memory_space<vmem_shared>> -> memref<128x16xf32, #tpu.memory_space<vmem_shared>>
    %dma_wait3A_101 = arith.constant 0 : i32
    %dma_wait3A_102 = tpu.memref_slice %arg12[%add3A_95, %dma_wait3A_101] : memref<10240x16xf32, #tpu.memory_space<vmem_shared>> -> memref<128x16xf32, #tpu.memory_space<vmem_shared>>
    %dma_wait3A_103 = arith.constant 0 : i32
    %dma_wait3A_104 = arith.constant 0 : i32
    %dma_wait3A_105 = tpu.memref_slice %arg9[%dma_wait3A_103, %dma_wait3A_104] : memref<512x80xf32, #tpu.memory_space<vmem>> -> memref<128x16xf32, #tpu.memory_space<vmem>>
    tpu.wait_dma2 semaphore(%arg17 : memref<!tpu.dma_semaphore, #tpu.memory_space<semaphore_mem>>) src(%dma_wait3A_105 : memref<128x16xf32, #tpu.memory_space<vmem>>) dst(%dma_wait3A_102 : memref<128x16xf32, #tpu.memory_space<vmem_shared>>)
    %mul3A_106 = arith.constant 640 : i32
    %mul3A_107 = arith.muli %arg1, %mul3A_106 : i32
    %add3A_108 = arith.constant 256 : i32
    %add3A_109 = arith.addi %mul3A_107, %add3A_108 : i32
    %dma_wait3A_110 = arith.constant 0 : i32
    %dma_wait3A_111 = arith.constant 0 : i32
    %dma_wait3A_112 = tpu.memref_slice %arg9[%dma_wait3A_110, %dma_wait3A_111] : memref<512x80xf32, #tpu.memory_space<vmem>> -> memref<128x16xf32, #tpu.memory_space<vmem>>
    %dma_wait3A_113 = arith.constant 0 : i32
    %dma_wait3A_114 = tpu.memref_slice %arg12[%add3A_109, %dma_wait3A_113] : memref<10240x16xf32, #tpu.memory_space<vmem_shared>> -> memref<128x16xf32, #tpu.memory_space<vmem_shared>>
    %dma_wait3A_115 = arith.constant 0 : i32
    %dma_wait3A_116 = tpu.memref_slice %arg12[%add3A_109, %dma_wait3A_115] : memref<10240x16xf32, #tpu.memory_space<vmem_shared>> -> memref<128x16xf32, #tpu.memory_space<vmem_shared>>
    %dma_wait3A_117 = arith.constant 0 : i32
    %dma_wait3A_118 = arith.constant 0 : i32
    %dma_wait3A_119 = tpu.memref_slice %arg9[%dma_wait3A_117, %dma_wait3A_118] : memref<512x80xf32, #tpu.memory_space<vmem>> -> memref<128x16xf32, #tpu.memory_space<vmem>>
    tpu.wait_dma2 semaphore(%arg17 : memref<!tpu.dma_semaphore, #tpu.memory_space<semaphore_mem>>) src(%dma_wait3A_119 : memref<128x16xf32, #tpu.memory_space<vmem>>) dst(%dma_wait3A_116 : memref<128x16xf32, #tpu.memory_space<vmem_shared>>)
    %mul3A_120 = arith.constant 640 : i32
    %mul3A_121 = arith.muli %arg1, %mul3A_120 : i32
    %add3A_122 = arith.constant 384 : i32
    %add3A_123 = arith.addi %mul3A_121, %add3A_122 : i32
    %dma_wait3A_124 = arith.constant 0 : i32
    %dma_wait3A_125 = arith.constant 0 : i32
    %dma_wait3A_126 = tpu.memref_slice %arg9[%dma_wait3A_124, %dma_wait3A_125] : memref<512x80xf32, #tpu.memory_space<vmem>> -> memref<128x16xf32, #tpu.memory_space<vmem>>
    %dma_wait3A_127 = arith.constant 0 : i32
    %dma_wait3A_128 = tpu.memref_slice %arg12[%add3A_123, %dma_wait3A_127] : memref<10240x16xf32, #tpu.memory_space<vmem_shared>> -> memref<128x16xf32, #tpu.memory_space<vmem_shared>>
    %dma_wait3A_129 = arith.constant 0 : i32
    %dma_wait3A_130 = tpu.memref_slice %arg12[%add3A_123, %dma_wait3A_129] : memref<10240x16xf32, #tpu.memory_space<vmem_shared>> -> memref<128x16xf32, #tpu.memory_space<vmem_shared>>
    %dma_wait3A_131 = arith.constant 0 : i32
    %dma_wait3A_132 = arith.constant 0 : i32
    %dma_wait3A_133 = tpu.memref_slice %arg9[%dma_wait3A_131, %dma_wait3A_132] : memref<512x80xf32, #tpu.memory_space<vmem>> -> memref<128x16xf32, #tpu.memory_space<vmem>>
    tpu.wait_dma2 semaphore(%arg17 : memref<!tpu.dma_semaphore, #tpu.memory_space<semaphore_mem>>) src(%dma_wait3A_133 : memref<128x16xf32, #tpu.memory_space<vmem>>) dst(%dma_wait3A_130 : memref<128x16xf32, #tpu.memory_space<vmem_shared>>)
    %mul3A_134 = arith.constant 640 : i32
    %mul3A_135 = arith.muli %arg1, %mul3A_134 : i32
    %add3A_136 = arith.constant 512 : i32
    %add3A_137 = arith.addi %mul3A_135, %add3A_136 : i32
    %dma_wait3A_138 = arith.constant 0 : i32
    %dma_wait3A_139 = arith.constant 0 : i32
    %dma_wait3A_140 = tpu.memref_slice %arg9[%dma_wait3A_138, %dma_wait3A_139] : memref<512x80xf32, #tpu.memory_space<vmem>> -> memref<128x16xf32, #tpu.memory_space<vmem>>
    %dma_wait3A_141 = arith.constant 0 : i32
    %dma_wait3A_142 = tpu.memref_slice %arg12[%add3A_137, %dma_wait3A_141] : memref<10240x16xf32, #tpu.memory_space<vmem_shared>> -> memref<128x16xf32, #tpu.memory_space<vmem_shared>>
    %dma_wait3A_143 = arith.constant 0 : i32
    %dma_wait3A_144 = tpu.memref_slice %arg12[%add3A_137, %dma_wait3A_143] : memref<10240x16xf32, #tpu.memory_space<vmem_shared>> -> memref<128x16xf32, #tpu.memory_space<vmem_shared>>
    %dma_wait3A_145 = arith.constant 0 : i32
    %dma_wait3A_146 = arith.constant 0 : i32
    %dma_wait3A_147 = tpu.memref_slice %arg9[%dma_wait3A_145, %dma_wait3A_146] : memref<512x80xf32, #tpu.memory_space<vmem>> -> memref<128x16xf32, #tpu.memory_space<vmem>>
    tpu.wait_dma2 semaphore(%arg17 : memref<!tpu.dma_semaphore, #tpu.memory_space<semaphore_mem>>) src(%dma_wait3A_147 : memref<128x16xf32, #tpu.memory_space<vmem>>) dst(%dma_wait3A_144 : memref<128x16xf32, #tpu.memory_space<vmem_shared>>)
    %barrier3A = arith.constant 0 : index
    tpu.barrier barrier_id(%barrier3A)
    %mul3A_148 = arith.constant 5 : i32
    %mul3A_149 = arith.muli %add3A, %mul3A_148 : i32
    %mul3A_150 = arith.constant 512 : i32
    %mul3A_151 = arith.muli %mul3A_149, %mul3A_150 : i32
    %dma_start3A_152 = arith.constant 0 : i32
    %dma_start3A_153 = arith.constant 0 : i32
    %dma_start3A_154 = tpu.memref_slice %arg7[%dma_start3A_152, %dma_start3A_153] : memref<5x512xi32, #tpu.memory_space<vmem>> -> memref<1x512xi32, #tpu.memory_space<vmem>>
    %dma_start3A_155 = tpu.memref_squeeze %dma_start3A_154 : memref<1x512xi32, #tpu.memory_space<vmem>> -> memref<512xi32, #tpu.memory_space<vmem>>
    %dma_start3A_156 = arith.constant 0 : i32
    %dma_start3A_157 = arith.constant 0 : i32
    %dma_start3A_158 = tpu.memref_slice %arg2[%dma_start3A_156, %dma_start3A_157] : memref<10000x80xf32, #tpu.memory_space<hbm>> -> memref<10000x80xf32, #tpu.memory_space<hbm>>
    tpu.enqueue_indirect_dma source(%dma_start3A_158 : memref<10000x80xf32, #tpu.memory_space<hbm>>) target(%arg9 : memref<512x80xf32, #tpu.memory_space<vmem>>) offsets(%dma_start3A_155 : memref<512xi32, #tpu.memory_space<vmem>>) semaphore(%arg13 : memref<!tpu.dma_semaphore, #tpu.memory_space<semaphore_mem>>)
    %dma_start3A_159 = arith.constant 1 : i32
    %dma_start3A_160 = arith.constant 0 : i32
    %dma_start3A_161 = tpu.memref_slice %arg7[%dma_start3A_159, %dma_start3A_160] : memref<5x512xi32, #tpu.memory_space<vmem>> -> memref<1x512xi32, #tpu.memory_space<vmem>>
    %dma_start3A_162 = tpu.memref_squeeze %dma_start3A_161 : memref<1x512xi32, #tpu.memory_space<vmem>> -> memref<512xi32, #tpu.memory_space<vmem>>
    %dma_start3A_163 = arith.constant 0 : i32
    %dma_start3A_164 = arith.constant 0 : i32
    %dma_start3A_165 = tpu.memref_slice %arg2[%dma_start3A_163, %dma_start3A_164] : memref<10000x80xf32, #tpu.memory_space<hbm>> -> memref<10000x80xf32, #tpu.memory_space<hbm>>
    tpu.enqueue_indirect_dma source(%dma_start3A_165 : memref<10000x80xf32, #tpu.memory_space<hbm>>) target(%arg10 : memref<512x80xf32, #tpu.memory_space<vmem>>) offsets(%dma_start3A_162 : memref<512xi32, #tpu.memory_space<vmem>>) semaphore(%arg14 : memref<!tpu.dma_semaphore, #tpu.memory_space<semaphore_mem>>)
    %scan3A_166 = arith.constant 0 : i32
    %scan3A_167 = arith.constant 3 : i32
    %scan3A_168 = arith.addi %scan3A_166, %scan3A_167 : i32
    %scan3A_169 = arith.constant 1 : i32
    scf.for %scan3A_176 = %scan3A_166 to %scan3A_168 step %scan3A_169  : i32 {
      %mul3A_177 = arith.constant 2 : i32
      %mul3A_178 = arith.muli %scan3A_176, %mul3A_177 : i32
      %add3A_179 = arith.constant 0 : i32
      %add3A_180 = arith.addi %add3A_179, %mul3A_178 : i32
      %add3A_181 = arith.constant 0 : i32
      %add3A_182 = arith.addi %add3A_180, %add3A_181 : i32
      %mul3A_183 = arith.constant 4 : i32
      %mul3A_184 = arith.muli %add3A_182, %mul3A_183 : i32
      %add3A_185 = arith.constant 0 : i32
      %add3A_186 = arith.addi %mul3A_184, %add3A_185 : i32
      %dma_start3A_187 = arith.constant 0 : i32
      %dma_start3A_188 = tpu.memref_slice %arg8[%add3A_186, %dma_start3A_187] : memref<20x512xi32, #tpu.memory_space<vmem>> -> memref<1x512xi32, #tpu.memory_space<vmem>>
      %dma_start3A_189 = tpu.memref_squeeze %dma_start3A_188 : memref<1x512xi32, #tpu.memory_space<vmem>> -> memref<512xi32, #tpu.memory_space<vmem>>
      %dma_start3A_190 = arith.constant 0 : i32
      %dma_start3A_191 = arith.constant 0 : i32
      %dma_start3A_192 = tpu.memref_slice %arg12[%dma_start3A_190, %dma_start3A_191] : memref<10240x16xf32, #tpu.memory_space<vmem_shared>> -> memref<10240x16xf32, #tpu.memory_space<vmem_shared>>
      tpu.enqueue_indirect_dma source(%arg11 : memref<512x16xf32, #tpu.memory_space<vmem>>) target(%dma_start3A_192 : memref<10240x16xf32, #tpu.memory_space<vmem_shared>>) offsets(%dma_start3A_189 : memref<512xi32, #tpu.memory_space<vmem>>) semaphore(%arg17 : memref<!tpu.dma_semaphore, #tpu.memory_space<semaphore_mem>>) {add = true}
      %mul3A_193 = arith.constant 4 : i32
      %mul3A_194 = arith.muli %add3A_182, %mul3A_193 : i32
      %add3A_195 = arith.constant 1 : i32
      %add3A_196 = arith.addi %mul3A_194, %add3A_195 : i32
      %dma_start3A_197 = arith.constant 0 : i32
      %dma_start3A_198 = tpu.memref_slice %arg8[%add3A_196, %dma_start3A_197] : memref<20x512xi32, #tpu.memory_space<vmem>> -> memref<1x512xi32, #tpu.memory_space<vmem>>
      %dma_start3A_199 = tpu.memref_squeeze %dma_start3A_198 : memref<1x512xi32, #tpu.memory_space<vmem>> -> memref<512xi32, #tpu.memory_space<vmem>>
      %dma_start3A_200 = arith.constant 0 : i32
      %dma_start3A_201 = arith.constant 0 : i32
      %dma_start3A_202 = tpu.memref_slice %arg12[%dma_start3A_200, %dma_start3A_201] : memref<10240x16xf32, #tpu.memory_space<vmem_shared>> -> memref<10240x16xf32, #tpu.memory_space<vmem_shared>>
      tpu.enqueue_indirect_dma source(%arg11 : memref<512x16xf32, #tpu.memory_space<vmem>>) target(%dma_start3A_202 : memref<10240x16xf32, #tpu.memory_space<vmem_shared>>) offsets(%dma_start3A_199 : memref<512xi32, #tpu.memory_space<vmem>>) semaphore(%arg17 : memref<!tpu.dma_semaphore, #tpu.memory_space<semaphore_mem>>) {add = true}
      %mul3A_203 = arith.constant 4 : i32
      %mul3A_204 = arith.muli %add3A_182, %mul3A_203 : i32
      %add3A_205 = arith.constant 2 : i32
      %add3A_206 = arith.addi %mul3A_204, %add3A_205 : i32
      %dma_start3A_207 = arith.constant 0 : i32
      %dma_start3A_208 = tpu.memref_slice %arg8[%add3A_206, %dma_start3A_207] : memref<20x512xi32, #tpu.memory_space<vmem>> -> memref<1x512xi32, #tpu.memory_space<vmem>>
      %dma_start3A_209 = tpu.memref_squeeze %dma_start3A_208 : memref<1x512xi32, #tpu.memory_space<vmem>> -> memref<512xi32, #tpu.memory_space<vmem>>
      %dma_start3A_210 = arith.constant 0 : i32
      %dma_start3A_211 = arith.constant 0 : i32
      %dma_start3A_212 = tpu.memref_slice %arg12[%dma_start3A_210, %dma_start3A_211] : memref<10240x16xf32, #tpu.memory_space<vmem_shared>> -> memref<10240x16xf32, #tpu.memory_space<vmem_shared>>
      tpu.enqueue_indirect_dma source(%arg11 : memref<512x16xf32, #tpu.memory_space<vmem>>) target(%dma_start3A_212 : memref<10240x16xf32, #tpu.memory_space<vmem_shared>>) offsets(%dma_start3A_209 : memref<512xi32, #tpu.memory_space<vmem>>) semaphore(%arg17 : memref<!tpu.dma_semaphore, #tpu.memory_space<semaphore_mem>>) {add = true}
      %mul3A_213 = arith.constant 4 : i32
      %mul3A_214 = arith.muli %add3A_182, %mul3A_213 : i32
      %add3A_215 = arith.constant 3 : i32
      %add3A_216 = arith.addi %mul3A_214, %add3A_215 : i32
      %dma_start3A_217 = arith.constant 0 : i32
      %dma_start3A_218 = tpu.memref_slice %arg8[%add3A_216, %dma_start3A_217] : memref<20x512xi32, #tpu.memory_space<vmem>> -> memref<1x512xi32, #tpu.memory_space<vmem>>
      %dma_start3A_219 = tpu.memref_squeeze %dma_start3A_218 : memref<1x512xi32, #tpu.memory_space<vmem>> -> memref<512xi32, #tpu.memory_space<vmem>>
      %dma_start3A_220 = arith.constant 0 : i32
      %dma_start3A_221 = arith.constant 0 : i32
      %dma_start3A_222 = tpu.memref_slice %arg12[%dma_start3A_220, %dma_start3A_221] : memref<10240x16xf32, #tpu.memory_space<vmem_shared>> -> memref<10240x16xf32, #tpu.memory_space<vmem_shared>>
      tpu.enqueue_indirect_dma source(%arg11 : memref<512x16xf32, #tpu.memory_space<vmem>>) target(%dma_start3A_222 : memref<10240x16xf32, #tpu.memory_space<vmem_shared>>) offsets(%dma_start3A_219 : memref<512xi32, #tpu.memory_space<vmem>>) semaphore(%arg17 : memref<!tpu.dma_semaphore, #tpu.memory_space<semaphore_mem>>) {add = true}
      %dma_wait3A_223 = arith.constant 0 : i32
      %dma_wait3A_224 = tpu.memref_slice %arg7[%add3A_182, %dma_wait3A_223] : memref<5x512xi32, #tpu.memory_space<vmem>> -> memref<1x512xi32, #tpu.memory_space<vmem>>
      %dma_wait3A_225 = tpu.memref_squeeze %dma_wait3A_224 : memref<1x512xi32, #tpu.memory_space<vmem>> -> memref<512xi32, #tpu.memory_space<vmem>>
      %dma_wait3A_226 = arith.constant 0 : i32
      %dma_wait3A_227 = arith.constant 0 : i32
      %dma_wait3A_228 = tpu.memref_slice %arg2[%dma_wait3A_226, %dma_wait3A_227] : memref<10000x80xf32, #tpu.memory_space<hbm>> -> memref<10000x80xf32, #tpu.memory_space<hbm>>
      tpu.wait_indirect_dma semaphore(%arg13 : memref<!tpu.dma_semaphore, #tpu.memory_space<semaphore_mem>>) src(%dma_wait3A_228 : memref<10000x80xf32, #tpu.memory_space<hbm>>) dst(%arg9 : memref<512x80xf32, #tpu.memory_space<vmem>>)
      %mul3A_229 = arith.constant 512 : i32
      %mul3A_230 = arith.muli %add3A_182, %mul3A_229 : i32
      %add3A_231 = arith.addi %mul3A_151, %mul3A_230 : i32
      %dma_start3A_232 = arith.constant 0 : i32
      %dma_start3A_233 = tpu.memref_slice %arg5[%add3A_231, %dma_start3A_232] : memref<81920x80xf32, #tpu.memory_space<hbm>> -> memref<512x80xf32, #tpu.memory_space<hbm>>
      %dma_start3A_234 = arith.constant 0 : i32
      %dma_start3A_235 = tpu.memref_slice %arg5[%add3A_231, %dma_start3A_234] : memref<81920x80xf32, #tpu.memory_space<hbm>> -> memref<512x80xf32, #tpu.memory_space<hbm>>
      tpu.enqueue_dma source(%arg9 : memref<512x80xf32, #tpu.memory_space<vmem>>) target(%dma_start3A_235 : memref<512x80xf32, #tpu.memory_space<hbm>>) target_semaphore(%arg15 : memref<!tpu.dma_semaphore, #tpu.memory_space<semaphore_mem>>)
      %dma_wait3A_236 = arith.constant 0 : i32
      %dma_wait3A_237 = tpu.memref_slice %arg5[%add3A_231, %dma_wait3A_236] : memref<81920x80xf32, #tpu.memory_space<hbm>> -> memref<512x80xf32, #tpu.memory_space<hbm>>
      %dma_wait3A_238 = arith.constant 0 : i32
      %dma_wait3A_239 = tpu.memref_slice %arg5[%add3A_231, %dma_wait3A_238] : memref<81920x80xf32, #tpu.memory_space<hbm>> -> memref<512x80xf32, #tpu.memory_space<hbm>>
      tpu.wait_dma2 semaphore(%arg15 : memref<!tpu.dma_semaphore, #tpu.memory_space<semaphore_mem>>) src(%arg9 : memref<512x80xf32, #tpu.memory_space<vmem>>) dst(%dma_wait3A_239 : memref<512x80xf32, #tpu.memory_space<hbm>>)
      %add3A_240 = arith.constant 2 : i32
      %add3A_241 = arith.addi %add3A_182, %add3A_240 : i32
      %lt3A = arith.constant 5 : i32
      %lt3A_242 = arith.cmpi slt, %add3A_241, %lt3A : i32
      %convert_element_type3A = arith.extui %lt3A_242 : i1 to i32
      %cond3A = arith.constant 0 : i32
      %cond3A_243 = arith.cmpi ne, %convert_element_type3A, %cond3A : i32
      scf.if %cond3A_243 {
        %add3A_293 = arith.constant 2 : i32
        %add3A_294 = arith.addi %add3A_182, %add3A_293 : i32
        %dma_start3A_295 = arith.constant 0 : i32
        %dma_start3A_296 = tpu.memref_slice %arg7[%add3A_294, %dma_start3A_295] : memref<5x512xi32, #tpu.memory_space<vmem>> -> memref<1x512xi32, #tpu.memory_space<vmem>>
        %dma_start3A_297 = tpu.memref_squeeze %dma_start3A_296 : memref<1x512xi32, #tpu.memory_space<vmem>> -> memref<512xi32, #tpu.memory_space<vmem>>
        %dma_start3A_298 = arith.constant 0 : i32
        %dma_start3A_299 = arith.constant 0 : i32
        %dma_start3A_300 = tpu.memref_slice %arg2[%dma_start3A_298, %dma_start3A_299] : memref<10000x80xf32, #tpu.memory_space<hbm>> -> memref<10000x80xf32, #tpu.memory_space<hbm>>
        tpu.enqueue_indirect_dma source(%dma_start3A_300 : memref<10000x80xf32, #tpu.memory_space<hbm>>) target(%arg9 : memref<512x80xf32, #tpu.memory_space<vmem>>) offsets(%dma_start3A_297 : memref<512xi32, #tpu.memory_space<vmem>>) semaphore(%arg13 : memref<!tpu.dma_semaphore, #tpu.memory_space<semaphore_mem>>)
      } else {
      }
      %mul3A_244 = arith.constant 4 : i32
      %mul3A_245 = arith.muli %add3A_182, %mul3A_244 : i32
      %add3A_246 = arith.constant 0 : i32
      %add3A_247 = arith.addi %mul3A_245, %add3A_246 : i32
      %dma_wait3A_248 = arith.constant 0 : i32
      %dma_wait3A_249 = tpu.memref_slice %arg8[%add3A_247, %dma_wait3A_248] : memref<20x512xi32, #tpu.memory_space<vmem>> -> memref<1x512xi32, #tpu.memory_space<vmem>>
      %dma_wait3A_250 = tpu.memref_squeeze %dma_wait3A_249 : memref<1x512xi32, #tpu.memory_space<vmem>> -> memref<512xi32, #tpu.memory_space<vmem>>
      %dma_wait3A_251 = arith.constant 0 : i32
      %dma_wait3A_252 = arith.constant 0 : i32
      %dma_wait3A_253 = tpu.memref_slice %arg12[%dma_wait3A_251, %dma_wait3A_252] : memref<10240x16xf32, #tpu.memory_space<vmem_shared>> -> memref<10240x16xf32, #tpu.memory_space<vmem_shared>>
      tpu.wait_indirect_dma semaphore(%arg17 : memref<!tpu.dma_semaphore, #tpu.memory_space<semaphore_mem>>) src(%arg11 : memref<512x16xf32, #tpu.memory_space<vmem>>) dst(%dma_wait3A_253 : memref<10240x16xf32, #tpu.memory_space<vmem_shared>>)
      %mul3A_254 = arith.constant 4 : i32
      %mul3A_255 = arith.muli %add3A_182, %mul3A_254 : i32
      %add3A_256 = arith.constant 1 : i32
      %add3A_257 = arith.addi %mul3A_255, %add3A_256 : i32
      %dma_wait3A_258 = arith.constant 0 : i32
      %dma_wait3A_259 = tpu.memref_slice %arg8[%add3A_257, %dma_wait3A_258] : memref<20x512xi32, #tpu.memory_space<vmem>> -> memref<1x512xi32, #tpu.memory_space<vmem>>
      %dma_wait3A_260 = tpu.memref_squeeze %dma_wait3A_259 : memref<1x512xi32, #tpu.memory_space<vmem>> -> memref<512xi32, #tpu.memory_space<vmem>>
      %dma_wait3A_261 = arith.constant 0 : i32
      %dma_wait3A_262 = arith.constant 0 : i32
      %dma_wait3A_263 = tpu.memref_slice %arg12[%dma_wait3A_261, %dma_wait3A_262] : memref<10240x16xf32, #tpu.memory_space<vmem_shared>> -> memref<10240x16xf32, #tpu.memory_space<vmem_shared>>
      tpu.wait_indirect_dma semaphore(%arg17 : memref<!tpu.dma_semaphore, #tpu.memory_space<semaphore_mem>>) src(%arg11 : memref<512x16xf32, #tpu.memory_space<vmem>>) dst(%dma_wait3A_263 : memref<10240x16xf32, #tpu.memory_space<vmem_shared>>)
      %mul3A_264 = arith.constant 4 : i32
      %mul3A_265 = arith.muli %add3A_182, %mul3A_264 : i32
      %add3A_266 = arith.constant 2 : i32
      %add3A_267 = arith.addi %mul3A_265, %add3A_266 : i32
      %dma_wait3A_268 = arith.constant 0 : i32
      %dma_wait3A_269 = tpu.memref_slice %arg8[%add3A_267, %dma_wait3A_268] : memref<20x512xi32, #tpu.memory_space<vmem>> -> memref<1x512xi32, #tpu.memory_space<vmem>>
      %dma_wait3A_270 = tpu.memref_squeeze %dma_wait3A_269 : memref<1x512xi32, #tpu.memory_space<vmem>> -> memref<512xi32, #tpu.memory_space<vmem>>
      %dma_wait3A_271 = arith.constant 0 : i32
      %dma_wait3A_272 = arith.constant 0 : i32
      %dma_wait3A_273 = tpu.memref_slice %arg12[%dma_wait3A_271, %dma_wait3A_272] : memref<10240x16xf32, #tpu.memory_space<vmem_shared>> -> memref<10240x16xf32, #tpu.memory_space<vmem_shared>>
      tpu.wait_indirect_dma semaphore(%arg17 : memref<!tpu.dma_semaphore, #tpu.memory_space<semaphore_mem>>) src(%arg11 : memref<512x16xf32, #tpu.memory_space<vmem>>) dst(%dma_wait3A_273 : memref<10240x16xf32, #tpu.memory_space<vmem_shared>>)
      %mul3A_274 = arith.constant 4 : i32
      %mul3A_275 = arith.muli %add3A_182, %mul3A_274 : i32
      %add3A_276 = arith.constant 3 : i32
      %add3A_277 = arith.addi %mul3A_275, %add3A_276 : i32
      %dma_wait3A_278 = arith.constant 0 : i32
      %dma_wait3A_279 = tpu.memref_slice %arg8[%add3A_277, %dma_wait3A_278] : memref<20x512xi32, #tpu.memory_space<vmem>> -> memref<1x512xi32, #tpu.memory_space<vmem>>
      %dma_wait3A_280 = tpu.memref_squeeze %dma_wait3A_279 : memref<1x512xi32, #tpu.memory_space<vmem>> -> memref<512xi32, #tpu.memory_space<vmem>>
      %dma_wait3A_281 = arith.constant 0 : i32
      %dma_wait3A_282 = arith.constant 0 : i32
      %dma_wait3A_283 = tpu.memref_slice %arg12[%dma_wait3A_281, %dma_wait3A_282] : memref<10240x16xf32, #tpu.memory_space<vmem_shared>> -> memref<10240x16xf32, #tpu.memory_space<vmem_shared>>
      tpu.wait_indirect_dma semaphore(%arg17 : memref<!tpu.dma_semaphore, #tpu.memory_space<semaphore_mem>>) src(%arg11 : memref<512x16xf32, #tpu.memory_space<vmem>>) dst(%dma_wait3A_283 : memref<10240x16xf32, #tpu.memory_space<vmem_shared>>)
      %add3A_284 = arith.constant 1 : i32
      %add3A_285 = arith.addi %add3A_180, %add3A_284 : i32
      %add3A_286 = arith.constant 1 : i32
      %add3A_287 = arith.addi %add3A_180, %add3A_286 : i32
      %lt3A_288 = arith.constant 5 : i32
      %lt3A_289 = arith.cmpi slt, %add3A_287, %lt3A_288 : i32
      %convert_element_type3A_290 = arith.extui %lt3A_289 : i1 to i32
      %cond3A_291 = arith.constant 0 : i32
      %cond3A_292 = arith.cmpi ne, %convert_element_type3A_290, %cond3A_291 : i32
      scf.if %cond3A_292 {
        %mul3A_293 = arith.constant 4 : i32
        %mul3A_294 = arith.muli %add3A_285, %mul3A_293 : i32
        %add3A_295 = arith.constant 0 : i32
        %add3A_296 = arith.addi %mul3A_294, %add3A_295 : i32
        %dma_start3A_297 = arith.constant 0 : i32
        %dma_start3A_298 = tpu.memref_slice %arg8[%add3A_296, %dma_start3A_297] : memref<20x512xi32, #tpu.memory_space<vmem>> -> memref<1x512xi32, #tpu.memory_space<vmem>>
        %dma_start3A_299 = tpu.memref_squeeze %dma_start3A_298 : memref<1x512xi32, #tpu.memory_space<vmem>> -> memref<512xi32, #tpu.memory_space<vmem>>
        %dma_start3A_300 = arith.constant 0 : i32
        %dma_start3A_301 = arith.constant 0 : i32
        %dma_start3A_302 = tpu.memref_slice %arg12[%dma_start3A_300, %dma_start3A_301] : memref<10240x16xf32, #tpu.memory_space<vmem_shared>> -> memref<10240x16xf32, #tpu.memory_space<vmem_shared>>
        tpu.enqueue_indirect_dma source(%arg11 : memref<512x16xf32, #tpu.memory_space<vmem>>) target(%dma_start3A_302 : memref<10240x16xf32, #tpu.memory_space<vmem_shared>>) offsets(%dma_start3A_299 : memref<512xi32, #tpu.memory_space<vmem>>) semaphore(%arg17 : memref<!tpu.dma_semaphore, #tpu.memory_space<semaphore_mem>>) {add = true}
        %mul3A_303 = arith.constant 4 : i32
        %mul3A_304 = arith.muli %add3A_285, %mul3A_303 : i32
        %add3A_305 = arith.constant 1 : i32
        %add3A_306 = arith.addi %mul3A_304, %add3A_305 : i32
        %dma_start3A_307 = arith.constant 0 : i32
        %dma_start3A_308 = tpu.memref_slice %arg8[%add3A_306, %dma_start3A_307] : memref<20x512xi32, #tpu.memory_space<vmem>> -> memref<1x512xi32, #tpu.memory_space<vmem>>
        %dma_start3A_309 = tpu.memref_squeeze %dma_start3A_308 : memref<1x512xi32, #tpu.memory_space<vmem>> -> memref<512xi32, #tpu.memory_space<vmem>>
        %dma_start3A_310 = arith.constant 0 : i32
        %dma_start3A_311 = arith.constant 0 : i32
        %dma_start3A_312 = tpu.memref_slice %arg12[%dma_start3A_310, %dma_start3A_311] : memref<10240x16xf32, #tpu.memory_space<vmem_shared>> -> memref<10240x16xf32, #tpu.memory_space<vmem_shared>>
        tpu.enqueue_indirect_dma source(%arg11 : memref<512x16xf32, #tpu.memory_space<vmem>>) target(%dma_start3A_312 : memref<10240x16xf32, #tpu.memory_space<vmem_shared>>) offsets(%dma_start3A_309 : memref<512xi32, #tpu.memory_space<vmem>>) semaphore(%arg17 : memref<!tpu.dma_semaphore, #tpu.memory_space<semaphore_mem>>) {add = true}
        %mul3A_313 = arith.constant 4 : i32
        %mul3A_314 = arith.muli %add3A_285, %mul3A_313 : i32
        %add3A_315 = arith.constant 2 : i32
        %add3A_316 = arith.addi %mul3A_314, %add3A_315 : i32
        %dma_start3A_317 = arith.constant 0 : i32
        %dma_start3A_318 = tpu.memref_slice %arg8[%add3A_316, %dma_start3A_317] : memref<20x512xi32, #tpu.memory_space<vmem>> -> memref<1x512xi32, #tpu.memory_space<vmem>>
        %dma_start3A_319 = tpu.memref_squeeze %dma_start3A_318 : memref<1x512xi32, #tpu.memory_space<vmem>> -> memref<512xi32, #tpu.memory_space<vmem>>
        %dma_start3A_320 = arith.constant 0 : i32
        %dma_start3A_321 = arith.constant 0 : i32
        %dma_start3A_322 = tpu.memref_slice %arg12[%dma_start3A_320, %dma_start3A_321] : memref<10240x16xf32, #tpu.memory_space<vmem_shared>> -> memref<10240x16xf32, #tpu.memory_space<vmem_shared>>
        tpu.enqueue_indirect_dma source(%arg11 : memref<512x16xf32, #tpu.memory_space<vmem>>) target(%dma_start3A_322 : memref<10240x16xf32, #tpu.memory_space<vmem_shared>>) offsets(%dma_start3A_319 : memref<512xi32, #tpu.memory_space<vmem>>) semaphore(%arg17 : memref<!tpu.dma_semaphore, #tpu.memory_space<semaphore_mem>>) {add = true}
        %mul3A_323 = arith.constant 4 : i32
        %mul3A_324 = arith.muli %add3A_285, %mul3A_323 : i32
        %add3A_325 = arith.constant 3 : i32
        %add3A_326 = arith.addi %mul3A_324, %add3A_325 : i32
        %dma_start3A_327 = arith.constant 0 : i32
        %dma_start3A_328 = tpu.memref_slice %arg8[%add3A_326, %dma_start3A_327] : memref<20x512xi32, #tpu.memory_space<vmem>> -> memref<1x512xi32, #tpu.memory_space<vmem>>
        %dma_start3A_329 = tpu.memref_squeeze %dma_start3A_328 : memref<1x512xi32, #tpu.memory_space<vmem>> -> memref<512xi32, #tpu.memory_space<vmem>>
        %dma_start3A_330 = arith.constant 0 : i32
        %dma_start3A_331 = arith.constant 0 : i32
        %dma_start3A_332 = tpu.memref_slice %arg12[%dma_start3A_330, %dma_start3A_331] : memref<10240x16xf32, #tpu.memory_space<vmem_shared>> -> memref<10240x16xf32, #tpu.memory_space<vmem_shared>>
        tpu.enqueue_indirect_dma source(%arg11 : memref<512x16xf32, #tpu.memory_space<vmem>>) target(%dma_start3A_332 : memref<10240x16xf32, #tpu.memory_space<vmem_shared>>) offsets(%dma_start3A_329 : memref<512xi32, #tpu.memory_space<vmem>>) semaphore(%arg17 : memref<!tpu.dma_semaphore, #tpu.memory_space<semaphore_mem>>) {add = true}
        %dma_wait3A_333 = arith.constant 0 : i32
        %dma_wait3A_334 = tpu.memref_slice %arg7[%add3A_285, %dma_wait3A_333] : memref<5x512xi32, #tpu.memory_space<vmem>> -> memref<1x512xi32, #tpu.memory_space<vmem>>
        %dma_wait3A_335 = tpu.memref_squeeze %dma_wait3A_334 : memref<1x512xi32, #tpu.memory_space<vmem>> -> memref<512xi32, #tpu.memory_space<vmem>>
        %dma_wait3A_336 = arith.constant 0 : i32
        %dma_wait3A_337 = arith.constant 0 : i32
        %dma_wait3A_338 = tpu.memref_slice %arg2[%dma_wait3A_336, %dma_wait3A_337] : memref<10000x80xf32, #tpu.memory_space<hbm>> -> memref<10000x80xf32, #tpu.memory_space<hbm>>
        tpu.wait_indirect_dma semaphore(%arg14 : memref<!tpu.dma_semaphore, #tpu.memory_space<semaphore_mem>>) src(%dma_wait3A_338 : memref<10000x80xf32, #tpu.memory_space<hbm>>) dst(%arg10 : memref<512x80xf32, #tpu.memory_space<vmem>>)
        %mul3A_339 = arith.constant 512 : i32
        %mul3A_340 = arith.muli %add3A_285, %mul3A_339 : i32
        %add3A_341 = arith.addi %mul3A_151, %mul3A_340 : i32
        %dma_start3A_342 = arith.constant 0 : i32
        %dma_start3A_343 = tpu.memref_slice %arg5[%add3A_341, %dma_start3A_342] : memref<81920x80xf32, #tpu.memory_space<hbm>> -> memref<512x80xf32, #tpu.memory_space<hbm>>
        %dma_start3A_344 = arith.constant 0 : i32
        %dma_start3A_345 = tpu.memref_slice %arg5[%add3A_341, %dma_start3A_344] : memref<81920x80xf32, #tpu.memory_space<hbm>> -> memref<512x80xf32, #tpu.memory_space<hbm>>
        tpu.enqueue_dma source(%arg10 : memref<512x80xf32, #tpu.memory_space<vmem>>) target(%dma_start3A_345 : memref<512x80xf32, #tpu.memory_space<hbm>>) target_semaphore(%arg16 : memref<!tpu.dma_semaphore, #tpu.memory_space<semaphore_mem>>)
        %dma_wait3A_346 = arith.constant 0 : i32
        %dma_wait3A_347 = tpu.memref_slice %arg5[%add3A_341, %dma_wait3A_346] : memref<81920x80xf32, #tpu.memory_space<hbm>> -> memref<512x80xf32, #tpu.memory_space<hbm>>
        %dma_wait3A_348 = arith.constant 0 : i32
        %dma_wait3A_349 = tpu.memref_slice %arg5[%add3A_341, %dma_wait3A_348] : memref<81920x80xf32, #tpu.memory_space<hbm>> -> memref<512x80xf32, #tpu.memory_space<hbm>>
        tpu.wait_dma2 semaphore(%arg16 : memref<!tpu.dma_semaphore, #tpu.memory_space<semaphore_mem>>) src(%arg10 : memref<512x80xf32, #tpu.memory_space<vmem>>) dst(%dma_wait3A_349 : memref<512x80xf32, #tpu.memory_space<hbm>>)
        %add3A_350 = arith.constant 2 : i32
        %add3A_351 = arith.addi %add3A_285, %add3A_350 : i32
        %lt3A_352 = arith.constant 5 : i32
        %lt3A_353 = arith.cmpi slt, %add3A_351, %lt3A_352 : i32
        %convert_element_type3A_354 = arith.extui %lt3A_353 : i1 to i32
        %cond3A_355 = arith.constant 0 : i32
        %cond3A_356 = arith.cmpi ne, %convert_element_type3A_354, %cond3A_355 : i32
        scf.if %cond3A_356 {
          %add3A_397 = arith.constant 2 : i32
          %add3A_398 = arith.addi %add3A_285, %add3A_397 : i32
          %dma_start3A_399 = arith.constant 0 : i32
          %dma_start3A_400 = tpu.memref_slice %arg7[%add3A_398, %dma_start3A_399] : memref<5x512xi32, #tpu.memory_space<vmem>> -> memref<1x512xi32, #tpu.memory_space<vmem>>
          %dma_start3A_401 = tpu.memref_squeeze %dma_start3A_400 : memref<1x512xi32, #tpu.memory_space<vmem>> -> memref<512xi32, #tpu.memory_space<vmem>>
          %dma_start3A_402 = arith.constant 0 : i32
          %dma_start3A_403 = arith.constant 0 : i32
          %dma_start3A_404 = tpu.memref_slice %arg2[%dma_start3A_402, %dma_start3A_403] : memref<10000x80xf32, #tpu.memory_space<hbm>> -> memref<10000x80xf32, #tpu.memory_space<hbm>>
          tpu.enqueue_indirect_dma source(%dma_start3A_404 : memref<10000x80xf32, #tpu.memory_space<hbm>>) target(%arg10 : memref<512x80xf32, #tpu.memory_space<vmem>>) offsets(%dma_start3A_401 : memref<512xi32, #tpu.memory_space<vmem>>) semaphore(%arg14 : memref<!tpu.dma_semaphore, #tpu.memory_space<semaphore_mem>>)
        } else {
        }
        %mul3A_357 = arith.constant 4 : i32
        %mul3A_358 = arith.muli %add3A_285, %mul3A_357 : i32
        %add3A_359 = arith.constant 0 : i32
        %add3A_360 = arith.addi %mul3A_358, %add3A_359 : i32
        %dma_wait3A_361 = arith.constant 0 : i32
        %dma_wait3A_362 = tpu.memref_slice %arg8[%add3A_360, %dma_wait3A_361] : memref<20x512xi32, #tpu.memory_space<vmem>> -> memref<1x512xi32, #tpu.memory_space<vmem>>
        %dma_wait3A_363 = tpu.memref_squeeze %dma_wait3A_362 : memref<1x512xi32, #tpu.memory_space<vmem>> -> memref<512xi32, #tpu.memory_space<vmem>>
        %dma_wait3A_364 = arith.constant 0 : i32
        %dma_wait3A_365 = arith.constant 0 : i32
        %dma_wait3A_366 = tpu.memref_slice %arg12[%dma_wait3A_364, %dma_wait3A_365] : memref<10240x16xf32, #tpu.memory_space<vmem_shared>> -> memref<10240x16xf32, #tpu.memory_space<vmem_shared>>
        tpu.wait_indirect_dma semaphore(%arg17 : memref<!tpu.dma_semaphore, #tpu.memory_space<semaphore_mem>>) src(%arg11 : memref<512x16xf32, #tpu.memory_space<vmem>>) dst(%dma_wait3A_366 : memref<10240x16xf32, #tpu.memory_space<vmem_shared>>)
        %mul3A_367 = arith.constant 4 : i32
        %mul3A_368 = arith.muli %add3A_285, %mul3A_367 : i32
        %add3A_369 = arith.constant 1 : i32
        %add3A_370 = arith.addi %mul3A_368, %add3A_369 : i32
        %dma_wait3A_371 = arith.constant 0 : i32
        %dma_wait3A_372 = tpu.memref_slice %arg8[%add3A_370, %dma_wait3A_371] : memref<20x512xi32, #tpu.memory_space<vmem>> -> memref<1x512xi32, #tpu.memory_space<vmem>>
        %dma_wait3A_373 = tpu.memref_squeeze %dma_wait3A_372 : memref<1x512xi32, #tpu.memory_space<vmem>> -> memref<512xi32, #tpu.memory_space<vmem>>
        %dma_wait3A_374 = arith.constant 0 : i32
        %dma_wait3A_375 = arith.constant 0 : i32
        %dma_wait3A_376 = tpu.memref_slice %arg12[%dma_wait3A_374, %dma_wait3A_375] : memref<10240x16xf32, #tpu.memory_space<vmem_shared>> -> memref<10240x16xf32, #tpu.memory_space<vmem_shared>>
        tpu.wait_indirect_dma semaphore(%arg17 : memref<!tpu.dma_semaphore, #tpu.memory_space<semaphore_mem>>) src(%arg11 : memref<512x16xf32, #tpu.memory_space<vmem>>) dst(%dma_wait3A_376 : memref<10240x16xf32, #tpu.memory_space<vmem_shared>>)
        %mul3A_377 = arith.constant 4 : i32
        %mul3A_378 = arith.muli %add3A_285, %mul3A_377 : i32
        %add3A_379 = arith.constant 2 : i32
        %add3A_380 = arith.addi %mul3A_378, %add3A_379 : i32
        %dma_wait3A_381 = arith.constant 0 : i32
        %dma_wait3A_382 = tpu.memref_slice %arg8[%add3A_380, %dma_wait3A_381] : memref<20x512xi32, #tpu.memory_space<vmem>> -> memref<1x512xi32, #tpu.memory_space<vmem>>
        %dma_wait3A_383 = tpu.memref_squeeze %dma_wait3A_382 : memref<1x512xi32, #tpu.memory_space<vmem>> -> memref<512xi32, #tpu.memory_space<vmem>>
        %dma_wait3A_384 = arith.constant 0 : i32
        %dma_wait3A_385 = arith.constant 0 : i32
        %dma_wait3A_386 = tpu.memref_slice %arg12[%dma_wait3A_384, %dma_wait3A_385] : memref<10240x16xf32, #tpu.memory_space<vmem_shared>> -> memref<10240x16xf32, #tpu.memory_space<vmem_shared>>
        tpu.wait_indirect_dma semaphore(%arg17 : memref<!tpu.dma_semaphore, #tpu.memory_space<semaphore_mem>>) src(%arg11 : memref<512x16xf32, #tpu.memory_space<vmem>>) dst(%dma_wait3A_386 : memref<10240x16xf32, #tpu.memory_space<vmem_shared>>)
        %mul3A_387 = arith.constant 4 : i32
        %mul3A_388 = arith.muli %add3A_285, %mul3A_387 : i32
        %add3A_389 = arith.constant 3 : i32
        %add3A_390 = arith.addi %mul3A_388, %add3A_389 : i32
        %dma_wait3A_391 = arith.constant 0 : i32
        %dma_wait3A_392 = tpu.memref_slice %arg8[%add3A_390, %dma_wait3A_391] : memref<20x512xi32, #tpu.memory_space<vmem>> -> memref<1x512xi32, #tpu.memory_space<vmem>>
        %dma_wait3A_393 = tpu.memref_squeeze %dma_wait3A_392 : memref<1x512xi32, #tpu.memory_space<vmem>> -> memref<512xi32, #tpu.memory_space<vmem>>
        %dma_wait3A_394 = arith.constant 0 : i32
        %dma_wait3A_395 = arith.constant 0 : i32
        %dma_wait3A_396 = tpu.memref_slice %arg12[%dma_wait3A_394, %dma_wait3A_395] : memref<10240x16xf32, #tpu.memory_space<vmem_shared>> -> memref<10240x16xf32, #tpu.memory_space<vmem_shared>>
        tpu.wait_indirect_dma semaphore(%arg17 : memref<!tpu.dma_semaphore, #tpu.memory_space<semaphore_mem>>) src(%arg11 : memref<512x16xf32, #tpu.memory_space<vmem>>) dst(%dma_wait3A_396 : memref<10240x16xf32, #tpu.memory_space<vmem_shared>>)
      } else {
      }
    }
    %scan3A_170 = arith.constant 3 : i32
    %barrier3A_171 = arith.constant 0 : index
    tpu.barrier barrier_id(%barrier3A_171)
    %mul3A_172 = arith.constant 625 : i32
    %mul3A_173 = arith.muli %arg1, %mul3A_172 : i32
    %mul3A_174 = arith.constant 625 : i32
    %mul3A_175 = arith.muli %arg1, %mul3A_174 : i32
    "tpu.region"() ({
      %run_scoped3A = tpu.sem_alloc : memref<!tpu.dma_semaphore, #tpu.memory_space<semaphore_mem>>
      %dma_start3A_176 = arith.constant 0 : i32
      %dma_start3A_177 = arith.constant 0 : i32
      %dma_start3A_178 = tpu.memref_slice %arg6[%arg0, %dma_start3A_176, %dma_start3A_177] : memref<2x10000x16xf32, #tpu.memory_space<hbm>> -> memref<1x10000x16xf32, #tpu.memory_space<hbm>>
      %dma_start3A_179 = tpu.memref_squeeze %dma_start3A_178 : memref<1x10000x16xf32, #tpu.memory_space<hbm>> -> memref<10000x16xf32, #tpu.memory_space<hbm>>
      %dma_start3A_180 = arith.constant 0 : i32
      %dma_start3A_181 = tpu.memref_slice %dma_start3A_179[%mul3A_175, %dma_start3A_180] : memref<10000x16xf32, #tpu.memory_space<hbm>> -> memref<625x16xf32, #tpu.memory_space<hbm>>
      %dma_start3A_182 = arith.constant 0 : i32
      %dma_start3A_183 = tpu.memref_slice %arg12[%mul3A_173, %dma_start3A_182] : memref<10240x16xf32, #tpu.memory_space<vmem_shared>> -> memref<625x16xf32, #tpu.memory_space<vmem_shared>>
      tpu.enqueue_dma source(%dma_start3A_183 : memref<625x16xf32, #tpu.memory_space<vmem_shared>>) target(%dma_start3A_181 : memref<625x16xf32, #tpu.memory_space<hbm>>) target_semaphore(%run_scoped3A : memref<!tpu.dma_semaphore, #tpu.memory_space<semaphore_mem>>)
      %dma_wait3A_184 = arith.constant 0 : i32
      %dma_wait3A_185 = arith.constant 0 : i32
      %dma_wait3A_186 = tpu.memref_slice %arg6[%arg0, %dma_wait3A_184, %dma_wait3A_185] : memref<2x10000x16xf32, #tpu.memory_space<hbm>> -> memref<1x10000x16xf32, #tpu.memory_space<hbm>>
      %dma_wait3A_187 = tpu.memref_squeeze %dma_wait3A_186 : memref<1x10000x16xf32, #tpu.memory_space<hbm>> -> memref<10000x16xf32, #tpu.memory_space<hbm>>
      %dma_wait3A_188 = arith.constant 0 : i32
      %dma_wait3A_189 = tpu.memref_slice %dma_wait3A_187[%mul3A_175, %dma_wait3A_188] : memref<10000x16xf32, #tpu.memory_space<hbm>> -> memref<625x16xf32, #tpu.memory_space<hbm>>
      %dma_wait3A_190 = arith.constant 0 : i32
      %dma_wait3A_191 = tpu.memref_slice %arg12[%mul3A_173, %dma_wait3A_190] : memref<10240x16xf32, #tpu.memory_space<vmem_shared>> -> memref<625x16xf32, #tpu.memory_space<vmem_shared>>
      tpu.wait_dma2 semaphore(%run_scoped3A : memref<!tpu.dma_semaphore, #tpu.memory_space<semaphore_mem>>) src(%dma_wait3A_191 : memref<625x16xf32, #tpu.memory_space<vmem_shared>>) dst(%dma_wait3A_189 : memref<625x16xf32, #tpu.memory_space<hbm>>)
      tpu.yield
    }) : () -> ()
    return
  }
}

#map = affine_map<(d0, d1) -> (0, 0)>
#map1 = affine_map<(d0, d1) -> (0, 0, 0)>
module attributes {stable_mosaic.version = 14 : i64} {
  func.func @k(%arg0: i32, %arg1: i32, %arg2: memref<20000x64xf32, #tpu.memory_space<hbm>>, %arg3: memref<32x20x512xi32, #tpu.memory_space<hbm>>, %arg4: memref<32x20x512xi32, #tpu.memory_space<hbm>>, %arg5: memref<2x10000x64xf32, #tpu.memory_space<hbm>>, %arg6: memref<20x512xi32, #tpu.memory_space<vmem>>, %arg7: memref<20x512xi32, #tpu.memory_space<vmem>>, %arg8: memref<512x64xf32, #tpu.memory_space<vmem>>, %arg9: memref<512x64xf32, #tpu.memory_space<vmem>>, %arg10: memref<10240x64xf32, #tpu.memory_space<vmem_shared>>, %arg11: memref<!tpu.dma_semaphore, #tpu.memory_space<semaphore_mem>>, %arg12: memref<!tpu.dma_semaphore, #tpu.memory_space<semaphore_mem>>, %arg13: memref<!tpu.dma_semaphore, #tpu.memory_space<semaphore_mem>>, %arg14: memref<!tpu.dma_semaphore, #tpu.memory_space<semaphore_mem>>) attributes {dimension_semantics = [#tpu.dimension_semantics<core_parallel>, #tpu.dimension_semantics<subcore_parallel>], iteration_bounds = array<i64: 2, 16>, scalar_prefetch = 0 : i64, scratch_operands = 9 : i64, tpu.core_type = #tpu.core_type<sc_vector_subcore>, window_params = [{transform_indices = #map}, {transform_indices = #map1}, {transform_indices = #map1}, {transform_indices = #map1}]} {
    %mul3A = arith.constant 16 : i32
    %mul3A_0 = arith.muli %arg0, %mul3A : i32
    %add3A = arith.addi %mul3A_0, %arg1 : i32
    "tpu.region"() ({
      %run_scoped3A = tpu.sem_alloc : memref<!tpu.dma_semaphore, #tpu.memory_space<semaphore_mem>>
      %dma_start3A_167 = arith.constant 0 : i32
      %dma_start3A_168 = arith.constant 0 : i32
      %dma_start3A_169 = tpu.memref_slice %arg3[%add3A, %dma_start3A_167, %dma_start3A_168] : memref<32x20x512xi32, #tpu.memory_space<hbm>> -> memref<1x20x512xi32, #tpu.memory_space<hbm>>
      %dma_start3A_170 = tpu.memref_squeeze %dma_start3A_169 : memref<1x20x512xi32, #tpu.memory_space<hbm>> -> memref<20x512xi32, #tpu.memory_space<hbm>>
      %dma_start3A_171 = arith.constant 0 : i32
      %dma_start3A_172 = arith.constant 0 : i32
      %dma_start3A_173 = tpu.memref_slice %arg3[%add3A, %dma_start3A_171, %dma_start3A_172] : memref<32x20x512xi32, #tpu.memory_space<hbm>> -> memref<1x20x512xi32, #tpu.memory_space<hbm>>
      %dma_start3A_174 = tpu.memref_squeeze %dma_start3A_173 : memref<1x20x512xi32, #tpu.memory_space<hbm>> -> memref<20x512xi32, #tpu.memory_space<hbm>>
      tpu.enqueue_dma source(%dma_start3A_174 : memref<20x512xi32, #tpu.memory_space<hbm>>) target(%arg6 : memref<20x512xi32, #tpu.memory_space<vmem>>) target_semaphore(%run_scoped3A : memref<!tpu.dma_semaphore, #tpu.memory_space<semaphore_mem>>)
      %dma_wait3A_175 = arith.constant 0 : i32
      %dma_wait3A_176 = arith.constant 0 : i32
      %dma_wait3A_177 = tpu.memref_slice %arg3[%add3A, %dma_wait3A_175, %dma_wait3A_176] : memref<32x20x512xi32, #tpu.memory_space<hbm>> -> memref<1x20x512xi32, #tpu.memory_space<hbm>>
      %dma_wait3A_178 = tpu.memref_squeeze %dma_wait3A_177 : memref<1x20x512xi32, #tpu.memory_space<hbm>> -> memref<20x512xi32, #tpu.memory_space<hbm>>
      %dma_wait3A_179 = arith.constant 0 : i32
      %dma_wait3A_180 = arith.constant 0 : i32
      %dma_wait3A_181 = tpu.memref_slice %arg3[%add3A, %dma_wait3A_179, %dma_wait3A_180] : memref<32x20x512xi32, #tpu.memory_space<hbm>> -> memref<1x20x512xi32, #tpu.memory_space<hbm>>
      %dma_wait3A_182 = tpu.memref_squeeze %dma_wait3A_181 : memref<1x20x512xi32, #tpu.memory_space<hbm>> -> memref<20x512xi32, #tpu.memory_space<hbm>>
      tpu.wait_dma2 semaphore(%run_scoped3A : memref<!tpu.dma_semaphore, #tpu.memory_space<semaphore_mem>>) src(%dma_wait3A_182 : memref<20x512xi32, #tpu.memory_space<hbm>>) dst(%arg6 : memref<20x512xi32, #tpu.memory_space<vmem>>)
      tpu.yield
    }) : () -> ()
    "tpu.region"() ({
      %run_scoped3A = tpu.sem_alloc : memref<!tpu.dma_semaphore, #tpu.memory_space<semaphore_mem>>
      %dma_start3A_167 = arith.constant 0 : i32
      %dma_start3A_168 = arith.constant 0 : i32
      %dma_start3A_169 = tpu.memref_slice %arg4[%add3A, %dma_start3A_167, %dma_start3A_168] : memref<32x20x512xi32, #tpu.memory_space<hbm>> -> memref<1x20x512xi32, #tpu.memory_space<hbm>>
      %dma_start3A_170 = tpu.memref_squeeze %dma_start3A_169 : memref<1x20x512xi32, #tpu.memory_space<hbm>> -> memref<20x512xi32, #tpu.memory_space<hbm>>
      %dma_start3A_171 = arith.constant 0 : i32
      %dma_start3A_172 = arith.constant 0 : i32
      %dma_start3A_173 = tpu.memref_slice %arg4[%add3A, %dma_start3A_171, %dma_start3A_172] : memref<32x20x512xi32, #tpu.memory_space<hbm>> -> memref<1x20x512xi32, #tpu.memory_space<hbm>>
      %dma_start3A_174 = tpu.memref_squeeze %dma_start3A_173 : memref<1x20x512xi32, #tpu.memory_space<hbm>> -> memref<20x512xi32, #tpu.memory_space<hbm>>
      tpu.enqueue_dma source(%dma_start3A_174 : memref<20x512xi32, #tpu.memory_space<hbm>>) target(%arg7 : memref<20x512xi32, #tpu.memory_space<vmem>>) target_semaphore(%run_scoped3A : memref<!tpu.dma_semaphore, #tpu.memory_space<semaphore_mem>>)
      %dma_wait3A_175 = arith.constant 0 : i32
      %dma_wait3A_176 = arith.constant 0 : i32
      %dma_wait3A_177 = tpu.memref_slice %arg4[%add3A, %dma_wait3A_175, %dma_wait3A_176] : memref<32x20x512xi32, #tpu.memory_space<hbm>> -> memref<1x20x512xi32, #tpu.memory_space<hbm>>
      %dma_wait3A_178 = tpu.memref_squeeze %dma_wait3A_177 : memref<1x20x512xi32, #tpu.memory_space<hbm>> -> memref<20x512xi32, #tpu.memory_space<hbm>>
      %dma_wait3A_179 = arith.constant 0 : i32
      %dma_wait3A_180 = arith.constant 0 : i32
      %dma_wait3A_181 = tpu.memref_slice %arg4[%add3A, %dma_wait3A_179, %dma_wait3A_180] : memref<32x20x512xi32, #tpu.memory_space<hbm>> -> memref<1x20x512xi32, #tpu.memory_space<hbm>>
      %dma_wait3A_182 = tpu.memref_squeeze %dma_wait3A_181 : memref<1x20x512xi32, #tpu.memory_space<hbm>> -> memref<20x512xi32, #tpu.memory_space<hbm>>
      tpu.wait_dma2 semaphore(%run_scoped3A : memref<!tpu.dma_semaphore, #tpu.memory_space<semaphore_mem>>) src(%dma_wait3A_182 : memref<20x512xi32, #tpu.memory_space<hbm>>) dst(%arg7 : memref<20x512xi32, #tpu.memory_space<vmem>>)
      tpu.yield
    }) : () -> ()
    %scan3A = arith.constant 0 : i32
    %scan3A_1 = arith.constant 128 : i32
    %scan3A_2 = arith.addi %scan3A, %scan3A_1 : i32
    %scan3A_3 = arith.constant 1 : i32
    scf.for %scan3A_167 = %scan3A to %scan3A_2 step %scan3A_3  : i32 {
      %mul3A_168 = arith.constant 1 : i32
      %mul3A_169 = arith.muli %scan3A_167, %mul3A_168 : i32
      %add3A_170 = arith.constant 0 : i32
      %add3A_171 = arith.addi %add3A_170, %mul3A_169 : i32
      %scan3A_172 = arith.constant 0 : i32
      %scan3A_173 = arith.constant 4 : i32
      %scan3A_174 = arith.addi %scan3A_172, %scan3A_173 : i32
      %scan3A_175 = arith.constant 1 : i32
      scf.for %scan3A_177 = %scan3A_172 to %scan3A_174 step %scan3A_175  : i32 {
        %mul3A_178 = arith.constant 16 : i32
        %mul3A_179 = arith.muli %scan3A_177, %mul3A_178 : i32
        %add3A_180 = arith.constant 0 : i32
        %add3A_181 = arith.addi %add3A_180, %mul3A_179 : i32
        %broadcast_in_dim3A = arith.constant 0.000000e+00 : f32
        %broadcast_in_dim3A_182 = vector.broadcast %broadcast_in_dim3A : f32 to vector<1x16xf32>
        %swap3A = arith.index_cast %add3A_171 : i32 to index
        %swap3A_183 = arith.index_cast %add3A_181 : i32 to index
        %swap3A_184 = tpu.vector_load %arg8[%swap3A, %swap3A_183] {strides = array<i32>} : memref<512x64xf32, #tpu.memory_space<vmem>>, vector<1x16xf32>,
        %swap3A_185 = vector.shape_cast %swap3A_184 : vector<1x16xf32> to vector<1x16xf32>
        %swap3A_186 = vector.shape_cast %broadcast_in_dim3A_182 : vector<1x16xf32> to vector<1x16xf32>
        tpu.vector_store %arg8[%swap3A, %swap3A_183], %swap3A_186 {strides = array<i32>} : memref<512x64xf32, #tpu.memory_space<vmem>>, vector<1x16xf32>,
      }
      %scan3A_176 = arith.constant 4 : i32
    }
    %scan3A_4 = arith.constant 128 : i32
    %mul3A_5 = arith.constant 640 : i32
    %mul3A_6 = arith.muli %arg1, %mul3A_5 : i32
    %add3A_7 = arith.constant 0 : i32
    %add3A_8 = arith.addi %mul3A_6, %add3A_7 : i32
    %dma_start3A = arith.constant 0 : i32
    %dma_start3A_9 = arith.constant 0 : i32
    %dma_start3A_10 = tpu.memref_slice %arg8[%dma_start3A, %dma_start3A_9] : memref<512x64xf32, #tpu.memory_space<vmem>> -> memref<128x64xf32, #tpu.memory_space<vmem>>
    %dma_start3A_11 = arith.constant 0 : i32
    %dma_start3A_12 = tpu.memref_slice %arg10[%add3A_8, %dma_start3A_11] : memref<10240x64xf32, #tpu.memory_space<vmem_shared>> -> memref<128x64xf32, #tpu.memory_space<vmem_shared>>
    %dma_start3A_13 = arith.constant 0 : i32
    %dma_start3A_14 = tpu.memref_slice %arg10[%add3A_8, %dma_start3A_13] : memref<10240x64xf32, #tpu.memory_space<vmem_shared>> -> memref<128x64xf32, #tpu.memory_space<vmem_shared>>
    %dma_start3A_15 = arith.constant 0 : i32
    %dma_start3A_16 = arith.constant 0 : i32
    %dma_start3A_17 = tpu.memref_slice %arg8[%dma_start3A_15, %dma_start3A_16] : memref<512x64xf32, #tpu.memory_space<vmem>> -> memref<128x64xf32, #tpu.memory_space<vmem>>
    tpu.enqueue_dma source(%dma_start3A_17 : memref<128x64xf32, #tpu.memory_space<vmem>>) target(%dma_start3A_14 : memref<128x64xf32, #tpu.memory_space<vmem_shared>>) target_semaphore(%arg11 : memref<!tpu.dma_semaphore, #tpu.memory_space<semaphore_mem>>)
    %mul3A_18 = arith.constant 640 : i32
    %mul3A_19 = arith.muli %arg1, %mul3A_18 : i32
    %add3A_20 = arith.constant 128 : i32
    %add3A_21 = arith.addi %mul3A_19, %add3A_20 : i32
    %dma_start3A_22 = arith.constant 0 : i32
    %dma_start3A_23 = arith.constant 0 : i32
    %dma_start3A_24 = tpu.memref_slice %arg8[%dma_start3A_22, %dma_start3A_23] : memref<512x64xf32, #tpu.memory_space<vmem>> -> memref<128x64xf32, #tpu.memory_space<vmem>>
    %dma_start3A_25 = arith.constant 0 : i32
    %dma_start3A_26 = tpu.memref_slice %arg10[%add3A_21, %dma_start3A_25] : memref<10240x64xf32, #tpu.memory_space<vmem_shared>> -> memref<128x64xf32, #tpu.memory_space<vmem_shared>>
    %dma_start3A_27 = arith.constant 0 : i32
    %dma_start3A_28 = tpu.memref_slice %arg10[%add3A_21, %dma_start3A_27] : memref<10240x64xf32, #tpu.memory_space<vmem_shared>> -> memref<128x64xf32, #tpu.memory_space<vmem_shared>>
    %dma_start3A_29 = arith.constant 0 : i32
    %dma_start3A_30 = arith.constant 0 : i32
    %dma_start3A_31 = tpu.memref_slice %arg8[%dma_start3A_29, %dma_start3A_30] : memref<512x64xf32, #tpu.memory_space<vmem>> -> memref<128x64xf32, #tpu.memory_space<vmem>>
    tpu.enqueue_dma source(%dma_start3A_31 : memref<128x64xf32, #tpu.memory_space<vmem>>) target(%dma_start3A_28 : memref<128x64xf32, #tpu.memory_space<vmem_shared>>) target_semaphore(%arg11 : memref<!tpu.dma_semaphore, #tpu.memory_space<semaphore_mem>>)
    %mul3A_32 = arith.constant 640 : i32
    %mul3A_33 = arith.muli %arg1, %mul3A_32 : i32
    %add3A_34 = arith.constant 256 : i32
    %add3A_35 = arith.addi %mul3A_33, %add3A_34 : i32
    %dma_start3A_36 = arith.constant 0 : i32
    %dma_start3A_37 = arith.constant 0 : i32
    %dma_start3A_38 = tpu.memref_slice %arg8[%dma_start3A_36, %dma_start3A_37] : memref<512x64xf32, #tpu.memory_space<vmem>> -> memref<128x64xf32, #tpu.memory_space<vmem>>
    %dma_start3A_39 = arith.constant 0 : i32
    %dma_start3A_40 = tpu.memref_slice %arg10[%add3A_35, %dma_start3A_39] : memref<10240x64xf32, #tpu.memory_space<vmem_shared>> -> memref<128x64xf32, #tpu.memory_space<vmem_shared>>
    %dma_start3A_41 = arith.constant 0 : i32
    %dma_start3A_42 = tpu.memref_slice %arg10[%add3A_35, %dma_start3A_41] : memref<10240x64xf32, #tpu.memory_space<vmem_shared>> -> memref<128x64xf32, #tpu.memory_space<vmem_shared>>
    %dma_start3A_43 = arith.constant 0 : i32
    %dma_start3A_44 = arith.constant 0 : i32
    %dma_start3A_45 = tpu.memref_slice %arg8[%dma_start3A_43, %dma_start3A_44] : memref<512x64xf32, #tpu.memory_space<vmem>> -> memref<128x64xf32, #tpu.memory_space<vmem>>
    tpu.enqueue_dma source(%dma_start3A_45 : memref<128x64xf32, #tpu.memory_space<vmem>>) target(%dma_start3A_42 : memref<128x64xf32, #tpu.memory_space<vmem_shared>>) target_semaphore(%arg11 : memref<!tpu.dma_semaphore, #tpu.memory_space<semaphore_mem>>)
    %mul3A_46 = arith.constant 640 : i32
    %mul3A_47 = arith.muli %arg1, %mul3A_46 : i32
    %add3A_48 = arith.constant 384 : i32
    %add3A_49 = arith.addi %mul3A_47, %add3A_48 : i32
    %dma_start3A_50 = arith.constant 0 : i32
    %dma_start3A_51 = arith.constant 0 : i32
    %dma_start3A_52 = tpu.memref_slice %arg8[%dma_start3A_50, %dma_start3A_51] : memref<512x64xf32, #tpu.memory_space<vmem>> -> memref<128x64xf32, #tpu.memory_space<vmem>>
    %dma_start3A_53 = arith.constant 0 : i32
    %dma_start3A_54 = tpu.memref_slice %arg10[%add3A_49, %dma_start3A_53] : memref<10240x64xf32, #tpu.memory_space<vmem_shared>> -> memref<128x64xf32, #tpu.memory_space<vmem_shared>>
    %dma_start3A_55 = arith.constant 0 : i32
    %dma_start3A_56 = tpu.memref_slice %arg10[%add3A_49, %dma_start3A_55] : memref<10240x64xf32, #tpu.memory_space<vmem_shared>> -> memref<128x64xf32, #tpu.memory_space<vmem_shared>>
    %dma_start3A_57 = arith.constant 0 : i32
    %dma_start3A_58 = arith.constant 0 : i32
    %dma_start3A_59 = tpu.memref_slice %arg8[%dma_start3A_57, %dma_start3A_58] : memref<512x64xf32, #tpu.memory_space<vmem>> -> memref<128x64xf32, #tpu.memory_space<vmem>>
    tpu.enqueue_dma source(%dma_start3A_59 : memref<128x64xf32, #tpu.memory_space<vmem>>) target(%dma_start3A_56 : memref<128x64xf32, #tpu.memory_space<vmem_shared>>) target_semaphore(%arg11 : memref<!tpu.dma_semaphore, #tpu.memory_space<semaphore_mem>>)
    %mul3A_60 = arith.constant 640 : i32
    %mul3A_61 = arith.muli %arg1, %mul3A_60 : i32
    %add3A_62 = arith.constant 512 : i32
    %add3A_63 = arith.addi %mul3A_61, %add3A_62 : i32
    %dma_start3A_64 = arith.constant 0 : i32
    %dma_start3A_65 = arith.constant 0 : i32
    %dma_start3A_66 = tpu.memref_slice %arg8[%dma_start3A_64, %dma_start3A_65] : memref<512x64xf32, #tpu.memory_space<vmem>> -> memref<128x64xf32, #tpu.memory_space<vmem>>
    %dma_start3A_67 = arith.constant 0 : i32
    %dma_start3A_68 = tpu.memref_slice %arg10[%add3A_63, %dma_start3A_67] : memref<10240x64xf32, #tpu.memory_space<vmem_shared>> -> memref<128x64xf32, #tpu.memory_space<vmem_shared>>
    %dma_start3A_69 = arith.constant 0 : i32
    %dma_start3A_70 = tpu.memref_slice %arg10[%add3A_63, %dma_start3A_69] : memref<10240x64xf32, #tpu.memory_space<vmem_shared>> -> memref<128x64xf32, #tpu.memory_space<vmem_shared>>
    %dma_start3A_71 = arith.constant 0 : i32
    %dma_start3A_72 = arith.constant 0 : i32
    %dma_start3A_73 = tpu.memref_slice %arg8[%dma_start3A_71, %dma_start3A_72] : memref<512x64xf32, #tpu.memory_space<vmem>> -> memref<128x64xf32, #tpu.memory_space<vmem>>
    tpu.enqueue_dma source(%dma_start3A_73 : memref<128x64xf32, #tpu.memory_space<vmem>>) target(%dma_start3A_70 : memref<128x64xf32, #tpu.memory_space<vmem_shared>>) target_semaphore(%arg11 : memref<!tpu.dma_semaphore, #tpu.memory_space<semaphore_mem>>)
    %mul3A_74 = arith.constant 640 : i32
    %mul3A_75 = arith.muli %arg1, %mul3A_74 : i32
    %add3A_76 = arith.constant 0 : i32
    %add3A_77 = arith.addi %mul3A_75, %add3A_76 : i32
    %dma_wait3A = arith.constant 0 : i32
    %dma_wait3A_78 = arith.constant 0 : i32
    %dma_wait3A_79 = tpu.memref_slice %arg8[%dma_wait3A, %dma_wait3A_78] : memref<512x64xf32, #tpu.memory_space<vmem>> -> memref<128x64xf32, #tpu.memory_space<vmem>>
    %dma_wait3A_80 = arith.constant 0 : i32
    %dma_wait3A_81 = tpu.memref_slice %arg10[%add3A_77, %dma_wait3A_80] : memref<10240x64xf32, #tpu.memory_space<vmem_shared>> -> memref<128x64xf32, #tpu.memory_space<vmem_shared>>
    %dma_wait3A_82 = arith.constant 0 : i32
    %dma_wait3A_83 = tpu.memref_slice %arg10[%add3A_77, %dma_wait3A_82] : memref<10240x64xf32, #tpu.memory_space<vmem_shared>> -> memref<128x64xf32, #tpu.memory_space<vmem_shared>>
    %dma_wait3A_84 = arith.constant 0 : i32
    %dma_wait3A_85 = arith.constant 0 : i32
    %dma_wait3A_86 = tpu.memref_slice %arg8[%dma_wait3A_84, %dma_wait3A_85] : memref<512x64xf32, #tpu.memory_space<vmem>> -> memref<128x64xf32, #tpu.memory_space<vmem>>
    tpu.wait_dma2 semaphore(%arg11 : memref<!tpu.dma_semaphore, #tpu.memory_space<semaphore_mem>>) src(%dma_wait3A_86 : memref<128x64xf32, #tpu.memory_space<vmem>>) dst(%dma_wait3A_83 : memref<128x64xf32, #tpu.memory_space<vmem_shared>>)
    %mul3A_87 = arith.constant 640 : i32
    %mul3A_88 = arith.muli %arg1, %mul3A_87 : i32
    %add3A_89 = arith.constant 128 : i32
    %add3A_90 = arith.addi %mul3A_88, %add3A_89 : i32
    %dma_wait3A_91 = arith.constant 0 : i32
    %dma_wait3A_92 = arith.constant 0 : i32
    %dma_wait3A_93 = tpu.memref_slice %arg8[%dma_wait3A_91, %dma_wait3A_92] : memref<512x64xf32, #tpu.memory_space<vmem>> -> memref<128x64xf32, #tpu.memory_space<vmem>>
    %dma_wait3A_94 = arith.constant 0 : i32
    %dma_wait3A_95 = tpu.memref_slice %arg10[%add3A_90, %dma_wait3A_94] : memref<10240x64xf32, #tpu.memory_space<vmem_shared>> -> memref<128x64xf32, #tpu.memory_space<vmem_shared>>
    %dma_wait3A_96 = arith.constant 0 : i32
    %dma_wait3A_97 = tpu.memref_slice %arg10[%add3A_90, %dma_wait3A_96] : memref<10240x64xf32, #tpu.memory_space<vmem_shared>> -> memref<128x64xf32, #tpu.memory_space<vmem_shared>>
    %dma_wait3A_98 = arith.constant 0 : i32
    %dma_wait3A_99 = arith.constant 0 : i32
    %dma_wait3A_100 = tpu.memref_slice %arg8[%dma_wait3A_98, %dma_wait3A_99] : memref<512x64xf32, #tpu.memory_space<vmem>> -> memref<128x64xf32, #tpu.memory_space<vmem>>
    tpu.wait_dma2 semaphore(%arg11 : memref<!tpu.dma_semaphore, #tpu.memory_space<semaphore_mem>>) src(%dma_wait3A_100 : memref<128x64xf32, #tpu.memory_space<vmem>>) dst(%dma_wait3A_97 : memref<128x64xf32, #tpu.memory_space<vmem_shared>>)
    %mul3A_101 = arith.constant 640 : i32
    %mul3A_102 = arith.muli %arg1, %mul3A_101 : i32
    %add3A_103 = arith.constant 256 : i32
    %add3A_104 = arith.addi %mul3A_102, %add3A_103 : i32
    %dma_wait3A_105 = arith.constant 0 : i32
    %dma_wait3A_106 = arith.constant 0 : i32
    %dma_wait3A_107 = tpu.memref_slice %arg8[%dma_wait3A_105, %dma_wait3A_106] : memref<512x64xf32, #tpu.memory_space<vmem>> -> memref<128x64xf32, #tpu.memory_space<vmem>>
    %dma_wait3A_108 = arith.constant 0 : i32
    %dma_wait3A_109 = tpu.memref_slice %arg10[%add3A_104, %dma_wait3A_108] : memref<10240x64xf32, #tpu.memory_space<vmem_shared>> -> memref<128x64xf32, #tpu.memory_space<vmem_shared>>
    %dma_wait3A_110 = arith.constant 0 : i32
    %dma_wait3A_111 = tpu.memref_slice %arg10[%add3A_104, %dma_wait3A_110] : memref<10240x64xf32, #tpu.memory_space<vmem_shared>> -> memref<128x64xf32, #tpu.memory_space<vmem_shared>>
    %dma_wait3A_112 = arith.constant 0 : i32
    %dma_wait3A_113 = arith.constant 0 : i32
    %dma_wait3A_114 = tpu.memref_slice %arg8[%dma_wait3A_112, %dma_wait3A_113] : memref<512x64xf32, #tpu.memory_space<vmem>> -> memref<128x64xf32, #tpu.memory_space<vmem>>
    tpu.wait_dma2 semaphore(%arg11 : memref<!tpu.dma_semaphore, #tpu.memory_space<semaphore_mem>>) src(%dma_wait3A_114 : memref<128x64xf32, #tpu.memory_space<vmem>>) dst(%dma_wait3A_111 : memref<128x64xf32, #tpu.memory_space<vmem_shared>>)
    %mul3A_115 = arith.constant 640 : i32
    %mul3A_116 = arith.muli %arg1, %mul3A_115 : i32
    %add3A_117 = arith.constant 384 : i32
    %add3A_118 = arith.addi %mul3A_116, %add3A_117 : i32
    %dma_wait3A_119 = arith.constant 0 : i32
    %dma_wait3A_120 = arith.constant 0 : i32
    %dma_wait3A_121 = tpu.memref_slice %arg8[%dma_wait3A_119, %dma_wait3A_120] : memref<512x64xf32, #tpu.memory_space<vmem>> -> memref<128x64xf32, #tpu.memory_space<vmem>>
    %dma_wait3A_122 = arith.constant 0 : i32
    %dma_wait3A_123 = tpu.memref_slice %arg10[%add3A_118, %dma_wait3A_122] : memref<10240x64xf32, #tpu.memory_space<vmem_shared>> -> memref<128x64xf32, #tpu.memory_space<vmem_shared>>
    %dma_wait3A_124 = arith.constant 0 : i32
    %dma_wait3A_125 = tpu.memref_slice %arg10[%add3A_118, %dma_wait3A_124] : memref<10240x64xf32, #tpu.memory_space<vmem_shared>> -> memref<128x64xf32, #tpu.memory_space<vmem_shared>>
    %dma_wait3A_126 = arith.constant 0 : i32
    %dma_wait3A_127 = arith.constant 0 : i32
    %dma_wait3A_128 = tpu.memref_slice %arg8[%dma_wait3A_126, %dma_wait3A_127] : memref<512x64xf32, #tpu.memory_space<vmem>> -> memref<128x64xf32, #tpu.memory_space<vmem>>
    tpu.wait_dma2 semaphore(%arg11 : memref<!tpu.dma_semaphore, #tpu.memory_space<semaphore_mem>>) src(%dma_wait3A_128 : memref<128x64xf32, #tpu.memory_space<vmem>>) dst(%dma_wait3A_125 : memref<128x64xf32, #tpu.memory_space<vmem_shared>>)
    %mul3A_129 = arith.constant 640 : i32
    %mul3A_130 = arith.muli %arg1, %mul3A_129 : i32
    %add3A_131 = arith.constant 512 : i32
    %add3A_132 = arith.addi %mul3A_130, %add3A_131 : i32
    %dma_wait3A_133 = arith.constant 0 : i32
    %dma_wait3A_134 = arith.constant 0 : i32
    %dma_wait3A_135 = tpu.memref_slice %arg8[%dma_wait3A_133, %dma_wait3A_134] : memref<512x64xf32, #tpu.memory_space<vmem>> -> memref<128x64xf32, #tpu.memory_space<vmem>>
    %dma_wait3A_136 = arith.constant 0 : i32
    %dma_wait3A_137 = tpu.memref_slice %arg10[%add3A_132, %dma_wait3A_136] : memref<10240x64xf32, #tpu.memory_space<vmem_shared>> -> memref<128x64xf32, #tpu.memory_space<vmem_shared>>
    %dma_wait3A_138 = arith.constant 0 : i32
    %dma_wait3A_139 = tpu.memref_slice %arg10[%add3A_132, %dma_wait3A_138] : memref<10240x64xf32, #tpu.memory_space<vmem_shared>> -> memref<128x64xf32, #tpu.memory_space<vmem_shared>>
    %dma_wait3A_140 = arith.constant 0 : i32
    %dma_wait3A_141 = arith.constant 0 : i32
    %dma_wait3A_142 = tpu.memref_slice %arg8[%dma_wait3A_140, %dma_wait3A_141] : memref<512x64xf32, #tpu.memory_space<vmem>> -> memref<128x64xf32, #tpu.memory_space<vmem>>
    tpu.wait_dma2 semaphore(%arg11 : memref<!tpu.dma_semaphore, #tpu.memory_space<semaphore_mem>>) src(%dma_wait3A_142 : memref<128x64xf32, #tpu.memory_space<vmem>>) dst(%dma_wait3A_139 : memref<128x64xf32, #tpu.memory_space<vmem_shared>>)
    %barrier3A = arith.constant 0 : index
    tpu.barrier barrier_id(%barrier3A)
    %dma_start3A_143 = arith.constant 0 : i32
    %dma_start3A_144 = arith.constant 0 : i32
    %dma_start3A_145 = tpu.memref_slice %arg6[%dma_start3A_143, %dma_start3A_144] : memref<20x512xi32, #tpu.memory_space<vmem>> -> memref<1x512xi32, #tpu.memory_space<vmem>>
    %dma_start3A_146 = tpu.memref_squeeze %dma_start3A_145 : memref<1x512xi32, #tpu.memory_space<vmem>> -> memref<512xi32, #tpu.memory_space<vmem>>
    %dma_start3A_147 = arith.constant 0 : i32
    %dma_start3A_148 = arith.constant 0 : i32
    %dma_start3A_149 = tpu.memref_slice %arg2[%dma_start3A_147, %dma_start3A_148] : memref<20000x64xf32, #tpu.memory_space<hbm>> -> memref<20000x64xf32, #tpu.memory_space<hbm>>
    tpu.enqueue_indirect_dma source(%dma_start3A_149 : memref<20000x64xf32, #tpu.memory_space<hbm>>) target(%arg8 : memref<512x64xf32, #tpu.memory_space<vmem>>) offsets(%dma_start3A_146 : memref<512xi32, #tpu.memory_space<vmem>>) semaphore(%arg11 : memref<!tpu.dma_semaphore, #tpu.memory_space<semaphore_mem>>)
    %dma_start3A_150 = arith.constant 1 : i32
    %dma_start3A_151 = arith.constant 0 : i32
    %dma_start3A_152 = tpu.memref_slice %arg6[%dma_start3A_150, %dma_start3A_151] : memref<20x512xi32, #tpu.memory_space<vmem>> -> memref<1x512xi32, #tpu.memory_space<vmem>>
    %dma_start3A_153 = tpu.memref_squeeze %dma_start3A_152 : memref<1x512xi32, #tpu.memory_space<vmem>> -> memref<512xi32, #tpu.memory_space<vmem>>
    %dma_start3A_154 = arith.constant 0 : i32
    %dma_start3A_155 = arith.constant 0 : i32
    %dma_start3A_156 = tpu.memref_slice %arg2[%dma_start3A_154, %dma_start3A_155] : memref<20000x64xf32, #tpu.memory_space<hbm>> -> memref<20000x64xf32, #tpu.memory_space<hbm>>
    tpu.enqueue_indirect_dma source(%dma_start3A_156 : memref<20000x64xf32, #tpu.memory_space<hbm>>) target(%arg9 : memref<512x64xf32, #tpu.memory_space<vmem>>) offsets(%dma_start3A_153 : memref<512xi32, #tpu.memory_space<vmem>>) semaphore(%arg12 : memref<!tpu.dma_semaphore, #tpu.memory_space<semaphore_mem>>)
    %scan3A_157 = arith.constant 0 : i32
    %scan3A_158 = arith.constant 10 : i32
    %scan3A_159 = arith.addi %scan3A_157, %scan3A_158 : i32
    %scan3A_160 = arith.constant 1 : i32
    scf.for %scan3A_167 = %scan3A_157 to %scan3A_159 step %scan3A_160  : i32 {
      %mul3A_168 = arith.constant 2 : i32
      %mul3A_169 = arith.muli %scan3A_167, %mul3A_168 : i32
      %add3A_170 = arith.constant 0 : i32
      %add3A_171 = arith.addi %add3A_170, %mul3A_169 : i32
      %add3A_172 = arith.constant 0 : i32
      %add3A_173 = arith.addi %add3A_171, %add3A_172 : i32
      %dma_wait3A_174 = arith.constant 0 : i32
      %dma_wait3A_175 = tpu.memref_slice %arg6[%add3A_173, %dma_wait3A_174] : memref<20x512xi32, #tpu.memory_space<vmem>> -> memref<1x512xi32, #tpu.memory_space<vmem>>
      %dma_wait3A_176 = tpu.memref_squeeze %dma_wait3A_175 : memref<1x512xi32, #tpu.memory_space<vmem>> -> memref<512xi32, #tpu.memory_space<vmem>>
      %dma_wait3A_177 = arith.constant 0 : i32
      %dma_wait3A_178 = arith.constant 0 : i32
      %dma_wait3A_179 = tpu.memref_slice %arg2[%dma_wait3A_177, %dma_wait3A_178] : memref<20000x64xf32, #tpu.memory_space<hbm>> -> memref<20000x64xf32, #tpu.memory_space<hbm>>
      tpu.wait_indirect_dma semaphore(%arg11 : memref<!tpu.dma_semaphore, #tpu.memory_space<semaphore_mem>>) src(%dma_wait3A_179 : memref<20000x64xf32, #tpu.memory_space<hbm>>) dst(%arg8 : memref<512x64xf32, #tpu.memory_space<vmem>>)
      %dma_start3A_180 = arith.constant 0 : i32
      %dma_start3A_181 = tpu.memref_slice %arg7[%add3A_173, %dma_start3A_180] : memref<20x512xi32, #tpu.memory_space<vmem>> -> memref<1x512xi32, #tpu.memory_space<vmem>>
      %dma_start3A_182 = tpu.memref_squeeze %dma_start3A_181 : memref<1x512xi32, #tpu.memory_space<vmem>> -> memref<512xi32, #tpu.memory_space<vmem>>
      %dma_start3A_183 = arith.constant 0 : i32
      %dma_start3A_184 = arith.constant 0 : i32
      %dma_start3A_185 = tpu.memref_slice %arg10[%dma_start3A_183, %dma_start3A_184] : memref<10240x64xf32, #tpu.memory_space<vmem_shared>> -> memref<10240x64xf32, #tpu.memory_space<vmem_shared>>
      tpu.enqueue_indirect_dma source(%arg8 : memref<512x64xf32, #tpu.memory_space<vmem>>) target(%dma_start3A_185 : memref<10240x64xf32, #tpu.memory_space<vmem_shared>>) offsets(%dma_start3A_182 : memref<512xi32, #tpu.memory_space<vmem>>) semaphore(%arg13 : memref<!tpu.dma_semaphore, #tpu.memory_space<semaphore_mem>>) {add = true}
      %dma_wait3A_186 = arith.constant 0 : i32
      %dma_wait3A_187 = tpu.memref_slice %arg7[%add3A_173, %dma_wait3A_186] : memref<20x512xi32, #tpu.memory_space<vmem>> -> memref<1x512xi32, #tpu.memory_space<vmem>>
      %dma_wait3A_188 = tpu.memref_squeeze %dma_wait3A_187 : memref<1x512xi32, #tpu.memory_space<vmem>> -> memref<512xi32, #tpu.memory_space<vmem>>
      %dma_wait3A_189 = arith.constant 0 : i32
      %dma_wait3A_190 = arith.constant 0 : i32
      %dma_wait3A_191 = tpu.memref_slice %arg10[%dma_wait3A_189, %dma_wait3A_190] : memref<10240x64xf32, #tpu.memory_space<vmem_shared>> -> memref<10240x64xf32, #tpu.memory_space<vmem_shared>>
      tpu.wait_indirect_dma semaphore(%arg13 : memref<!tpu.dma_semaphore, #tpu.memory_space<semaphore_mem>>) src(%arg8 : memref<512x64xf32, #tpu.memory_space<vmem>>) dst(%dma_wait3A_191 : memref<10240x64xf32, #tpu.memory_space<vmem_shared>>)
      %add3A_192 = arith.constant 2 : i32
      %add3A_193 = arith.addi %add3A_173, %add3A_192 : i32
      %lt3A = arith.constant 20 : i32
      %lt3A_194 = arith.cmpi slt, %add3A_193, %lt3A : i32
      %convert_element_type3A = arith.extui %lt3A_194 : i1 to i32
      %cond3A = arith.constant 0 : i32
      %cond3A_195 = arith.cmpi ne, %convert_element_type3A, %cond3A : i32
      scf.if %cond3A_195 {
        %add3A_223 = arith.constant 2 : i32
        %add3A_224 = arith.addi %add3A_173, %add3A_223 : i32
        %dma_start3A_225 = arith.constant 0 : i32
        %dma_start3A_226 = tpu.memref_slice %arg6[%add3A_224, %dma_start3A_225] : memref<20x512xi32, #tpu.memory_space<vmem>> -> memref<1x512xi32, #tpu.memory_space<vmem>>
        %dma_start3A_227 = tpu.memref_squeeze %dma_start3A_226 : memref<1x512xi32, #tpu.memory_space<vmem>> -> memref<512xi32, #tpu.memory_space<vmem>>
        %dma_start3A_228 = arith.constant 0 : i32
        %dma_start3A_229 = arith.constant 0 : i32
        %dma_start3A_230 = tpu.memref_slice %arg2[%dma_start3A_228, %dma_start3A_229] : memref<20000x64xf32, #tpu.memory_space<hbm>> -> memref<20000x64xf32, #tpu.memory_space<hbm>>
        tpu.enqueue_indirect_dma source(%dma_start3A_230 : memref<20000x64xf32, #tpu.memory_space<hbm>>) target(%arg8 : memref<512x64xf32, #tpu.memory_space<vmem>>) offsets(%dma_start3A_227 : memref<512xi32, #tpu.memory_space<vmem>>) semaphore(%arg11 : memref<!tpu.dma_semaphore, #tpu.memory_space<semaphore_mem>>)
      } else {
      }
      %add3A_196 = arith.constant 1 : i32
      %add3A_197 = arith.addi %add3A_171, %add3A_196 : i32
      %dma_wait3A_198 = arith.constant 0 : i32
      %dma_wait3A_199 = tpu.memref_slice %arg6[%add3A_197, %dma_wait3A_198] : memref<20x512xi32, #tpu.memory_space<vmem>> -> memref<1x512xi32, #tpu.memory_space<vmem>>
      %dma_wait3A_200 = tpu.memref_squeeze %dma_wait3A_199 : memref<1x512xi32, #tpu.memory_space<vmem>> -> memref<512xi32, #tpu.memory_space<vmem>>
      %dma_wait3A_201 = arith.constant 0 : i32
      %dma_wait3A_202 = arith.constant 0 : i32
      %dma_wait3A_203 = tpu.memref_slice %arg2[%dma_wait3A_201, %dma_wait3A_202] : memref<20000x64xf32, #tpu.memory_space<hbm>> -> memref<20000x64xf32, #tpu.memory_space<hbm>>
      tpu.wait_indirect_dma semaphore(%arg12 : memref<!tpu.dma_semaphore, #tpu.memory_space<semaphore_mem>>) src(%dma_wait3A_203 : memref<20000x64xf32, #tpu.memory_space<hbm>>) dst(%arg9 : memref<512x64xf32, #tpu.memory_space<vmem>>)
      %dma_start3A_204 = arith.constant 0 : i32
      %dma_start3A_205 = tpu.memref_slice %arg7[%add3A_197, %dma_start3A_204] : memref<20x512xi32, #tpu.memory_space<vmem>> -> memref<1x512xi32, #tpu.memory_space<vmem>>
      %dma_start3A_206 = tpu.memref_squeeze %dma_start3A_205 : memref<1x512xi32, #tpu.memory_space<vmem>> -> memref<512xi32, #tpu.memory_space<vmem>>
      %dma_start3A_207 = arith.constant 0 : i32
      %dma_start3A_208 = arith.constant 0 : i32
      %dma_start3A_209 = tpu.memref_slice %arg10[%dma_start3A_207, %dma_start3A_208] : memref<10240x64xf32, #tpu.memory_space<vmem_shared>> -> memref<10240x64xf32, #tpu.memory_space<vmem_shared>>
      tpu.enqueue_indirect_dma source(%arg9 : memref<512x64xf32, #tpu.memory_space<vmem>>) target(%dma_start3A_209 : memref<10240x64xf32, #tpu.memory_space<vmem_shared>>) offsets(%dma_start3A_206 : memref<512xi32, #tpu.memory_space<vmem>>) semaphore(%arg14 : memref<!tpu.dma_semaphore, #tpu.memory_space<semaphore_mem>>) {add = true}
      %dma_wait3A_210 = arith.constant 0 : i32
      %dma_wait3A_211 = tpu.memref_slice %arg7[%add3A_197, %dma_wait3A_210] : memref<20x512xi32, #tpu.memory_space<vmem>> -> memref<1x512xi32, #tpu.memory_space<vmem>>
      %dma_wait3A_212 = tpu.memref_squeeze %dma_wait3A_211 : memref<1x512xi32, #tpu.memory_space<vmem>> -> memref<512xi32, #tpu.memory_space<vmem>>
      %dma_wait3A_213 = arith.constant 0 : i32
      %dma_wait3A_214 = arith.constant 0 : i32
      %dma_wait3A_215 = tpu.memref_slice %arg10[%dma_wait3A_213, %dma_wait3A_214] : memref<10240x64xf32, #tpu.memory_space<vmem_shared>> -> memref<10240x64xf32, #tpu.memory_space<vmem_shared>>
      tpu.wait_indirect_dma semaphore(%arg14 : memref<!tpu.dma_semaphore, #tpu.memory_space<semaphore_mem>>) src(%arg9 : memref<512x64xf32, #tpu.memory_space<vmem>>) dst(%dma_wait3A_215 : memref<10240x64xf32, #tpu.memory_space<vmem_shared>>)
      %add3A_216 = arith.constant 2 : i32
      %add3A_217 = arith.addi %add3A_197, %add3A_216 : i32
      %lt3A_218 = arith.constant 20 : i32
      %lt3A_219 = arith.cmpi slt, %add3A_217, %lt3A_218 : i32
      %convert_element_type3A_220 = arith.extui %lt3A_219 : i1 to i32
      %cond3A_221 = arith.constant 0 : i32
      %cond3A_222 = arith.cmpi ne, %convert_element_type3A_220, %cond3A_221 : i32
      scf.if %cond3A_222 {
        %add3A_223 = arith.constant 2 : i32
        %add3A_224 = arith.addi %add3A_197, %add3A_223 : i32
        %dma_start3A_225 = arith.constant 0 : i32
        %dma_start3A_226 = tpu.memref_slice %arg6[%add3A_224, %dma_start3A_225] : memref<20x512xi32, #tpu.memory_space<vmem>> -> memref<1x512xi32, #tpu.memory_space<vmem>>
        %dma_start3A_227 = tpu.memref_squeeze %dma_start3A_226 : memref<1x512xi32, #tpu.memory_space<vmem>> -> memref<512xi32, #tpu.memory_space<vmem>>
        %dma_start3A_228 = arith.constant 0 : i32
        %dma_start3A_229 = arith.constant 0 : i32
        %dma_start3A_230 = tpu.memref_slice %arg2[%dma_start3A_228, %dma_start3A_229] : memref<20000x64xf32, #tpu.memory_space<hbm>> -> memref<20000x64xf32, #tpu.memory_space<hbm>>
        tpu.enqueue_indirect_dma source(%dma_start3A_230 : memref<20000x64xf32, #tpu.memory_space<hbm>>) target(%arg9 : memref<512x64xf32, #tpu.memory_space<vmem>>) offsets(%dma_start3A_227 : memref<512xi32, #tpu.memory_space<vmem>>) semaphore(%arg12 : memref<!tpu.dma_semaphore, #tpu.memory_space<semaphore_mem>>)
      } else {
      }
    }
    %scan3A_161 = arith.constant 10 : i32
    %barrier3A_162 = arith.constant 0 : index
    tpu.barrier barrier_id(%barrier3A_162)
    %mul3A_163 = arith.constant 625 : i32
    %mul3A_164 = arith.muli %arg1, %mul3A_163 : i32
    %mul3A_165 = arith.constant 625 : i32
    %mul3A_166 = arith.muli %arg1, %mul3A_165 : i32
    "tpu.region"() ({
      %run_scoped3A = tpu.sem_alloc : memref<!tpu.dma_semaphore, #tpu.memory_space<semaphore_mem>>
      %dma_start3A_167 = arith.constant 0 : i32
      %dma_start3A_168 = arith.constant 0 : i32
      %dma_start3A_169 = tpu.memref_slice %arg5[%arg0, %dma_start3A_167, %dma_start3A_168] : memref<2x10000x64xf32, #tpu.memory_space<hbm>> -> memref<1x10000x64xf32, #tpu.memory_space<hbm>>
      %dma_start3A_170 = tpu.memref_squeeze %dma_start3A_169 : memref<1x10000x64xf32, #tpu.memory_space<hbm>> -> memref<10000x64xf32, #tpu.memory_space<hbm>>
      %dma_start3A_171 = arith.constant 0 : i32
      %dma_start3A_172 = tpu.memref_slice %dma_start3A_170[%mul3A_166, %dma_start3A_171] : memref<10000x64xf32, #tpu.memory_space<hbm>> -> memref<625x64xf32, #tpu.memory_space<hbm>>
      %dma_start3A_173 = arith.constant 0 : i32
      %dma_start3A_174 = tpu.memref_slice %arg10[%mul3A_164, %dma_start3A_173] : memref<10240x64xf32, #tpu.memory_space<vmem_shared>> -> memref<625x64xf32, #tpu.memory_space<vmem_shared>>
      tpu.enqueue_dma source(%dma_start3A_174 : memref<625x64xf32, #tpu.memory_space<vmem_shared>>) target(%dma_start3A_172 : memref<625x64xf32, #tpu.memory_space<hbm>>) target_semaphore(%run_scoped3A : memref<!tpu.dma_semaphore, #tpu.memory_space<semaphore_mem>>)
      %dma_wait3A_175 = arith.constant 0 : i32
      %dma_wait3A_176 = arith.constant 0 : i32
      %dma_wait3A_177 = tpu.memref_slice %arg5[%arg0, %dma_wait3A_175, %dma_wait3A_176] : memref<2x10000x64xf32, #tpu.memory_space<hbm>> -> memref<1x10000x64xf32, #tpu.memory_space<hbm>>
      %dma_wait3A_178 = tpu.memref_squeeze %dma_wait3A_177 : memref<1x10000x64xf32, #tpu.memory_space<hbm>> -> memref<10000x64xf32, #tpu.memory_space<hbm>>
      %dma_wait3A_179 = arith.constant 0 : i32
      %dma_wait3A_180 = tpu.memref_slice %dma_wait3A_178[%mul3A_166, %dma_wait3A_179] : memref<10000x64xf32, #tpu.memory_space<hbm>> -> memref<625x64xf32, #tpu.memory_space<hbm>>
      %dma_wait3A_181 = arith.constant 0 : i32
      %dma_wait3A_182 = tpu.memref_slice %arg10[%mul3A_164, %dma_wait3A_181] : memref<10240x64xf32, #tpu.memory_space<vmem_shared>> -> memref<625x64xf32, #tpu.memory_space<vmem_shared>>
      tpu.wait_dma2 semaphore(%run_scoped3A : memref<!tpu.dma_semaphore, #tpu.memory_space<semaphore_mem>>) src(%dma_wait3A_182 : memref<625x64xf32, #tpu.memory_space<vmem_shared>>) dst(%dma_wait3A_180 : memref<625x64xf32, #tpu.memory_space<hbm>>)
      tpu.yield
    }) : () -> ()
    return
  }
}

module attributes {stable_mosaic.version = 14 : i64} {
  func.func @_p0_body(%arg0: i32, %arg1: memref<1000x1024xf32, #tpu.memory_space<vmem>>, %arg2: memref<1000x1024xf32, #tpu.memory_space<vmem>>, %arg3: memref<1000x64xf32, #tpu.memory_space<vmem>>, %arg4: memref<1000x64xf32, #tpu.memory_space<vmem>>, %arg5: memref<1024x64xf32, #tpu.memory_space<vmem>>, %arg6: memref<1024x64xf32, #tpu.memory_space<vmem>>, %arg7: memref<1x64xf32, #tpu.memory_space<vmem>>, %arg8: memref<1x64xf32, #tpu.memory_space<vmem>>, %arg9: memref<1024x32xf32, #tpu.memory_space<vmem>>, %arg10: memref<64x1xf32, #tpu.memory_space<vmem>>, %arg11: memref<1000x80xf32, #tpu.memory_space<vmem>>, %arg12: memref<1000x64xf32, #tpu.memory_space<vmem>>) attributes {dimension_semantics = [#tpu.dimension_semantics<arbitrary>], iteration_bounds = array<i64: 10>, scalar_prefetch = 0 : i64, scratch_operands = 0 : i64, tpu.core_type = #tpu.core_type<tc>, window_params = [{transform_indices = @transform_0, window_bounds = array<i64: 1000, 1024>}, {transform_indices = @transform_1, window_bounds = array<i64: 1000, 1024>}, {transform_indices = @transform_2, window_bounds = array<i64: 1000, 64>}, {transform_indices = @transform_3, window_bounds = array<i64: 1000, 64>}, {pipeline_mode = #tpu.pipeline_mode<synchronous>, transform_indices = @transform_4, window_bounds = array<i64: 1024, 64>}, {pipeline_mode = #tpu.pipeline_mode<synchronous>, transform_indices = @transform_5, window_bounds = array<i64: 1024, 64>}, {pipeline_mode = #tpu.pipeline_mode<synchronous>, transform_indices = @transform_6, window_bounds = array<i64: 1, 64>}, {pipeline_mode = #tpu.pipeline_mode<synchronous>, transform_indices = @transform_7, window_bounds = array<i64: 1, 64>}, {pipeline_mode = #tpu.pipeline_mode<synchronous>, transform_indices = @transform_8, window_bounds = array<i64: 1024, 32>}, {pipeline_mode = #tpu.pipeline_mode<synchronous>, transform_indices = @transform_9, window_bounds = array<i64: 64, 1>}, {transform_indices = @transform_10, window_bounds = array<i64: 1000, 80>}, {transform_indices = @transform_11, window_bounds = array<i64: 1000, 64>}]} {
    %get3A = arith.constant 0 : index
    %get3A_0 = arith.constant 0 : index
    %get3A_1 = vector.load %arg1[%get3A, %get3A_0] : memref<1000x1024xf32, #tpu.memory_space<vmem>>, vector<1000x1024xf32>
    %convert_element_type3A = arith.truncf %get3A_1 : vector<1000x1024xf32> to vector<1000x1024xbf16>
    %get3A_2 = arith.constant 0 : index
    %get3A_3 = arith.constant 0 : index
    %get3A_4 = vector.load %arg2[%get3A_2, %get3A_3] : memref<1000x1024xf32, #tpu.memory_space<vmem>>, vector<1000x1024xf32>
    %convert_element_type3A_5 = arith.truncf %get3A_4 : vector<1000x1024xf32> to vector<1000x1024xbf16>
    %get3A_6 = arith.constant 0 : index
    %get3A_7 = arith.constant 0 : index
    %get3A_8 = vector.load %arg5[%get3A_6, %get3A_7] : memref<1024x64xf32, #tpu.memory_space<vmem>>, vector<1024x64xf32>
    %convert_element_type3A_9 = arith.truncf %get3A_8 : vector<1024x64xf32> to vector<1024x64xbf16>
    %dot_general3A = arith.constant dense<0.000000e+00> : vector<1000x64xf32>
    %dot_general3A_10 = tpu.matmul %convert_element_type3A, %convert_element_type3A_9, %dot_general3A {dimension_numbers = #tpu.dot_dimension_numbers<[1], [0], [0], [1], [0, 0, 1, 1], [], []>, transpose_lhs_hint = false} : vector<1000x1024xbf16>, vector<1024x64xbf16>, vector<1000x64xf32> -> vector<1000x64xf32>
    %get3A_11 = arith.constant 0 : index
    %get3A_12 = arith.constant 0 : index
    %get3A_13 = vector.load %arg7[%get3A_11, %get3A_12] : memref<1x64xf32, #tpu.memory_space<vmem>>, vector<1x64xf32>
    %add3A = vector.broadcast %get3A_13 : vector<1x64xf32> to vector<1000x64xf32>
    %add3A_14 = arith.addf %dot_general3A_10, %add3A : vector<1000x64xf32>
    %get3A_15 = arith.constant 0 : index
    %get3A_16 = arith.constant 0 : index
    %get3A_17 = vector.load %arg3[%get3A_15, %get3A_16] : memref<1000x64xf32, #tpu.memory_space<vmem>>, vector<1000x64xf32>
    %gt3A = arith.constant 0.000000e+00 : f32
    %gt3A_18 = vector.broadcast %gt3A : f32 to vector<1000x64xf32>
    %gt3A_19 = arith.cmpf ogt, %add3A_14, %gt3A_18 : vector<1000x64xf32>
    %min3A = arith.constant 0.000000e+00 : f32
    %min3A_20 = vector.broadcast %min3A : f32 to vector<1000x64xf32>
    %min3A_21 = arith.minimumf %add3A_14, %min3A_20 : vector<1000x64xf32>
    %exp3A = math.exp %min3A_21 : vector<1000x64xf32>
    %sub3A = arith.constant 1.000000e+00 : f32
    %sub3A_22 = vector.broadcast %sub3A : f32 to vector<1000x64xf32>
    %sub3A_23 = arith.subf %exp3A, %sub3A_22 : vector<1000x64xf32>
    %select_n3A = arith.select %gt3A_19, %add3A_14, %sub3A_23 : vector<1000x64xi1>, vector<1000x64xf32>
    %add3A_24 = arith.addf %get3A_17, %select_n3A : vector<1000x64xf32>
    %mul3A = arith.constant 5.000000e-01 : f32
    %mul3A_25 = vector.broadcast %mul3A : f32 to vector<1000x64xf32>
    %mul3A_26 = arith.mulf %add3A_24, %mul3A_25 : vector<1000x64xf32>
    %get3A_27 = arith.constant 0 : index
    %get3A_28 = arith.constant 0 : index
    %get3A_29 = vector.load %arg6[%get3A_27, %get3A_28] : memref<1024x64xf32, #tpu.memory_space<vmem>>, vector<1024x64xf32>
    %convert_element_type3A_30 = arith.truncf %get3A_29 : vector<1024x64xf32> to vector<1024x64xbf16>
    %dot_general3A_31 = arith.constant dense<0.000000e+00> : vector<1000x64xf32>
    %dot_general3A_32 = tpu.matmul %convert_element_type3A_5, %convert_element_type3A_30, %dot_general3A_31 {dimension_numbers = #tpu.dot_dimension_numbers<[1], [0], [0], [1], [0, 0, 1, 1], [], []>, transpose_lhs_hint = false} : vector<1000x1024xbf16>, vector<1024x64xbf16>, vector<1000x64xf32> -> vector<1000x64xf32>
    %get3A_33 = arith.constant 0 : index
    %get3A_34 = arith.constant 0 : index
    %get3A_35 = vector.load %arg8[%get3A_33, %get3A_34] : memref<1x64xf32, #tpu.memory_space<vmem>>, vector<1x64xf32>
    %add3A_36 = vector.broadcast %get3A_35 : vector<1x64xf32> to vector<1000x64xf32>
    %add3A_37 = arith.addf %dot_general3A_32, %add3A_36 : vector<1000x64xf32>
    %get3A_38 = arith.constant 0 : index
    %get3A_39 = arith.constant 0 : index
    %get3A_40 = vector.load %arg4[%get3A_38, %get3A_39] : memref<1000x64xf32, #tpu.memory_space<vmem>>, vector<1000x64xf32>
    %gt3A_41 = arith.constant 0.000000e+00 : f32
    %gt3A_42 = vector.broadcast %gt3A_41 : f32 to vector<1000x64xf32>
    %gt3A_43 = arith.cmpf ogt, %add3A_37, %gt3A_42 : vector<1000x64xf32>
    %min3A_44 = arith.constant 0.000000e+00 : f32
    %min3A_45 = vector.broadcast %min3A_44 : f32 to vector<1000x64xf32>
    %min3A_46 = arith.minimumf %add3A_37, %min3A_45 : vector<1000x64xf32>
    %exp3A_47 = math.exp %min3A_46 : vector<1000x64xf32>
    %sub3A_48 = arith.constant 1.000000e+00 : f32
    %sub3A_49 = vector.broadcast %sub3A_48 : f32 to vector<1000x64xf32>
    %sub3A_50 = arith.subf %exp3A_47, %sub3A_49 : vector<1000x64xf32>
    %select_n3A_51 = arith.select %gt3A_43, %add3A_37, %sub3A_50 : vector<1000x64xi1>, vector<1000x64xf32>
    %add3A_52 = arith.addf %get3A_40, %select_n3A_51 : vector<1000x64xf32>
    %mul3A_53 = arith.constant 5.000000e-01 : f32
    %mul3A_54 = vector.broadcast %mul3A_53 : f32 to vector<1000x64xf32>
    %mul3A_55 = arith.mulf %add3A_52, %mul3A_54 : vector<1000x64xf32>
    %swap3A = arith.constant 0 : index
    %swap3A_56 = arith.constant 0 : index
    %swap3A_57 = vector.load %arg12[%swap3A, %swap3A_56] : memref<1000x64xf32, #tpu.memory_space<vmem>>, vector<1000x64xf32>
    tpu.vector_store %arg12[%swap3A, %swap3A_56], %mul3A_55 {strides = array<i32>} : memref<1000x64xf32, #tpu.memory_space<vmem>>, vector<1000x64xf32>,
    %get3A_58 = arith.constant 0 : index
    %get3A_59 = arith.constant 0 : index
    %get3A_60 = vector.load %arg9[%get3A_58, %get3A_59] : memref<1024x32xf32, #tpu.memory_space<vmem>>, vector<1024x32xf32>
    %convert_element_type3A_61 = arith.truncf %get3A_60 : vector<1024x32xf32> to vector<1024x32xbf16>
    %dot_general3A_62 = arith.constant dense<0.000000e+00> : vector<1000x32xf32>
    %dot_general3A_63 = tpu.matmul %convert_element_type3A, %convert_element_type3A_61, %dot_general3A_62 {dimension_numbers = #tpu.dot_dimension_numbers<[1], [0], [0], [1], [0, 0, 1, 1], [], []>, transpose_lhs_hint = false} : vector<1000x1024xbf16>, vector<1024x32xbf16>, vector<1000x32xf32> -> vector<1000x32xf32>
    %get3A_64 = arith.constant 0 : index
    %get3A_65 = arith.constant 0 : index
    %get3A_66 = vector.load %arg10[%get3A_64, %get3A_65] : memref<64x1xf32, #tpu.memory_space<vmem>>, vector<64x1xf32>
    %slice3A = vector.extract_strided_slice %get3A_66 {offsets = [0, 0], sizes = [32, 1], strides = [1, 1]} : vector<64x1xf32> to vector<32x1xf32>
    %dot_general3A_67 = arith.constant dense<0.000000e+00> : vector<1000x1xf32>
    %dot_general3A_68 = tpu.matmul %dot_general3A_63, %slice3A, %dot_general3A_67 {dimension_numbers = #tpu.dot_dimension_numbers<[1], [0], [0], [1], [0, 0, 1, 1], [], []>, transpose_lhs_hint = false} : vector<1000x32xf32>, vector<32x1xf32>, vector<1000x1xf32> -> vector<1000x1xf32>
    %slice3A_69 = vector.extract_strided_slice %get3A_66 {offsets = [32, 0], sizes = [32, 1], strides = [1, 1]} : vector<64x1xf32> to vector<32x1xf32>
    %dot_general3A_70 = arith.constant dense<0.000000e+00> : vector<1000x1xf32>
    %dot_general3A_71 = tpu.matmul %dot_general3A_63, %slice3A_69, %dot_general3A_70 {dimension_numbers = #tpu.dot_dimension_numbers<[1], [0], [0], [1], [0, 0, 1, 1], [], []>, transpose_lhs_hint = false} : vector<1000x32xf32>, vector<32x1xf32>, vector<1000x1xf32> -> vector<1000x1xf32>
    %broadcast_in_dim3A = arith.constant 0.000000e+00 : f32
    %broadcast_in_dim3A_72 = vector.broadcast %broadcast_in_dim3A : f32 to vector<1000x14xf32>
    %concatenate3A = tpu.concatenate %mul3A_26, %dot_general3A_68, %dot_general3A_71, %broadcast_in_dim3A_72 in 1 : vector<1000x64xf32>, vector<1000x1xf32>, vector<1000x1xf32>, vector<1000x14xf32> -> vector<1000x80xf32>
    %swap3A_73 = arith.constant 0 : index
    %swap3A_74 = arith.constant 0 : index
    %swap3A_75 = vector.load %arg11[%swap3A_73, %swap3A_74] : memref<1000x80xf32, #tpu.memory_space<vmem>>, vector<1000x80xf32>
    tpu.vector_store %arg11[%swap3A_73, %swap3A_74], %concatenate3A {strides = array<i32>} : memref<1000x80xf32, #tpu.memory_space<vmem>>, vector<1000x80xf32>,
    return
  }
  func.func @transform_0(%arg0: i32) -> (i32, i32) {
    %c0_i32 = arith.constant 0 : i32
    %c0_i32_0 = arith.constant 0 : i32
    return %arg0, %c0_i32 : i32, i32
  }
  func.func @transform_1(%arg0: i32) -> (i32, i32) {
    %c0_i32 = arith.constant 0 : i32
    %c0_i32_0 = arith.constant 0 : i32
    return %arg0, %c0_i32 : i32, i32
  }
  func.func @transform_2(%arg0: i32) -> (i32, i32) {
    %c0_i32 = arith.constant 0 : i32
    %c0_i32_0 = arith.constant 0 : i32
    return %arg0, %c0_i32 : i32, i32
  }
  func.func @transform_3(%arg0: i32) -> (i32, i32) {
    %c0_i32 = arith.constant 0 : i32
    %c0_i32_0 = arith.constant 0 : i32
    return %arg0, %c0_i32 : i32, i32
  }
  func.func @transform_4(%arg0: i32) -> (i32, i32) {
    %c0_i32 = arith.constant 0 : i32
    %c0_i32_0 = arith.constant 0 : i32
    %c0_i32_1 = arith.constant 0 : i32
    return %c0_i32, %c0_i32_0 : i32, i32
  }
  func.func @transform_5(%arg0: i32) -> (i32, i32) {
    %c0_i32 = arith.constant 0 : i32
    %c0_i32_0 = arith.constant 0 : i32
    %c0_i32_1 = arith.constant 0 : i32
    return %c0_i32, %c0_i32_0 : i32, i32
  }
  func.func @transform_6(%arg0: i32) -> (i32, i32) {
    %c0_i32 = arith.constant 0 : i32
    %c0_i32_0 = arith.constant 0 : i32
    %c0_i32_1 = arith.constant 0 : i32
    return %c0_i32, %c0_i32_0 : i32, i32
  }
  func.func @transform_7(%arg0: i32) -> (i32, i32) {
    %c0_i32 = arith.constant 0 : i32
    %c0_i32_0 = arith.constant 0 : i32
    %c0_i32_1 = arith.constant 0 : i32
    return %c0_i32, %c0_i32_0 : i32, i32
  }
  func.func @transform_8(%arg0: i32) -> (i32, i32) {
    %c0_i32 = arith.constant 0 : i32
    %c0_i32_0 = arith.constant 0 : i32
    %c0_i32_1 = arith.constant 0 : i32
    return %c0_i32, %c0_i32_0 : i32, i32
  }
  func.func @transform_9(%arg0: i32) -> (i32, i32) {
    %c0_i32 = arith.constant 0 : i32
    %c0_i32_0 = arith.constant 0 : i32
    %c0_i32_1 = arith.constant 0 : i32
    return %c0_i32, %c0_i32_0 : i32, i32
  }
  func.func @transform_10(%arg0: i32) -> (i32, i32) {
    %c0_i32 = arith.constant 0 : i32
    %c0_i32_0 = arith.constant 0 : i32
    return %arg0, %c0_i32 : i32, i32
  }
  func.func @transform_11(%arg0: i32) -> (i32, i32) {
    %c0_i32 = arith.constant 0 : i32
    %c0_i32_0 = arith.constant 0 : i32
    return %arg0, %c0_i32 : i32, i32
  }
}

module attributes {stable_mosaic.version = 14 : i64} {
  func.func @_p2_body(%arg0: i32, %arg1: memref<8x1000x80xf32, #tpu.memory_space<vmem>>, %arg2: memref<1000x80xf32, #tpu.memory_space<vmem>>, %arg3: memref<1000x64xf32, #tpu.memory_space<vmem>>) attributes {dimension_semantics = [#tpu.dimension_semantics<arbitrary>], iteration_bounds = array<i64: 10>, scalar_prefetch = 0 : i64, scratch_operands = 0 : i64, tpu.core_type = #tpu.core_type<tc>, window_params = [{transform_indices = @transform_0, window_bounds = array<i64: 8, 1000, 80>}, {transform_indices = @transform_1, window_bounds = array<i64: 1000, 80>}, {transform_indices = @transform_2, window_bounds = array<i64: 1000, 64>}]} {
    %get3A = arith.constant 0 : index
    %get3A_0 = arith.constant 0 : index
    %get3A_1 = vector.load %arg2[%get3A, %get3A_0] : memref<1000x80xf32, #tpu.memory_space<vmem>>, vector<1000x80xf32>
    %slice3A = vector.extract_strided_slice %get3A_1 {offsets = [0, 65], sizes = [1000, 1], strides = [1, 1]} : vector<1000x80xf32> to vector<1000x1xf32>
    %get3A_2 = arith.constant 0 : index
    %get3A_3 = arith.constant 0 : index
    %get3A_4 = arith.constant 0 : index
    %get3A_5 = vector.load %arg1[%get3A_2, %get3A_3, %get3A_4] : memref<8x1000x80xf32, #tpu.memory_space<vmem>>, vector<1x1000x80xf32>
    %get3A_6 = vector.shape_cast %get3A_5 : vector<1x1000x80xf32> to vector<1000x80xf32>
    %get3A_7 = arith.constant 1 : index
    %get3A_8 = arith.constant 0 : index
    %get3A_9 = arith.constant 0 : index
    %get3A_10 = vector.load %arg1[%get3A_7, %get3A_8, %get3A_9] : memref<8x1000x80xf32, #tpu.memory_space<vmem>>, vector<1x1000x80xf32>
    %get3A_11 = vector.shape_cast %get3A_10 : vector<1x1000x80xf32> to vector<1000x80xf32>
    %get3A_12 = arith.constant 2 : index
    %get3A_13 = arith.constant 0 : index
    %get3A_14 = arith.constant 0 : index
    %get3A_15 = vector.load %arg1[%get3A_12, %get3A_13, %get3A_14] : memref<8x1000x80xf32, #tpu.memory_space<vmem>>, vector<1x1000x80xf32>
    %get3A_16 = vector.shape_cast %get3A_15 : vector<1x1000x80xf32> to vector<1000x80xf32>
    %get3A_17 = arith.constant 3 : index
    %get3A_18 = arith.constant 0 : index
    %get3A_19 = arith.constant 0 : index
    %get3A_20 = vector.load %arg1[%get3A_17, %get3A_18, %get3A_19] : memref<8x1000x80xf32, #tpu.memory_space<vmem>>, vector<1x1000x80xf32>
    %get3A_21 = vector.shape_cast %get3A_20 : vector<1x1000x80xf32> to vector<1000x80xf32>
    %get3A_22 = arith.constant 4 : index
    %get3A_23 = arith.constant 0 : index
    %get3A_24 = arith.constant 0 : index
    %get3A_25 = vector.load %arg1[%get3A_22, %get3A_23, %get3A_24] : memref<8x1000x80xf32, #tpu.memory_space<vmem>>, vector<1x1000x80xf32>
    %get3A_26 = vector.shape_cast %get3A_25 : vector<1x1000x80xf32> to vector<1000x80xf32>
    %get3A_27 = arith.constant 5 : index
    %get3A_28 = arith.constant 0 : index
    %get3A_29 = arith.constant 0 : index
    %get3A_30 = vector.load %arg1[%get3A_27, %get3A_28, %get3A_29] : memref<8x1000x80xf32, #tpu.memory_space<vmem>>, vector<1x1000x80xf32>
    %get3A_31 = vector.shape_cast %get3A_30 : vector<1x1000x80xf32> to vector<1000x80xf32>
    %get3A_32 = arith.constant 6 : index
    %get3A_33 = arith.constant 0 : index
    %get3A_34 = arith.constant 0 : index
    %get3A_35 = vector.load %arg1[%get3A_32, %get3A_33, %get3A_34] : memref<8x1000x80xf32, #tpu.memory_space<vmem>>, vector<1x1000x80xf32>
    %get3A_36 = vector.shape_cast %get3A_35 : vector<1x1000x80xf32> to vector<1000x80xf32>
    %get3A_37 = arith.constant 7 : index
    %get3A_38 = arith.constant 0 : index
    %get3A_39 = arith.constant 0 : index
    %get3A_40 = vector.load %arg1[%get3A_37, %get3A_38, %get3A_39] : memref<8x1000x80xf32, #tpu.memory_space<vmem>>, vector<1x1000x80xf32>
    %get3A_41 = vector.shape_cast %get3A_40 : vector<1x1000x80xf32> to vector<1000x80xf32>
    %slice3A_42 = vector.extract_strided_slice %get3A_6 {offsets = [0, 64], sizes = [1000, 1], strides = [1, 1]} : vector<1000x80xf32> to vector<1000x1xf32>
    %add3A = arith.addf %slice3A_42, %slice3A : vector<1000x1xf32>
    %slice3A_43 = vector.extract_strided_slice %get3A_11 {offsets = [0, 64], sizes = [1000, 1], strides = [1, 1]} : vector<1000x80xf32> to vector<1000x1xf32>
    %add3A_44 = arith.addf %slice3A_43, %slice3A : vector<1000x1xf32>
    %slice3A_45 = vector.extract_strided_slice %get3A_16 {offsets = [0, 64], sizes = [1000, 1], strides = [1, 1]} : vector<1000x80xf32> to vector<1000x1xf32>
    %add3A_46 = arith.addf %slice3A_45, %slice3A : vector<1000x1xf32>
    %slice3A_47 = vector.extract_strided_slice %get3A_21 {offsets = [0, 64], sizes = [1000, 1], strides = [1, 1]} : vector<1000x80xf32> to vector<1000x1xf32>
    %add3A_48 = arith.addf %slice3A_47, %slice3A : vector<1000x1xf32>
    %slice3A_49 = vector.extract_strided_slice %get3A_26 {offsets = [0, 64], sizes = [1000, 1], strides = [1, 1]} : vector<1000x80xf32> to vector<1000x1xf32>
    %add3A_50 = arith.addf %slice3A_49, %slice3A : vector<1000x1xf32>
    %slice3A_51 = vector.extract_strided_slice %get3A_31 {offsets = [0, 64], sizes = [1000, 1], strides = [1, 1]} : vector<1000x80xf32> to vector<1000x1xf32>
    %add3A_52 = arith.addf %slice3A_51, %slice3A : vector<1000x1xf32>
    %slice3A_53 = vector.extract_strided_slice %get3A_36 {offsets = [0, 64], sizes = [1000, 1], strides = [1, 1]} : vector<1000x80xf32> to vector<1000x1xf32>
    %add3A_54 = arith.addf %slice3A_53, %slice3A : vector<1000x1xf32>
    %slice3A_55 = vector.extract_strided_slice %get3A_41 {offsets = [0, 64], sizes = [1000, 1], strides = [1, 1]} : vector<1000x80xf32> to vector<1000x1xf32>
    %add3A_56 = arith.addf %slice3A_55, %slice3A : vector<1000x1xf32>
    %concatenate3A = tpu.concatenate %add3A, %add3A_44, %add3A_46, %add3A_48, %add3A_50, %add3A_52, %add3A_54, %add3A_56 in 1 : vector<1000x1xf32>, vector<1000x1xf32>, vector<1000x1xf32>, vector<1000x1xf32>, vector<1000x1xf32>, vector<1000x1xf32>, vector<1000x1xf32>, vector<1000x1xf32> -> vector<1000x8xf32>
    %ge3A = arith.constant 0.000000e+00 : f32
    %ge3A_57 = vector.broadcast %ge3A : f32 to vector<1000x8xf32>
    %ge3A_58 = arith.cmpf oge, %concatenate3A, %ge3A_57 : vector<1000x8xf32>
    %mul3A = arith.constant 2.000000e-01 : f32
    %mul3A_59 = vector.broadcast %mul3A : f32 to vector<1000x8xf32>
    %mul3A_60 = arith.mulf %mul3A_59, %concatenate3A : vector<1000x8xf32>
    %select_n3A = arith.select %ge3A_58, %concatenate3A, %mul3A_60 : vector<1000x8xi1>, vector<1000x8xf32>
    %reduce_max3A = arith.constant dense<0xFF800000> : vector<1000xf32>
    %reduce_max3A_61 = vector.multi_reduction <maximumf>, %select_n3A, %reduce_max3A [1] : vector<1000x8xf32> to vector<1000xf32>
    %broadcast_in_dim3A = vector.shape_cast %reduce_max3A_61 : vector<1000xf32> to vector<1000x1xf32>
    %sub3A = vector.broadcast %broadcast_in_dim3A : vector<1000x1xf32> to vector<1000x8xf32>
    %sub3A_62 = arith.subf %select_n3A, %sub3A : vector<1000x8xf32>
    %exp3A = math.exp %sub3A_62 : vector<1000x8xf32>
    %reduce_sum3A = arith.constant dense<0.000000e+00> : vector<1000xf32>
    %reduce_sum3A_63 = vector.multi_reduction <add>, %exp3A, %reduce_sum3A [1] : vector<1000x8xf32> to vector<1000xf32>
    %broadcast_in_dim3A_64 = vector.shape_cast %reduce_sum3A_63 : vector<1000xf32> to vector<1000x1xf32>
    %div3A = vector.broadcast %broadcast_in_dim3A_64 : vector<1000x1xf32> to vector<1000x8xf32>
    %div3A_65 = arith.divf %exp3A, %div3A : vector<1000x8xf32>
    %slice3A_66 = vector.extract_strided_slice %div3A_65 {offsets = [0, 0], sizes = [1000, 1], strides = [1, 1]} : vector<1000x8xf32> to vector<1000x1xf32>
    %slice3A_67 = vector.extract_strided_slice %get3A_6 {offsets = [0, 0], sizes = [1000, 64], strides = [1, 1]} : vector<1000x80xf32> to vector<1000x64xf32>
    %mul3A_68 = vector.broadcast %slice3A_66 : vector<1000x1xf32> to vector<1000x64xf32>
    %mul3A_69 = arith.mulf %mul3A_68, %slice3A_67 : vector<1000x64xf32>
    %slice3A_70 = vector.extract_strided_slice %div3A_65 {offsets = [0, 1], sizes = [1000, 1], strides = [1, 1]} : vector<1000x8xf32> to vector<1000x1xf32>
    %slice3A_71 = vector.extract_strided_slice %get3A_11 {offsets = [0, 0], sizes = [1000, 64], strides = [1, 1]} : vector<1000x80xf32> to vector<1000x64xf32>
    %mul3A_72 = vector.broadcast %slice3A_70 : vector<1000x1xf32> to vector<1000x64xf32>
    %mul3A_73 = arith.mulf %mul3A_72, %slice3A_71 : vector<1000x64xf32>
    %add3A_74 = arith.addf %mul3A_69, %mul3A_73 : vector<1000x64xf32>
    %slice3A_75 = vector.extract_strided_slice %div3A_65 {offsets = [0, 2], sizes = [1000, 1], strides = [1, 1]} : vector<1000x8xf32> to vector<1000x1xf32>
    %slice3A_76 = vector.extract_strided_slice %get3A_16 {offsets = [0, 0], sizes = [1000, 64], strides = [1, 1]} : vector<1000x80xf32> to vector<1000x64xf32>
    %mul3A_77 = vector.broadcast %slice3A_75 : vector<1000x1xf32> to vector<1000x64xf32>
    %mul3A_78 = arith.mulf %mul3A_77, %slice3A_76 : vector<1000x64xf32>
    %add3A_79 = arith.addf %add3A_74, %mul3A_78 : vector<1000x64xf32>
    %slice3A_80 = vector.extract_strided_slice %div3A_65 {offsets = [0, 3], sizes = [1000, 1], strides = [1, 1]} : vector<1000x8xf32> to vector<1000x1xf32>
    %slice3A_81 = vector.extract_strided_slice %get3A_21 {offsets = [0, 0], sizes = [1000, 64], strides = [1, 1]} : vector<1000x80xf32> to vector<1000x64xf32>
    %mul3A_82 = vector.broadcast %slice3A_80 : vector<1000x1xf32> to vector<1000x64xf32>
    %mul3A_83 = arith.mulf %mul3A_82, %slice3A_81 : vector<1000x64xf32>
    %add3A_84 = arith.addf %add3A_79, %mul3A_83 : vector<1000x64xf32>
    %slice3A_85 = vector.extract_strided_slice %div3A_65 {offsets = [0, 4], sizes = [1000, 1], strides = [1, 1]} : vector<1000x8xf32> to vector<1000x1xf32>
    %slice3A_86 = vector.extract_strided_slice %get3A_26 {offsets = [0, 0], sizes = [1000, 64], strides = [1, 1]} : vector<1000x80xf32> to vector<1000x64xf32>
    %mul3A_87 = vector.broadcast %slice3A_85 : vector<1000x1xf32> to vector<1000x64xf32>
    %mul3A_88 = arith.mulf %mul3A_87, %slice3A_86 : vector<1000x64xf32>
    %add3A_89 = arith.addf %add3A_84, %mul3A_88 : vector<1000x64xf32>
    %slice3A_90 = vector.extract_strided_slice %div3A_65 {offsets = [0, 5], sizes = [1000, 1], strides = [1, 1]} : vector<1000x8xf32> to vector<1000x1xf32>
    %slice3A_91 = vector.extract_strided_slice %get3A_31 {offsets = [0, 0], sizes = [1000, 64], strides = [1, 1]} : vector<1000x80xf32> to vector<1000x64xf32>
    %mul3A_92 = vector.broadcast %slice3A_90 : vector<1000x1xf32> to vector<1000x64xf32>
    %mul3A_93 = arith.mulf %mul3A_92, %slice3A_91 : vector<1000x64xf32>
    %add3A_94 = arith.addf %add3A_89, %mul3A_93 : vector<1000x64xf32>
    %slice3A_95 = vector.extract_strided_slice %div3A_65 {offsets = [0, 6], sizes = [1000, 1], strides = [1, 1]} : vector<1000x8xf32> to vector<1000x1xf32>
    %slice3A_96 = vector.extract_strided_slice %get3A_36 {offsets = [0, 0], sizes = [1000, 64], strides = [1, 1]} : vector<1000x80xf32> to vector<1000x64xf32>
    %mul3A_97 = vector.broadcast %slice3A_95 : vector<1000x1xf32> to vector<1000x64xf32>
    %mul3A_98 = arith.mulf %mul3A_97, %slice3A_96 : vector<1000x64xf32>
    %add3A_99 = arith.addf %add3A_94, %mul3A_98 : vector<1000x64xf32>
    %slice3A_100 = vector.extract_strided_slice %div3A_65 {offsets = [0, 7], sizes = [1000, 1], strides = [1, 1]} : vector<1000x8xf32> to vector<1000x1xf32>
    %slice3A_101 = vector.extract_strided_slice %get3A_41 {offsets = [0, 0], sizes = [1000, 64], strides = [1, 1]} : vector<1000x80xf32> to vector<1000x64xf32>
    %mul3A_102 = vector.broadcast %slice3A_100 : vector<1000x1xf32> to vector<1000x64xf32>
    %mul3A_103 = arith.mulf %mul3A_102, %slice3A_101 : vector<1000x64xf32>
    %add3A_104 = arith.addf %add3A_99, %mul3A_103 : vector<1000x64xf32>
    %slice3A_105 = vector.extract_strided_slice %get3A_1 {offsets = [0, 0], sizes = [1000, 64], strides = [1, 1]} : vector<1000x80xf32> to vector<1000x64xf32>
    %gt3A = arith.constant 0.000000e+00 : f32
    %gt3A_106 = vector.broadcast %gt3A : f32 to vector<1000x64xf32>
    %gt3A_107 = arith.cmpf ogt, %add3A_104, %gt3A_106 : vector<1000x64xf32>
    %min3A = arith.constant 0.000000e+00 : f32
    %min3A_108 = vector.broadcast %min3A : f32 to vector<1000x64xf32>
    %min3A_109 = arith.minimumf %add3A_104, %min3A_108 : vector<1000x64xf32>
    %exp3A_110 = math.exp %min3A_109 : vector<1000x64xf32>
    %sub3A_111 = arith.constant 1.000000e+00 : f32
    %sub3A_112 = vector.broadcast %sub3A_111 : f32 to vector<1000x64xf32>
    %sub3A_113 = arith.subf %exp3A_110, %sub3A_112 : vector<1000x64xf32>
    %select_n3A_114 = arith.select %gt3A_107, %add3A_104, %sub3A_113 : vector<1000x64xi1>, vector<1000x64xf32>
    %add3A_115 = arith.addf %slice3A_105, %select_n3A_114 : vector<1000x64xf32>
    %mul3A_116 = arith.constant 5.000000e-01 : f32
    %mul3A_117 = vector.broadcast %mul3A_116 : f32 to vector<1000x64xf32>
    %mul3A_118 = arith.mulf %add3A_115, %mul3A_117 : vector<1000x64xf32>
    %swap3A = arith.constant 0 : index
    %swap3A_119 = arith.constant 0 : index
    %swap3A_120 = vector.load %arg3[%swap3A, %swap3A_119] : memref<1000x64xf32, #tpu.memory_space<vmem>>, vector<1000x64xf32>
    tpu.vector_store %arg3[%swap3A, %swap3A_119], %mul3A_118 {strides = array<i32>} : memref<1000x64xf32, #tpu.memory_space<vmem>>, vector<1000x64xf32>,
    return
  }
  func.func @transform_0(%arg0: i32) -> (i32, i32, i32) {
    %c0_i32 = arith.constant 0 : i32
    %c0_i32_0 = arith.constant 0 : i32
    %c0_i32_1 = arith.constant 0 : i32
    return %c0_i32, %arg0, %c0_i32_0 : i32, i32, i32
  }
  func.func @transform_1(%arg0: i32) -> (i32, i32) {
    %c0_i32 = arith.constant 0 : i32
    %c0_i32_0 = arith.constant 0 : i32
    return %arg0, %c0_i32 : i32, i32
  }
  func.func @transform_2(%arg0: i32) -> (i32, i32) {
    %c0_i32 = arith.constant 0 : i32
    %c0_i32_0 = arith.constant 0 : i32
    return %arg0, %c0_i32 : i32, i32
  }
}

module attributes {stable_mosaic.version = 14 : i64} {
  func.func @_p3_body(%arg0: i32, %arg1: memref<2000x64xf32, #tpu.memory_space<vmem>>, %arg2: memref<2000x16xf32, #tpu.memory_space<vmem>>, %arg3: memref<2000x1xf32, #tpu.memory_space<vmem>>, %arg4: memref<2000x64xf32, #tpu.memory_space<vmem>>) attributes {dimension_semantics = [#tpu.dimension_semantics<arbitrary>], iteration_bounds = array<i64: 10>, scalar_prefetch = 0 : i64, scratch_operands = 0 : i64, tpu.core_type = #tpu.core_type<tc>, window_params = [{transform_indices = @transform_0, window_bounds = array<i64: 2000, 64>}, {transform_indices = @transform_1, window_bounds = array<i64: 2000, 16>}, {transform_indices = @transform_2, window_bounds = array<i64: 2000, 1>}, {transform_indices = @transform_3, window_bounds = array<i64: 2000, 64>}]} {
    %get3A = arith.constant 0 : index
    %get3A_0 = arith.constant 0 : index
    %get3A_1 = vector.load %arg2[%get3A, %get3A_0] : memref<2000x16xf32, #tpu.memory_space<vmem>>, vector<2000x1xf32>
    %max3A = arith.constant 1.000000e+00 : f32
    %max3A_2 = vector.broadcast %max3A : f32 to vector<2000x1xf32>
    %max3A_3 = arith.maximumf %get3A_1, %max3A_2 : vector<2000x1xf32>
    %rsqrt3A = math.rsqrt %max3A_3 : vector<2000x1xf32>
    %swap3A = arith.constant 0 : index
    %swap3A_4 = arith.constant 0 : index
    %swap3A_5 = vector.load %arg3[%swap3A, %swap3A_4] : memref<2000x1xf32, #tpu.memory_space<vmem>>, vector<2000x1xf32>
    tpu.vector_store %arg3[%swap3A, %swap3A_4], %rsqrt3A {strides = array<i32>} : memref<2000x1xf32, #tpu.memory_space<vmem>>, vector<2000x1xf32>,
    %get3A_6 = arith.constant 0 : index
    %get3A_7 = arith.constant 0 : index
    %get3A_8 = vector.load %arg1[%get3A_6, %get3A_7] : memref<2000x64xf32, #tpu.memory_space<vmem>>, vector<2000x64xf32>
    %mul3A = vector.broadcast %rsqrt3A : vector<2000x1xf32> to vector<2000x64xf32>
    %mul3A_9 = arith.mulf %get3A_8, %mul3A : vector<2000x64xf32>
    %swap3A_10 = arith.constant 0 : index
    %swap3A_11 = arith.constant 0 : index
    %swap3A_12 = vector.load %arg4[%swap3A_10, %swap3A_11] : memref<2000x64xf32, #tpu.memory_space<vmem>>, vector<2000x64xf32>
    tpu.vector_store %arg4[%swap3A_10, %swap3A_11], %mul3A_9 {strides = array<i32>} : memref<2000x64xf32, #tpu.memory_space<vmem>>, vector<2000x64xf32>,
    return
  }
  func.func @transform_0(%arg0: i32) -> (i32, i32) {
    %c0_i32 = arith.constant 0 : i32
    %c0_i32_0 = arith.constant 0 : i32
    return %arg0, %c0_i32 : i32, i32
  }
  func.func @transform_1(%arg0: i32) -> (i32, i32) {
    %c0_i32 = arith.constant 0 : i32
    %c0_i32_0 = arith.constant 0 : i32
    return %arg0, %c0_i32 : i32, i32
  }
  func.func @transform_2(%arg0: i32) -> (i32, i32) {
    %c0_i32 = arith.constant 0 : i32
    %c0_i32_0 = arith.constant 0 : i32
    return %arg0, %c0_i32 : i32, i32
  }
  func.func @transform_3(%arg0: i32) -> (i32, i32) {
    %c0_i32 = arith.constant 0 : i32
    %c0_i32_0 = arith.constant 0 : i32
    return %arg0, %c0_i32 : i32, i32
  }
}

module attributes {stable_mosaic.version = 14 : i64} {
  func.func @_p4b_body(%arg0: i32, %arg1: memref<2000x64xf32, #tpu.memory_space<vmem>>, %arg2: memref<2000x1xf32, #tpu.memory_space<vmem>>, %arg3: memref<2000x64xf32, #tpu.memory_space<vmem>>, %arg4: memref<2000x64xf32, #tpu.memory_space<vmem>>, %arg5: memref<2000x64xf32, #tpu.memory_space<vmem>>) attributes {dimension_semantics = [#tpu.dimension_semantics<arbitrary>], iteration_bounds = array<i64: 10>, scalar_prefetch = 0 : i64, scratch_operands = 0 : i64, tpu.core_type = #tpu.core_type<tc>, window_params = [{transform_indices = @transform_0, window_bounds = array<i64: 2000, 64>}, {transform_indices = @transform_1, window_bounds = array<i64: 2000, 1>}, {transform_indices = @transform_2, window_bounds = array<i64: 2000, 64>}, {transform_indices = @transform_3, window_bounds = array<i64: 2000, 64>}, {transform_indices = @transform_4, window_bounds = array<i64: 2000, 64>}]} {
    %get3A = arith.constant 0 : index
    %get3A_0 = arith.constant 0 : index
    %get3A_1 = vector.load %arg2[%get3A, %get3A_0] : memref<2000x1xf32, #tpu.memory_space<vmem>>, vector<2000x1xf32>
    %get3A_2 = arith.constant 0 : index
    %get3A_3 = arith.constant 0 : index
    %get3A_4 = vector.load %arg1[%get3A_2, %get3A_3] : memref<2000x64xf32, #tpu.memory_space<vmem>>, vector<2000x64xf32>
    %mul3A = vector.broadcast %get3A_1 : vector<2000x1xf32> to vector<2000x64xf32>
    %mul3A_5 = arith.mulf %get3A_4, %mul3A : vector<2000x64xf32>
    %mul3A_6 = vector.broadcast %get3A_1 : vector<2000x1xf32> to vector<2000x64xf32>
    %mul3A_7 = arith.mulf %mul3A_5, %mul3A_6 : vector<2000x64xf32>
    %swap3A = arith.constant 0 : index
    %swap3A_8 = arith.constant 0 : index
    %swap3A_9 = vector.load %arg4[%swap3A, %swap3A_8] : memref<2000x64xf32, #tpu.memory_space<vmem>>, vector<2000x64xf32>
    tpu.vector_store %arg4[%swap3A, %swap3A_8], %mul3A_7 {strides = array<i32>} : memref<2000x64xf32, #tpu.memory_space<vmem>>, vector<2000x64xf32>,
    %get3A_10 = arith.constant 0 : index
    %get3A_11 = arith.constant 0 : index
    %get3A_12 = vector.load %arg3[%get3A_10, %get3A_11] : memref<2000x64xf32, #tpu.memory_space<vmem>>, vector<2000x64xf32>
    %add3A = arith.addf %get3A_12, %mul3A_5 : vector<2000x64xf32>
    %swap3A_13 = arith.constant 0 : index
    %swap3A_14 = arith.constant 0 : index
    %swap3A_15 = vector.load %arg5[%swap3A_13, %swap3A_14] : memref<2000x64xf32, #tpu.memory_space<vmem>>, vector<2000x64xf32>
    tpu.vector_store %arg5[%swap3A_13, %swap3A_14], %add3A {strides = array<i32>} : memref<2000x64xf32, #tpu.memory_space<vmem>>, vector<2000x64xf32>,
    return
  }
  func.func @transform_0(%arg0: i32) -> (i32, i32) {
    %c0_i32 = arith.constant 0 : i32
    %c0_i32_0 = arith.constant 0 : i32
    return %arg0, %c0_i32 : i32, i32
  }
  func.func @transform_1(%arg0: i32) -> (i32, i32) {
    %c0_i32 = arith.constant 0 : i32
    %c0_i32_0 = arith.constant 0 : i32
    return %arg0, %c0_i32 : i32, i32
  }
  func.func @transform_2(%arg0: i32) -> (i32, i32) {
    %c0_i32 = arith.constant 0 : i32
    %c0_i32_0 = arith.constant 0 : i32
    return %arg0, %c0_i32 : i32, i32
  }
  func.func @transform_3(%arg0: i32) -> (i32, i32) {
    %c0_i32 = arith.constant 0 : i32
    %c0_i32_0 = arith.constant 0 : i32
    return %arg0, %c0_i32 : i32, i32
  }
  func.func @transform_4(%arg0: i32) -> (i32, i32) {
    %c0_i32 = arith.constant 0 : i32
    %c0_i32_0 = arith.constant 0 : i32
    return %arg0, %c0_i32 : i32, i32
  }
}

module attributes {stable_mosaic.version = 14 : i64} {
  func.func @_p5b_body(%arg0: i32, %arg1: memref<2000x64xf32, #tpu.memory_space<vmem>>, %arg2: memref<2000x1xf32, #tpu.memory_space<vmem>>, %arg3: memref<2000x64xf32, #tpu.memory_space<vmem>>, %arg4: memref<2000x64xf32, #tpu.memory_space<vmem>>) attributes {dimension_semantics = [#tpu.dimension_semantics<arbitrary>], iteration_bounds = array<i64: 10>, scalar_prefetch = 0 : i64, scratch_operands = 0 : i64, tpu.core_type = #tpu.core_type<tc>, window_params = [{transform_indices = @transform_0, window_bounds = array<i64: 2000, 64>}, {transform_indices = @transform_1, window_bounds = array<i64: 2000, 1>}, {transform_indices = @transform_2, window_bounds = array<i64: 2000, 64>}, {transform_indices = @transform_3, window_bounds = array<i64: 2000, 64>}]} {
    %get3A = arith.constant 0 : index
    %get3A_0 = arith.constant 0 : index
    %get3A_1 = vector.load %arg1[%get3A, %get3A_0] : memref<2000x64xf32, #tpu.memory_space<vmem>>, vector<2000x64xf32>
    %get3A_2 = arith.constant 0 : index
    %get3A_3 = arith.constant 0 : index
    %get3A_4 = vector.load %arg2[%get3A_2, %get3A_3] : memref<2000x1xf32, #tpu.memory_space<vmem>>, vector<2000x1xf32>
    %mul3A = vector.broadcast %get3A_4 : vector<2000x1xf32> to vector<2000x64xf32>
    %mul3A_5 = arith.mulf %get3A_1, %mul3A : vector<2000x64xf32>
    %get3A_6 = arith.constant 0 : index
    %get3A_7 = arith.constant 0 : index
    %get3A_8 = vector.load %arg3[%get3A_6, %get3A_7] : memref<2000x64xf32, #tpu.memory_space<vmem>>, vector<2000x64xf32>
    %add3A = arith.addf %get3A_8, %mul3A_5 : vector<2000x64xf32>
    %mul3A_9 = arith.constant 0.333333343 : f32
    %mul3A_10 = vector.broadcast %mul3A_9 : f32 to vector<2000x64xf32>
    %mul3A_11 = arith.mulf %add3A, %mul3A_10 : vector<2000x64xf32>
    %swap3A = arith.constant 0 : index
    %swap3A_12 = arith.constant 0 : index
    %swap3A_13 = vector.load %arg4[%swap3A, %swap3A_12] : memref<2000x64xf32, #tpu.memory_space<vmem>>, vector<2000x64xf32>
    tpu.vector_store %arg4[%swap3A, %swap3A_12], %mul3A_11 {strides = array<i32>} : memref<2000x64xf32, #tpu.memory_space<vmem>>, vector<2000x64xf32>,
    return
  }
  func.func @transform_0(%arg0: i32) -> (i32, i32) {
    %c0_i32 = arith.constant 0 : i32
    %c0_i32_0 = arith.constant 0 : i32
    return %arg0, %c0_i32 : i32, i32
  }
  func.func @transform_1(%arg0: i32) -> (i32, i32) {
    %c0_i32 = arith.constant 0 : i32
    %c0_i32_0 = arith.constant 0 : i32
    return %arg0, %c0_i32 : i32, i32
  }
  func.func @transform_2(%arg0: i32) -> (i32, i32) {
    %c0_i32 = arith.constant 0 : i32
    %c0_i32_0 = arith.constant 0 : i32
    return %arg0, %c0_i32 : i32, i32
  }
  func.func @transform_3(%arg0: i32) -> (i32, i32) {
    %c0_i32 = arith.constant 0 : i32
    %c0_i32_0 = arith.constant 0 : i32
    return %arg0, %c0_i32 : i32, i32
  }
}

module attributes {stable_mosaic.version = 14 : i64} {
  func.func @_p6_body(%arg0: i32, %arg1: memref<4096x128xf32, #tpu.memory_space<vmem>>, %arg2: memref<4096x1xf32, #tpu.memory_space<vmem>>) attributes {dimension_semantics = [#tpu.dimension_semantics<arbitrary>], iteration_bounds = array<i64: 1>, scalar_prefetch = 0 : i64, scratch_operands = 0 : i64, tpu.core_type = #tpu.core_type<tc>, window_params = [{pipeline_mode = #tpu.pipeline_mode<synchronous>, transform_indices = @transform_0, window_bounds = array<i64: 4096, 128>}, {pipeline_mode = #tpu.pipeline_mode<synchronous>, transform_indices = @transform_1, window_bounds = array<i64: 4096, 1>}]} {
    %get3A = arith.constant 0 : index
    %get3A_0 = arith.constant 0 : index
    %get3A_1 = vector.load %arg1[%get3A, %get3A_0] : memref<4096x128xf32, #tpu.memory_space<vmem>>, vector<4096x128xf32>
    %slice3A = vector.extract_strided_slice %get3A_1 {offsets = [0, 0], sizes = [4096, 64], strides = [1, 1]} : vector<4096x128xf32> to vector<4096x64xf32>
    %slice3A_2 = vector.extract_strided_slice %get3A_1 {offsets = [0, 64], sizes = [4096, 64], strides = [1, 1]} : vector<4096x128xf32> to vector<4096x64xf32>
    %mul3A = arith.mulf %slice3A, %slice3A_2 : vector<4096x64xf32>
    %reduce_sum3A = arith.constant dense<0.000000e+00> : vector<4096xf32>
    %reduce_sum3A_3 = vector.multi_reduction <add>, %mul3A, %reduce_sum3A [1] : vector<4096x64xf32> to vector<4096xf32>
    %broadcast_in_dim3A = vector.shape_cast %reduce_sum3A_3 : vector<4096xf32> to vector<4096x1xf32>
    %swap3A = arith.constant 0 : index
    %swap3A_4 = arith.constant 0 : index
    %swap3A_5 = vector.load %arg2[%swap3A, %swap3A_4] : memref<4096x1xf32, #tpu.memory_space<vmem>>, vector<4096x1xf32>
    tpu.vector_store %arg2[%swap3A, %swap3A_4], %broadcast_in_dim3A {strides = array<i32>} : memref<4096x1xf32, #tpu.memory_space<vmem>>, vector<4096x1xf32>,
    return
  }
  func.func @transform_0(%arg0: i32) -> (i32, i32) {
    %c0_i32 = arith.constant 0 : i32
    %c0_i32_0 = arith.constant 0 : i32
    %c0_i32_1 = arith.constant 0 : i32
    return %c0_i32, %c0_i32_0 : i32, i32
  }
  func.func @transform_1(%arg0: i32) -> (i32, i32) {
    %c0_i32 = arith.constant 0 : i32
    %c0_i32_0 = arith.constant 0 : i32
    %c0_i32_1 = arith.constant 0 : i32
    return %c0_i32, %c0_i32_0 : i32, i32
  }
}

</mosaic_0001>

<sc_bundles>
// kernel: kernel.12.cloned.1.call-start
scs
__scs_entry_jumppad:
0x0: {  	(pc) =	sbr.rel $0x88, $3  }
0x1: {  	(tag) =	ssettag $0x0;
	lr =	simm.s32 $0x1  }
0x2: {  	[smem:$0x3F92] =	sst lr;
	_ =	strace $0xD0000000  }
0x3: {  	_ = 	snop  }
0x4: {  	_ = 	snop  }
0x5: {  	_ = 	snop  }
0x6: {  	_ = 	snop  }
0x7: {  	_ = 	snop  }
__scs_overlays_trampoline_lowered:
0x8: {  	[smem:$0x3FA1] =	sst s0  }
0x9: {  	[smem:$0x3FA2] =	sst s1  }
0xa: {  	[smem:$0x3FA3] =	sst s2  }
0xb: {  	[smem:$0x3FA4] =	sst s3  }
0xc: {  	[smem:$0x3FA5] =	sst s4  }
0xd: {  	[smem:$0x3FA6] =	sst s5  }
0xe: {  	[smem:$0x3FA7] =	sst s6  }
0xf: {  	[smem:$0x3FA8] =	sst s7  }
0x10: {  	[smem:$0x3FA9] =	sst s8  }
0x11: {  	[smem:$0x3FAA] =	sst s9;
	s0 =	simm.s32 @!p0 $0x0  }
0x12: {  	s1 =	sld [smem:$0x3F90];
	s0 =	simm.s32 @p0 $0x1  }
0x13: {  	[smem:$0x3FAB] =	sst s0;
	s0 =	simm.s32 @!p1 $0x0  }
0x14: {  	s2 =	sld [smem:$0x3F8F];
	s0 =	simm.s32 @p1 $0x1  }
0x15: {  	[smem:$0x3FAC] =	sst s0;
	s0 =	simm.s32 @!p2 $0x0  }
0x16: {  	s3 =	sld [smem:$0x3FDB];
	s0 =	simm.s32 @p2 $0x1  }
0x17: {  	s4 =	simm.s32 $0x1BF5;
	[smem:$0x3FAE] =	sst s0  }
0x18: {  	s0 =	sld [smem:$0x3F91];
	_ =	swait.ge [sflag:s4], $0x0  }
0x19: {  	s7 =	sld [smem:$0x3F92]  }
0x1a: {  	s8 =	sadd.s32 $0xFFFFE003, lr  }
0x1b: {  	s9 =	sadd.s32 $0xFFFFFEF7, lr;
	s5 =	simm.s32 $0xFFFFFFFF;
	p2 =	slt.u32 s8, $0xFFFFF086  }
0x1c: {  	p1 =	slt.u32 s9, $0xF7A;
	s5 =	simm.s32 @!p2 $0x0  }
0x1d: {  	s5 =	simm.s32 @p1 $0x1;
	p0 =	seq.s32 s7, s2  }
0x1e: {  	s7 =	smul.u32 @!p0 $0xF7A, s2;
	p2 =	seq.s32 @!p0 s5, $0x0  }
0x1f: {  	s9 =	smul.u32 $0xF7A, s1;
	s8 =	simm.s32 @!p0 $0x1BF5;
	p2 =	por !p2, p0  }
0x20: {  	[sflag:s8] =	ssyncset.s32 @!p0 $0xFFFFF086;
	s6 =	sadd.s32 @!p0 s3, s7;
	s7 =	simm.s32 @!p0 $0x108  }
0x21: {  	s3 =	sadd.s32 s3, s9;
	s6 =	sadd.s32 @!p0 $0x88, s6;
	s7 =	simm.s32 @p2 $0x1082  }
0x22: {  	[simem:s7], [sflag:s8] =	dma.local @!p0 [hbm:s6], $0xF7A  }
0x23: {  	s9 =	sor.u32 $0xD0000000, s2;
	s6 =	simm.s32 $0x108;
	_ =	swait.ge @!p0 [sflag:s8], $0x0  }
0x24: {  	s3 =	sadd.s32 $0x88, s3;
	s6 =	simm.s32 @!p1 $0x1082;
	[sflag:s4] =	ssyncset.s32 $0xFFFFF086  }
0x25: {  	[simem:s6], [sflag:s4] =	dma.local [hbm:s3], $0xF7A  }
0x26: {  	[smem:$0x3F92] =	sst s1;
	(tag) =	ssettag s2;
	_ =	strace s9  }
0x27: {  	s1 =	sld [smem:$0x3FA2]  }
0x28: {  	s2 =	sld [smem:$0x3FA3]  }
0x29: {  	s4 =	sld [smem:$0x3FA5]  }
0x2a: {  	p0 =	seq.s32 s5, $0x0;
	s5 =	sld [smem:$0x3FA6]  }
0x2b: {  	s6 =	sld [smem:$0x3FA7]  }
0x2c: {  	s7 =	sld [smem:$0x3FA8]  }
0x2d: {  	s3 =	simm.s32 $0x108;
	s8 =	sld [smem:$0x3FA9]  }
0x2e: {  	s3 =	simm.s32 @!p0 $0x1082;
	s9 =	sld [smem:$0x3FAA]  }
0x2f: {  	lr =	sadd.s32 s0, s3;
	s0 =	sld [smem:$0x3FA1]  }
0x30: {  	s3 =	sld [smem:$0x3FA4]  }
0x31: {  	[smem:$0x3FAD] =	sst s10  }
0x32: {  	s10 =	sld [smem:$0x3FAB];
	_ =	sdelay $0x3  }
0x33: {  	p0 =	seq.s32 s10, $0x1;
	s10 =	sld [smem:$0x3FAD];
	_ =	sdelay $0x3  }
0x34: {  	[smem:$0x3FAD] =	sst s10  }
0x35: {  	s10 =	sld [smem:$0x3FAC];
	_ =	sdelay $0x3  }
0x36: {  	p1 =	seq.s32 s10, $0x1;
	s10 =	sld [smem:$0x3FAD];
	_ =	sdelay $0x3  }
0x37: {  	[smem:$0x3FAD] =	sst s10  }
0x38: {  	s10 =	sld [smem:$0x3FAE]  }
0x39: {  	_ = 	snop;
	(pc) =	sbr.ind lr, $3  }
0x3a: {  	_ = 	snop  }
0x3b: {  	_ = 	snop  }
0x3c: {  	p2 =	seq.s32 s10, $0x1;
	s10 =	sld [smem:$0x3FAD]  }
0x3d: {  	_ =	shalt  }
0x3e: {  	_ =	shalt  }
0x3f: {  	_ =	shalt  }
0x40: {  	_ =	shalt  }
0x41: {  	_ =	shalt  }
0x42: {  	_ =	shalt  }
0x43: {  	_ =	shalt  }
0x44: {  	_ =	shalt  }
0x45: {  	_ =	shalt  }
0x46: {  	_ =	shalt  }
0x47: {  	_ =	shalt  }
0x48: {  	_ =	shalt  }
0x49: {  	_ =	shalt  }
0x4a: {  	_ =	shalt  }
0x4b: {  	_ =	shalt  }
0x4c: {  	_ =	shalt  }
0x4d: {  	_ =	shalt  }
0x4e: {  	_ =	shalt  }
0x4f: {  	_ =	shalt  }
0x50: {  	_ =	shalt  }
0x51: {  	_ =	shalt  }
0x52: {  	_ =	shalt  }
0x53: {  	_ =	shalt  }
0x54: {  	_ =	shalt  }
0x55: {  	_ =	shalt  }
0x56: {  	_ =	shalt  }
0x57: {  	_ =	shalt  }
0x58: {  	_ =	shalt  }
0x59: {  	_ =	shalt  }
0x5a: {  	_ =	shalt  }
0x5b: {  	_ =	shalt  }
0x5c: {  	_ =	shalt  }
0x5d: {  	_ =	shalt  }
0x5e: {  	_ =	shalt  }
0x5f: {  	_ =	shalt  }
0x60: {  	_ =	shalt  }
0x61: {  	_ =	shalt  }
0x62: {  	_ =	shalt  }
0x63: {  	_ =	shalt  }
0x64: {  	_ =	shalt  }
0x65: {  	_ =	shalt  }
0x66: {  	_ =	shalt  }
0x67: {  	_ =	shalt  }
0x68: {  	_ =	shalt  }
0x69: {  	_ =	shalt  }
0x6a: {  	_ =	shalt  }
0x6b: {  	_ =	shalt  }
0x6c: {  	_ =	shalt  }
0x6d: {  	_ =	shalt  }
0x6e: {  	_ =	shalt  }
0x6f: {  	_ =	shalt  }
0x70: {  	_ =	shalt  }
0x71: {  	_ =	shalt  }
0x72: {  	_ =	shalt  }
0x73: {  	_ =	shalt  }
0x74: {  	_ =	shalt  }
0x75: {  	_ =	shalt  }
0x76: {  	_ =	shalt  }
0x77: {  	_ =	shalt  }
0x78: {  	_ =	shalt  }
0x79: {  	_ =	shalt  }
0x7a: {  	_ =	shalt  }
0x7b: {  	_ =	shalt  }
0x7c: {  	_ =	shalt  }
0x7d: {  	_ =	shalt  }
0x7e: {  	_ =	shalt  }
0x7f: {  	_ =	shalt  }
0x80: {  	_ =	shalt  }
0x81: {  	_ =	shalt  }
0x82: {  	_ =	shalt  }
0x83: {  	_ =	shalt  }
0x84: {  	_ =	shalt  }
0x85: {  	_ =	shalt  }
0x86: {  	_ =	shalt  }
0x87: {  	_ =	shalt  }
.Lfunc_end0:
.L_simem_size_0:
called_computation_lowered:
.L_overlay_start_0:
0x88: {  	s2 =	sld [smem:$0x3FD9]  }
0x89: {  	s3 =	sld [smem:$0x3FFE];
	_ =	sdelay $0x1  }
0x8a: {  	s1 =	srdreg.scid  }
0x8b: {  	s0 =	sand.u32 $0x1, s1  }
0x8c: {  	s16 =	sshll.u32 s0, $0xA;
	s2 =	sadd.s32 s3, s2  }
0x8d: {  	s2 =	sadd.s32 s2, s16  }
0x8e: {  	[smem:$0x3FB9] =	sst s2  }
0x8f: {  	_ = 	snop  }
0x90: {  	(tm) =	ssettm $0x1  }
0x91: {  	s17 =	sld [smem:$0x3FFB];
	_ =	sdelay $0x3  }
0x92: {  	_ =	strace s17  }
0x93: {  	s2 =	sld [smem:$0x3FFC];
	_ =	sdelay $0x3  }
0x94: {  	_ =	strace s2  }
0x95: {  	s2 =	sld [smem:$0x3FFD];
	_ =	sdelay $0x3  }
0x96: {  	_ =	strace s2  }
0x97: {  	_ =	strace $0x8FFFFFFF  }
0x98: {  	s18 =	sld [smem:$0x3FDB];
	_ =	sdelay $0x1  }
0x99: {  	s19 =	simm.s32 $_scs_section_size  }
0x9a: {  	s4 =	simm.s32 $_size__tile_overlayer_lowered;
	s5 =	simm.s32 $_tile_overlayer_lowered  }
0x9b: {  	s22 =	simm.s32 $0x1BFF;
	s21 =	sshll.u32 s5, $0x1;
	s2 =	sadd.s32 s19, s18  }
0x9c: {  	s6 =	simm.s32 $0x0;
	s20 =	sshll.u32 s4, $0x1;
	s4 =	sadd.s32 s21, s2  }
0x9d: {  	[timem:s6], [sflag:s22] =	dma.local [hbm:s4], s20  }
0x9e: {  	_ =	swait.ge [sflag:s22], s20  }
0x9f: {  	s3 =	ssub.s32 $0x0, s20;
	[sflag:s22] =	ssyncset.done $0x0  }
0xa0: {  	[sflag:s22] =	ssyncadd.s32 s3;
	_ =	sdelay $0x1  }
0xa1: {  	s23 =	simm.s32 $0x1B8B  }
0xa2: {  	_ =	swait.ge [sflag:s23], $0x1  }
0xa3: {  	[sflag:s23] =	ssyncset.done $0x0  }
0xa4: {  	s25 =	simm.s32 $0x1B8E;
	s24 =	sld [smem:$0x3FFE];
	[sflag:s23] =	ssyncadd.s32 $0xFFFFFFFF  }
0xa5: {  	s26 =	simm.s32 $execute0_lowered;
	[smem:$0x3FD2] =	sst s25  }
0xa6: {  	s4 =	sshll.u32 s26, $0x1;
	_ =	strace $0x80000046;
	[dreg:$0x1] =	wrdreg $0xFFFFFFFF  }
0xa7: {  	s28 =	simm.s32 $_size_execute0_lowered;
	s2 =	sadd.s32 s2, s4;
	[dreg:$0x0] =	wrdreg $0x0  }
0xa8: {  	s4 =	sshll.u32 s28, $0x1;
	[dreg:$0x2] =	wrdreg s2  }
0xa9: {  	[dreg:$0x3] =	wrdreg s4  }
0xaa: {  	[dreg:$0x4] =	wrdreg $0xC0  }
0xab: {  	_ =	task [dreg:s6], $0x5FFFF  }
0xac: {  	[dreg:$0x1] =	wrdreg $0xFFFFFFFF  }
0xad: {  	[dreg:$0x0] =	wrdreg $0x60  }
0xae: {  	[dreg:$0x2] =	wrdreg s24  }
0xaf: {  	[dreg:$0x3] =	wrdreg $0x192000  }
0xb0: {  	[dreg:$0x4] =	wrdreg $0x9  }
0xb1: {  	_ =	task.clear_ibuf [dreg:s6], $0x5FFFF;
	_ =	strace $0x90000046  }
0xb2: {  	s29 =	simm.s32 $0x9;
	_ =	strace $0x80000048  }
0xb3: {  	_ =	swait.ge [sflag:s29], $0x1  }
0xb4: {  	[sflag:s29] =	ssyncadd.s32 $0xFFFFFFFF  }
0xb5: {  	_ =	strace $0x90000048  }
0xb6: {  	_ =	sfence  }
0xb7: {  	s30 =	sld [smem:$0x0];
	_ =	sdelay $0x2  }
0xb8: {  	s31 =	sshll.u32 s1, $0xD;
	s1 =	sshrl.u32 s1, $0x2  }
0xb9: {  	s3 =	sand.u32 $0x4000, s31;
	s1 =	sadd.s32 s1, s30  }
0xba: {  	s0 =	sor.u32 s3, s0;
	s1 =	sshll.u32 s1, $0x11  }
0xbb: {  	s0 =	sor.u32 s1, s0  }
0xbc: {  	s0 =	sadd.s32 $0x8F2B, s0  }
0xbd: {  	[sflag:s0] =	ssyncadd.remote.s32 $0x1  }
0xbe: {  	_ =	sfence.sel $0xFFFF  }
0xbf: {  	[dreg:$0x0] =	wrdreg $0xFFFFFFFF;
	(pc) =	sbr.abs _section_cstart, $3  }
0xc0: {  	[dreg:$0x1] =	wrdreg $0xFFFFFFFF  }
0xc1: {  	_ =	task.clear_ibuf [dreg:s6], $0x2FFFF;
	_ =	strace $0x9FFFFFFF  }
0xc2: {  	(tm) =	ssettm $0x7FFFFFFF  }
0xc3: {  	_ =	shalt  }
tec
execute0_lowered:
.L_overlay_start_1:
0x0: {  	(tag) =	ssettag $0x1  }
0x1: {  	s0 =	srdreg.scid;
	s5 =	rddreg [dreg:$0x0]  }
0x2: {  	s10 =	stileid.u32;
	s2 =	rddreg [dreg:$0x1];
	s3 =	simm.s32 $0x0  }
0x3: {  	s18 =	simm.s32 $0x6;
	s19 =	simm.s32 $0xA00;
	s20 =	simm.s32 $0x5  }
0x4: {  	s21 =	simm.s32 $0x200;
	s22 =	simm.s32 $0x3200;
	s31 =	simm.s32 $0x1  }
0x5: {  	s28 =	simm.s32 $0x2;
	s29 =	simm.s32 $0x4;
	s30 =	simm.s32 $0x0  }
0x6: {  	s0 =	sand.u32 $0x1, s0;
	[smem:$0x7FF] =	sst s3;
	s9 =	smul.u32 $0xA000, s10  }
0x7: {  	s4 =	sadd.s32 $0x3800, s5;
	s25 =	smul.u32 $0x2710, s10;
	s1 =	sshll.u32 s0, $0x4  }
0x8: {  	s8 =	smul.u32 $0x4E20, s0;
	s0 =	ssub.s32 $0x2, s0;
	s1 =	sor.u32 s10, s1  }
0x9: {  	_ =	strace $0x80000047;
	s24 =	sshrl.u32 s0, $0x1;
	s6 =	smul.u32 $0x140, s1  }
0xa: {  	s9 =	sshrl.u32 s9, $0x2;
	s12 =	sshrl.u32 s25, $0x3;
	s7 =	smul.u32 $0x500, s1  }
0xb: {  	s1 =	smul.u32 $0x6400, s1;
	s0 =	ssub.s32 s0, s24;
	s24 =	simm.s32 $0xD200  }
0xc: {  	s0 =	smax.u32 s0, $0x1;
	s6 =	sadd.s32 s6, s5;
	s7 =	sadd.s32 s7, s5  }
0xd: {  	s1 =	sadd.s32 s1, s5;
	s5 =	sadd.s32 s8, s5;
	[dreg:$0x5] =	wrdreg s0  }
0xe: {  	s6 =	sadd.s32 $0x1C000, s6;
	s7 =	sadd.s32 $0x1E800, s7;
	s5 =	sadd.s32 $0xF0800, s5  }
0xf: {  	s26 =	sadd.s32 $0x28800, s1;
	s14 =	sadd.s32 $0x29C00, s1;
	s15 =	sadd.s32 $0x2B000, s1  }
0x10: {  	s16 =	sadd.s32 $0x2C400, s1;
	s17 =	sadd.s32 $0x2D800, s1;
	[dreg:$0x3] =	wrdreg s6  }
0x11: {  	s1 =	simm.s32 $0x3;
	s6 =	sadd.s32 s9, s2;
	[dreg:$0x4] =	wrdreg s7  }
0x12: {  	s7 =	sadd.s32 s25, s2;
	[dreg:$0x6] =	wrdreg s26;
	s23 =	sadd.s32 s12, s5  }
0x13: {  	s26 =	simm.s32 $0x17200;
	s8 =	sadd.s32 $0x800, s6;
	s9 =	sadd.s32 $0x1000, s6  }
0x14: {  	v0 =	vimm.f32 $1.000000000e+00;
	v1 =	vimm.f32 $0.0e+00;
	s10 =	sadd.s32 $0x1800, s6;
	s11 =	sadd.s32 $0x2000, s6;
	s25 =	sshrl.u32 s7, $0x3  }
.LBB2_1:
0x15: {  	s0 =	rddreg [dreg:$0x3]  }
0x16: {  	[tilespmem:s3], [sflag:$0x6] =	stream.linear.gather [hbm4b:s0+s3], $0xA00, $0x38;
	[tilespmem:$0x1BA00] =	vst v63  }
0x17: {  	_ =	swait.ge [sflag:s18], $0xA00  }
0x18: {  	[sflag:s18] =	ssyncset.done $0x0  }
0x19: {  	s13 =	rddreg [dreg:$0x4];
	[sflag:s18] =	ssyncadd.s32 $0xFFFFF600  }
0x1a: {  	[tilespmem:s19], [sflag:$0x6] =	stream.linear.gather [hbm4b:s13+s3], $0x2800, $0x38;
	[tilespmem:$0x1BA00] =	vst v63  }
0x1b: {  	_ =	swait.ge [sflag:s18], $0x2800  }
0x1c: {  	[sflag:s18] =	ssyncset.done $0x0  }
0x1d: {  	s5 =	simm.s32 $0x0;
	s0 =	simm.s32 $0x40;
	[sflag:s18] =	ssyncadd.s32 $0xFFFFD800  }
.LBB2_2:
0x1e: {  	p0 =	sne.s32 s0, $0x7FC0;
	[tilespmem:s5+$0x17200] =	vst v0;
	s5 =	smov.u32 s0;
	s0 =	sadd.s32 $0x40, s0  }
.Ltmp0:
0x1f: {  	(pc) =	sbr.rel @p0 .LBB2_2-.Ltmp0, $2  }
0x20: {  	_ =	sdelay $0x2  }
0x21: {  	s5 =	sshra.s32 s5, $0x2  }
0x22: {  	[tilespmem:s5+$0x17200] =	vst v0;
	s0 =	simm.s32 $0x140;
	s5 =	simm.s32 $0x0  }
.LBB2_4:
0x23: {  	p0 =	sne.s32 s0, $0x9EC0;
	[tilespmem:s5+$0x3200] =	vst v1;
	s5 =	smov.u32 s0;
	s0 =	sadd.s32 $0x140, s0  }
.Ltmp1:
0x24: {  	(pc) =	sbr.rel @p0 .LBB2_4-.Ltmp1, $2  }
0x25: {  	_ =	sdelay $0x2  }
0x26: {  	s5 =	sshra.s32 s5, $0x2  }
0x27: {  	s0 =	simm.s32 $0x3200  }
0x28: {  	[tilespmem:s5+$0x3200] =	vst v1;
	s13 =	sadd.s32 $0x0, s6;
	s5 =	simm.s32 $0x40;
	s7 =	simm.s32 $0x3200  }
0x29: {  	[spmem:s13] =	stream.linear.scatter [tilespmem:s0], [sflag:$0x5], $0x10, $0x38;
	[tilespmem:$0x1BA00] =	vst v63  }
.LBB2_6:
0x2a: {  	p0 =	sne.s32 s5, $0x1FC0  }
.Ltmp2:
0x2b: {  	_ = 	snop;
	(pc) =	sbr.rel @p0 .LBB2_6-.Ltmp2, $4  }
0x2c: {  	_ = 	snop  }
0x2d: {  	s12 =	sshra.s32 s5, $0x2;
	s5 =	sadd.s32 $0x40, s5  }
0x2e: {  	s7 =	sadd.s32 $0x50, s7;
	s12 =	sadd.s32 s12, s6  }
0x2f: {  	[spmem:s12] =	stream.linear.scatter [tilespmem:s7], [sflag:$0x5], $0x10, $0x38;
	[tilespmem:$0x1BA00] =	vst v63  }
0x30: {  	s5 =	sadd.s32 $0x0, s8;
	s7 =	simm.s32 $0x40  }
0x31: {  	[spmem:s5] =	stream.linear.scatter [tilespmem:s0], [sflag:$0x5], $0x10, $0x38;
	[tilespmem:$0x1BA00] =	vst v63  }
.LBB2_8:
0x32: {  	p0 =	sne.s32 s7, $0x1FC0  }
.Ltmp3:
0x33: {  	_ = 	snop;
	(pc) =	sbr.rel @p0 .LBB2_8-.Ltmp3, $4  }
0x34: {  	_ = 	snop  }
0x35: {  	s5 =	sshra.s32 s7, $0x2;
	s7 =	sadd.s32 $0x40, s7  }
0x36: {  	s0 =	sadd.s32 $0x50, s0;
	s12 =	sadd.s32 s5, s8;
	s5 =	simm.s32 $0x3200  }
0x37: {  	[spmem:s12] =	stream.linear.scatter [tilespmem:s0], [sflag:$0x5], $0x10, $0x38;
	[tilespmem:$0x1BA00] =	vst v63  }
0x38: {  	s0 =	sadd.s32 $0x0, s9;
	s7 =	simm.s32 $0x40;
	s12 =	simm.s32 $0x3200  }
0x39: {  	[spmem:s0] =	stream.linear.scatter [tilespmem:s5], [sflag:$0x5], $0x10, $0x38;
	[tilespmem:$0x1BA00] =	vst v63  }
.LBB2_10:
0x3a: {  	p0 =	sne.s32 s7, $0x1FC0  }
.Ltmp4:
0x3b: {  	_ = 	snop;
	(pc) =	sbr.rel @p0 .LBB2_10-.Ltmp4, $4  }
0x3c: {  	_ = 	snop  }
0x3d: {  	s0 =	sshra.s32 s7, $0x2;
	s7 =	sadd.s32 $0x40, s7  }
0x3e: {  	s12 =	sadd.s32 $0x50, s12;
	s13 =	sadd.s32 s0, s9;
	s0 =	simm.s32 $0x0  }
0x3f: {  	[spmem:s13] =	stream.linear.scatter [tilespmem:s12], [sflag:$0x5], $0x10, $0x38;
	[tilespmem:$0x1BA00] =	vst v63  }
.LBB2_11:
0x40: {  	p0 =	sne.s32 s0, $0x1FC0  }
.Ltmp5:
0x41: {  	_ = 	snop;
	(pc) =	sbr.rel @p0 .LBB2_11-.Ltmp5, $4  }
0x42: {  	s7 =	sshra.s32 s0, $0x2  }
0x43: {  	s7 =	sadd.s32 s7, s10  }
0x44: {  	[spmem:s7] =	stream.linear.scatter [tilespmem:s5], [sflag:$0x5], $0x10, $0x38;
	[tilespmem:$0x1BA00] =	vst v63  }
0x45: {  	s0 =	sadd.s32 $0x40, s0;
	s5 =	sadd.s32 $0x50, s5  }
0x46: {  	s0 =	simm.s32 $0x3200;
	s5 =	sadd.s32 $0x0, s11  }
0x47: {  	[spmem:s5] =	stream.linear.scatter [tilespmem:s0], [sflag:$0x5], $0x10, $0x38;
	[tilespmem:$0x1BA00] =	vst v63  }
0x48: {  	s5 =	simm.s32 $0x40  }
.LBB2_13:
0x49: {  	p0 =	sne.s32 s5, $0x1FC0  }
.Ltmp6:
0x4a: {  	_ = 	snop;
	(pc) =	sbr.rel @p0 .LBB2_13-.Ltmp6, $4  }
0x4b: {  	_ = 	snop  }
0x4c: {  	s7 =	sshra.s32 s5, $0x2;
	s5 =	sadd.s32 $0x40, s5  }
0x4d: {  	s0 =	sadd.s32 $0x50, s0;
	s7 =	sadd.s32 s7, s11  }
0x4e: {  	[spmem:s7] =	stream.linear.scatter [tilespmem:s0], [sflag:$0x5], $0x10, $0x38;
	[tilespmem:$0x1BA00] =	vst v63  }
0x4f: {  	_ =	swait.ge [sflag:s20], $0x800  }
0x50: {  	[sflag:s20] =	ssyncset.done $0x0  }
0x51: {  	[sflag:s20] =	ssyncadd.s32 $0xFFFFF800  }
0x52: {  	_ =	swait.ge [sflag:s20], $0x800  }
0x53: {  	[sflag:s20] =	ssyncset.done $0x0  }
0x54: {  	[sflag:s20] =	ssyncadd.s32 $0xFFFFF800  }
0x55: {  	_ =	swait.ge [sflag:s20], $0x800  }
0x56: {  	[sflag:s20] =	ssyncset.done $0x0  }
0x57: {  	[sflag:s20] =	ssyncadd.s32 $0xFFFFF800  }
0x58: {  	_ =	swait.ge [sflag:s20], $0x800  }
0x59: {  	[sflag:s20] =	ssyncset.done $0x0  }
0x5a: {  	[sflag:s20] =	ssyncadd.s32 $0xFFFFF800  }
0x5b: {  	_ =	swait.ge [sflag:s20], $0x800  }
0x5c: {  	[sflag:s20] =	ssyncset.done $0x0  }
0x5d: {  	[sflag:s20] =	ssyncadd.s32 $0xFFFFF800  }
0x5e: {  	[bflag:$0x0] =	sbarrier.arrive $0xFFFF  }
0x5f: {  	[tilespmem:s22], [sflag:$0x1] =	stream.indirect.gather [hbm4b:s4+s21], $0x50, s3, s21, $0xb8;
	[tilespmem:$0x1BA00] =	vst v63  }
0x60: {  	_ = 	snop  }
0x61: {  	[tilespmem:s24], [sflag:$0x2] =	stream.indirect.gather [hbm4b:s4+s21], $0x50, s21, s21, $0xb8;
	[tilespmem:$0x1BA00] =	vst v63  }
0x62: {  	_ = 	snop  }
0x63: {  	[spmem:s2] =	stream.indirect.scatter.add.f32 [tilespmem:s26], [sflag:$0x5], $0x10, s19, s21, $0xb8;
	[tilespmem:$0x1BA00] =	vst v63  }
0x64: {  	s0 =	simm.s32 $0xC00  }
0x65: {  	[spmem:s2] =	stream.indirect.scatter.add.f32 [tilespmem:s26], [sflag:$0x5], $0x10, s0, s21, $0xb8;
	[tilespmem:$0x1BA00] =	vst v63  }
0x66: {  	s5 =	simm.s32 $0xE00  }
0x67: {  	[spmem:s2] =	stream.indirect.scatter.add.f32 [tilespmem:s26], [sflag:$0x5], $0x10, s5, s21, $0xb8;
	[tilespmem:$0x1BA00] =	vst v63  }
0x68: {  	s7 =	simm.s32 $0x1000  }
0x69: {  	[spmem:s2] =	stream.indirect.scatter.add.f32 [tilespmem:s26], [sflag:$0x5], $0x10, s7, s21, $0xb8;
	[tilespmem:$0x1BA00] =	vst v63  }
0x6a: {  	_ =	swait.ge [sflag:s31], $0xA000  }
0x6b: {  	[sflag:s31] =	ssyncset.done $0x0  }
0x6c: {  	s12 =	rddreg [dreg:$0x6];
	[sflag:s31] =	ssyncadd.s32 $0xFFFF6000  }
0x6d: {  	[hbm4b:s12+s3] =	stream.linear.scatter [tilespmem:s22], [sflag:$0x3], $0xA000, $0x38;
	[tilespmem:$0x1BA00] =	vst v63  }
0x6e: {  	_ =	swait.ge [sflag:s1], $0xA000  }
0x6f: {  	[sflag:s1] =	ssyncset.done $0x0  }
0x70: {  	s13 =	simm.s32 $0x400;
	[sflag:s1] =	ssyncadd.s32 $0xFFFF6000  }
0x71: {  	[tilespmem:s22], [sflag:$0x1] =	stream.indirect.gather [hbm4b:s4+s21], $0x50, s13, s21, $0xb8;
	[tilespmem:$0x1BA00] =	vst v63  }
0x72: {  	_ =	swait.ge [sflag:s20], $0x2000  }
0x73: {  	[sflag:s20] =	ssyncset.done $0x0  }
0x74: {  	[sflag:s20] =	ssyncadd.s32 $0xFFFFE000  }
0x75: {  	_ =	swait.ge [sflag:s20], $0x2000  }
0x76: {  	[sflag:s20] =	ssyncset.done $0x0  }
0x77: {  	[sflag:s20] =	ssyncadd.s32 $0xFFFFE000  }
0x78: {  	_ =	swait.ge [sflag:s20], $0x2000  }
0x79: {  	[sflag:s20] =	ssyncset.done $0x0  }
0x7a: {  	[sflag:s20] =	ssyncadd.s32 $0xFFFFE000  }
0x7b: {  	_ =	swait.ge [sflag:s20], $0x2000  }
0x7c: {  	[sflag:s20] =	ssyncset.done $0x0  }
0x7d: {  	s5 =	simm.s32 $0x1200;
	[sflag:s20] =	ssyncadd.s32 $0xFFFFE000  }
0x7e: {  	[spmem:s2] =	stream.indirect.scatter.add.f32 [tilespmem:s26], [sflag:$0x5], $0x10, s5, s21, $0xb8;
	[tilespmem:$0x1BA00] =	vst v63  }
0x7f: {  	s7 =	simm.s32 $0x1400  }
0x80: {  	[spmem:s2] =	stream.indirect.scatter.add.f32 [tilespmem:s26], [sflag:$0x5], $0x10, s7, s21, $0xb8;
	[tilespmem:$0x1BA00] =	vst v63  }
0x81: {  	s12 =	simm.s32 $0x1600  }
0x82: {  	[spmem:s2] =	stream.indirect.scatter.add.f32 [tilespmem:s26], [sflag:$0x5], $0x10, s12, s21, $0xb8;
	[tilespmem:$0x1BA00] =	vst v63  }
0x83: {  	s13 =	simm.s32 $0x1800  }
0x84: {  	[spmem:s2] =	stream.indirect.scatter.add.f32 [tilespmem:s26], [sflag:$0x5], $0x10, s13, s21, $0xb8;
	[tilespmem:$0x1BA00] =	vst v63  }
0x85: {  	_ =	swait.ge [sflag:s28], $0xA000  }
0x86: {  	[sflag:s28] =	ssyncset.done $0x0  }
0x87: {  	[sflag:s28] =	ssyncadd.s32 $0xFFFF6000  }
0x88: {  	[hbm4b:s14+s3] =	stream.linear.scatter [tilespmem:s24], [sflag:$0x4], $0xA000, $0x38;
	[tilespmem:$0x1BA00] =	vst v63  }
0x89: {  	_ =	swait.ge [sflag:s29], $0xA000  }
0x8a: {  	[sflag:s29] =	ssyncset.done $0x0  }
0x8b: {  	s5 =	simm.s32 $0x600;
	[sflag:s29] =	ssyncadd.s32 $0xFFFF6000  }
0x8c: {  	[tilespmem:s24], [sflag:$0x2] =	stream.indirect.gather [hbm4b:s4+s21], $0x50, s5, s21, $0xb8;
	[tilespmem:$0x1BA00] =	vst v63  }
0x8d: {  	_ =	swait.ge [sflag:s20], $0x2000  }
0x8e: {  	[sflag:s20] =	ssyncset.done $0x0  }
0x8f: {  	[sflag:s20] =	ssyncadd.s32 $0xFFFFE000  }
0x90: {  	_ =	swait.ge [sflag:s20], $0x2000  }
0x91: {  	[sflag:s20] =	ssyncset.done $0x0  }
0x92: {  	[sflag:s20] =	ssyncadd.s32 $0xFFFFE000  }
0x93: {  	_ =	swait.ge [sflag:s20], $0x2000  }
0x94: {  	[sflag:s20] =	ssyncset.done $0x0  }
0x95: {  	[sflag:s20] =	ssyncadd.s32 $0xFFFFE000  }
0x96: {  	_ =	swait.ge [sflag:s20], $0x2000  }
0x97: {  	[sflag:s20] =	ssyncset.done $0x0  }
0x98: {  	s7 =	simm.s32 $0x1A00;
	[sflag:s20] =	ssyncadd.s32 $0xFFFFE000  }
0x99: {  	[spmem:s2] =	stream.indirect.scatter.add.f32 [tilespmem:s26], [sflag:$0x5], $0x10, s7, s21, $0xb8;
	[tilespmem:$0x1BA00] =	vst v63  }
0x9a: {  	s12 =	simm.s32 $0x1C00  }
0x9b: {  	[spmem:s2] =	stream.indirect.scatter.add.f32 [tilespmem:s26], [sflag:$0x5], $0x10, s12, s21, $0xb8;
	[tilespmem:$0x1BA00] =	vst v63  }
0x9c: {  	s13 =	simm.s32 $0x1E00  }
0x9d: {  	[spmem:s2] =	stream.indirect.scatter.add.f32 [tilespmem:s26], [sflag:$0x5], $0x10, s13, s21, $0xb8;
	[tilespmem:$0x1BA00] =	vst v63  }
0x9e: {  	s5 =	simm.s32 $0x2000  }
0x9f: {  	[spmem:s2] =	stream.indirect.scatter.add.f32 [tilespmem:s26], [sflag:$0x5], $0x10, s5, s21, $0xb8;
	[tilespmem:$0x1BA00] =	vst v63  }
0xa0: {  	_ =	swait.ge [sflag:s31], $0xA000  }
0xa1: {  	[sflag:s31] =	ssyncset.done $0x0  }
0xa2: {  	[sflag:s31] =	ssyncadd.s32 $0xFFFF6000  }
0xa3: {  	[hbm4b:s15+s3] =	stream.linear.scatter [tilespmem:s22], [sflag:$0x3], $0xA000, $0x38;
	[tilespmem:$0x1BA00] =	vst v63  }
0xa4: {  	_ =	swait.ge [sflag:s1], $0xA000  }
0xa5: {  	[sflag:s1] =	ssyncset.done $0x0  }
0xa6: {  	s7 =	simm.s32 $0x800;
	[sflag:s1] =	ssyncadd.s32 $0xFFFF6000  }
0xa7: {  	[tilespmem:s22], [sflag:$0x1] =	stream.indirect.gather [hbm4b:s4+s21], $0x50, s7, s21, $0xb8;
	[tilespmem:$0x1BA00] =	vst v63  }
0xa8: {  	_ =	swait.ge [sflag:s20], $0x2000  }
0xa9: {  	[sflag:s20] =	ssyncset.done $0x0  }
0xaa: {  	[sflag:s20] =	ssyncadd.s32 $0xFFFFE000  }
0xab: {  	_ =	swait.ge [sflag:s20], $0x2000  }
0xac: {  	[sflag:s20] =	ssyncset.done $0x0  }
0xad: {  	[sflag:s20] =	ssyncadd.s32 $0xFFFFE000  }
0xae: {  	_ =	swait.ge [sflag:s20], $0x2000  }
0xaf: {  	[sflag:s20] =	ssyncset.done $0x0  }
0xb0: {  	[sflag:s20] =	ssyncadd.s32 $0xFFFFE000  }
0xb1: {  	_ =	swait.ge [sflag:s20], $0x2000  }
0xb2: {  	[sflag:s20] =	ssyncset.done $0x0  }
0xb3: {  	s12 =	simm.s32 $0x2200;
	[sflag:s20] =	ssyncadd.s32 $0xFFFFE000  }
0xb4: {  	[spmem:s2] =	stream.indirect.scatter.add.f32 [tilespmem:s26], [sflag:$0x5], $0x10, s12, s21, $0xb8;
	[tilespmem:$0x1BA00] =	vst v63  }
0xb5: {  	s13 =	simm.s32 $0x2400  }
0xb6: {  	[spmem:s2] =	stream.indirect.scatter.add.f32 [tilespmem:s26], [sflag:$0x5], $0x10, s13, s21, $0xb8;
	[tilespmem:$0x1BA00] =	vst v63  }
0xb7: {  	s5 =	simm.s32 $0x2600  }
0xb8: {  	[spmem:s2] =	stream.indirect.scatter.add.f32 [tilespmem:s26], [sflag:$0x5], $0x10, s5, s21, $0xb8;
	[tilespmem:$0x1BA00] =	vst v63  }
0xb9: {  	s7 =	simm.s32 $0x2800  }
0xba: {  	[spmem:s2] =	stream.indirect.scatter.add.f32 [tilespmem:s26], [sflag:$0x5], $0x10, s7, s21, $0xb8;
	[tilespmem:$0x1BA00] =	vst v63  }
0xbb: {  	_ =	swait.ge [sflag:s28], $0xA000  }
0xbc: {  	[sflag:s28] =	ssyncset.done $0x0  }
0xbd: {  	[sflag:s28] =	ssyncadd.s32 $0xFFFF6000  }
0xbe: {  	[hbm4b:s16+s3] =	stream.linear.scatter [tilespmem:s24], [sflag:$0x4], $0xA000, $0x38;
	[tilespmem:$0x1BA00] =	vst v63  }
0xbf: {  	_ =	swait.ge [sflag:s29], $0xA000  }
0xc0: {  	[sflag:s29] =	ssyncset.done $0x0  }
0xc1: {  	[sflag:s29] =	ssyncadd.s32 $0xFFFF6000  }
0xc2: {  	_ =	swait.ge [sflag:s20], $0x2000  }
0xc3: {  	[sflag:s20] =	ssyncset.done $0x0  }
0xc4: {  	[sflag:s20] =	ssyncadd.s32 $0xFFFFE000  }
0xc5: {  	_ =	swait.ge [sflag:s20], $0x2000  }
0xc6: {  	[sflag:s20] =	ssyncset.done $0x0  }
0xc7: {  	[sflag:s20] =	ssyncadd.s32 $0xFFFFE000  }
0xc8: {  	_ =	swait.ge [sflag:s20], $0x2000  }
0xc9: {  	[sflag:s20] =	ssyncset.done $0x0  }
0xca: {  	[sflag:s20] =	ssyncadd.s32 $0xFFFFE000  }
0xcb: {  	_ =	swait.ge [sflag:s20], $0x2000  }
0xcc: {  	[sflag:s20] =	ssyncset.done $0x0  }
0xcd: {  	s12 =	simm.s32 $0x2A00;
	[sflag:s20] =	ssyncadd.s32 $0xFFFFE000  }
0xce: {  	[spmem:s2] =	stream.indirect.scatter.add.f32 [tilespmem:s26], [sflag:$0x5], $0x10, s12, s21, $0xb8;
	[tilespmem:$0x1BA00] =	vst v63  }
0xcf: {  	s13 =	simm.s32 $0x2C00  }
0xd0: {  	[spmem:s2] =	stream.indirect.scatter.add.f32 [tilespmem:s26], [sflag:$0x5], $0x10, s13, s21, $0xb8;
	[tilespmem:$0x1BA00] =	vst v63  }
0xd1: {  	s5 =	simm.s32 $0x2E00  }
0xd2: {  	[spmem:s2] =	stream.indirect.scatter.add.f32 [tilespmem:s26], [sflag:$0x5], $0x10, s5, s21, $0xb8;
	[tilespmem:$0x1BA00] =	vst v63  }
0xd3: {  	s7 =	simm.s32 $0x3000  }
0xd4: {  	[spmem:s2] =	stream.indirect.scatter.add.f32 [tilespmem:s26], [sflag:$0x5], $0x10, s7, s21, $0xb8;
	[tilespmem:$0x1BA00] =	vst v63  }
0xd5: {  	_ =	swait.ge [sflag:s31], $0xA000  }
0xd6: {  	[sflag:s31] =	ssyncset.done $0x0  }
0xd7: {  	[sflag:s31] =	ssyncadd.s32 $0xFFFF6000  }
0xd8: {  	[hbm4b:s17+s3] =	stream.linear.scatter [tilespmem:s22], [sflag:$0x3], $0xA000, $0x38;
	[tilespmem:$0x1BA00] =	vst v63  }
0xd9: {  	_ =	swait.ge [sflag:s1], $0xA000  }
0xda: {  	[sflag:s1] =	ssyncset.done $0x0  }
0xdb: {  	[sflag:s1] =	ssyncadd.s32 $0xFFFF6000  }
0xdc: {  	_ =	swait.ge [sflag:s20], $0x2000  }
0xdd: {  	[sflag:s20] =	ssyncset.done $0x0  }
0xde: {  	[sflag:s20] =	ssyncadd.s32 $0xFFFFE000  }
0xdf: {  	_ =	swait.ge [sflag:s20], $0x2000  }
0xe0: {  	[sflag:s20] =	ssyncset.done $0x0  }
0xe1: {  	[sflag:s20] =	ssyncadd.s32 $0xFFFFE000  }
0xe2: {  	_ =	swait.ge [sflag:s20], $0x2000  }
0xe3: {  	[sflag:s20] =	ssyncset.done $0x0  }
0xe4: {  	[sflag:s20] =	ssyncadd.s32 $0xFFFFE000  }
0xe5: {  	_ =	swait.ge [sflag:s20], $0x2000  }
0xe6: {  	s12 =	stileid.u32;
	[sflag:s20] =	ssyncset.done $0x0  }
0xe7: {  	s0 =	sshll.u32 s12, $0x6;
	[sflag:s20] =	ssyncadd.s32 $0xFFFFE000  }
0xe8: {  	s0 =	sor.u32 $0x1C06, s0;
	[bflag:$0x0] =	sbarrier.arrive $0xFFFF  }
0xe9: {  	[hbm:s23], [sflag:s0] =	dma.local [spmem:s25], $0x4E2  }
0xea: {  	_ =	swait.ge [sflag:s18], $0x4E2  }
0xeb: {  	s30 =	sadd.s32 $0x1, s30;
	s13 =	rddreg [dreg:$0x5]  }
0xec: {  	p0 =	sne.s32 s30, s13  }
.Ltmp7:
0xed: {  	_ = 	snop;
	(pc) =	sbr.rel @p0 .LBB2_1-.Ltmp7, $3  }
0xee: {  	_ =	sdelay $0x1  }
0xef: {  	[sflag:s18] =	ssyncset.done $0x0  }
0xf0: {  	[sflag:s18] =	ssyncadd.s32 $0xFFFFFB1E  }
0xf1: {  	_ =	sfence.sel $0x180000  }
0xf2: {  	[bflag:$0x0] =	sbarrier.arrive $0xFFFF  }
0xf3: {  	_ =	strace $0x90000047  }
0xf4: {  	s0 =	stileid.u32;
	[bflag:$0x2] =	sbarrier.arrive $0xFFFF  }
0xf5: {  	p0 =	sne.s32 s0, $0x0;
	s0 =	rddreg [dreg:$0x2]  }
0xf6: {  	s0 =	sadd.s32 @!p0 $0x100000, s0  }
0xf7: {  	[sflag:s0] =	ssyncadd.tile.s32 @!p0 $0x1;
	_ =	shalt  }
.Lfunc_end2:
_tile_overlayer_lowered:
.L_overlay_start_2:
0xf8: {  	(tag) =	ssettag $0x2  }
0xf9: {  	s0 =	rddreg [dreg:$0x0];
	s2 =	stileid.u32  }
0xfa: {  	s1 =	rddreg [dreg:$0x1];
	p0 =	sne.s32 s2, $0x0  }
0xfb: {  	s3 =	rddreg [dreg:$0x2];
	[bflag:$0x3] =	sbarrier.arrive $0xFFFF;
	s2 =	simm.s32 @!p0 $0x1C06  }
0xfc: {  	[timem:s3], [sflag:s2] =	dma.local @!p0 [hbm:s0], s1  }
0xfd: {  	s0 =	simm.s32 @!p0 $0x6  }
0xfe: {  	_ =	swait.ge @!p0 [sflag:s0], s1  }
0xff: {  	s1 =	ssub.s32 @!p0 $0x0, s1;
	[sflag:s0] =	ssyncset.done @!p0 $0x0  }
0x100: {  	[sflag:s0] =	ssyncadd.s32 @!p0 s1  }
0x101: {  	[bflag:$0x3] =	sbarrier.arrive $0xFFFF  }
0x102: {  	_ =	shalt  }

// kernel: kernel.15.cloned.1.call-start
scs
__scs_entry_jumppad:
0x0: {  	(pc) =	sbr.rel $0x88, $3  }
0x1: {  	(tag) =	ssettag $0x0;
	lr =	simm.s32 $0x1  }
0x2: {  	[smem:$0x3F92] =	sst lr;
	_ =	strace $0xD0000000  }
0x3: {  	_ = 	snop  }
0x4: {  	_ = 	snop  }
0x5: {  	_ = 	snop  }
0x6: {  	_ = 	snop  }
0x7: {  	_ = 	snop  }
__scs_overlays_trampoline_lowered:
0x8: {  	[smem:$0x3FA1] =	sst s0  }
0x9: {  	[smem:$0x3FA2] =	sst s1  }
0xa: {  	[smem:$0x3FA3] =	sst s2  }
0xb: {  	[smem:$0x3FA4] =	sst s3  }
0xc: {  	[smem:$0x3FA5] =	sst s4  }
0xd: {  	[smem:$0x3FA6] =	sst s5  }
0xe: {  	[smem:$0x3FA7] =	sst s6  }
0xf: {  	[smem:$0x3FA8] =	sst s7  }
0x10: {  	[smem:$0x3FA9] =	sst s8  }
0x11: {  	[smem:$0x3FAA] =	sst s9;
	s0 =	simm.s32 @!p0 $0x0  }
0x12: {  	s1 =	sld [smem:$0x3F90];
	s0 =	simm.s32 @p0 $0x1  }
0x13: {  	[smem:$0x3FAB] =	sst s0;
	s0 =	simm.s32 @!p1 $0x0  }
0x14: {  	s2 =	sld [smem:$0x3F8F];
	s0 =	simm.s32 @p1 $0x1  }
0x15: {  	[smem:$0x3FAC] =	sst s0;
	s0 =	simm.s32 @!p2 $0x0  }
0x16: {  	s3 =	sld [smem:$0x3FDB];
	s0 =	simm.s32 @p2 $0x1  }
0x17: {  	s4 =	simm.s32 $0x1BF5;
	[smem:$0x3FAE] =	sst s0  }
0x18: {  	s0 =	sld [smem:$0x3F91];
	_ =	swait.ge [sflag:s4], $0x0  }
0x19: {  	s7 =	sld [smem:$0x3F92]  }
0x1a: {  	s8 =	sadd.s32 $0xFFFFE003, lr  }
0x1b: {  	s9 =	sadd.s32 $0xFFFFFEF7, lr;
	s5 =	simm.s32 $0xFFFFFFFF;
	p2 =	slt.u32 s8, $0xFFFFF086  }
0x1c: {  	p1 =	slt.u32 s9, $0xF7A;
	s5 =	simm.s32 @!p2 $0x0  }
0x1d: {  	s5 =	simm.s32 @p1 $0x1;
	p0 =	seq.s32 s7, s2  }
0x1e: {  	s7 =	smul.u32 @!p0 $0xF7A, s2;
	p2 =	seq.s32 @!p0 s5, $0x0  }
0x1f: {  	s9 =	smul.u32 $0xF7A, s1;
	s8 =	simm.s32 @!p0 $0x1BF5;
	p2 =	por !p2, p0  }
0x20: {  	[sflag:s8] =	ssyncset.s32 @!p0 $0xFFFFF086;
	s6 =	sadd.s32 @!p0 s3, s7;
	s7 =	simm.s32 @!p0 $0x108  }
0x21: {  	s3 =	sadd.s32 s3, s9;
	s6 =	sadd.s32 @!p0 $0x88, s6;
	s7 =	simm.s32 @p2 $0x1082  }
0x22: {  	[simem:s7], [sflag:s8] =	dma.local @!p0 [hbm:s6], $0xF7A  }
0x23: {  	s9 =	sor.u32 $0xD0000000, s2;
	s6 =	simm.s32 $0x108;
	_ =	swait.ge @!p0 [sflag:s8], $0x0  }
0x24: {  	s3 =	sadd.s32 $0x88, s3;
	s6 =	simm.s32 @!p1 $0x1082;
	[sflag:s4] =	ssyncset.s32 $0xFFFFF086  }
0x25: {  	[simem:s6], [sflag:s4] =	dma.local [hbm:s3], $0xF7A  }
0x26: {  	[smem:$0x3F92] =	sst s1;
	(tag) =	ssettag s2;
	_ =	strace s9  }
0x27: {  	s1 =	sld [smem:$0x3FA2]  }
0x28: {  	s2 =	sld [smem:$0x3FA3]  }
0x29: {  	s4 =	sld [smem:$0x3FA5]  }
0x2a: {  	p0 =	seq.s32 s5, $0x0;
	s5 =	sld [smem:$0x3FA6]  }
0x2b: {  	s6 =	sld [smem:$0x3FA7]  }
0x2c: {  	s7 =	sld [smem:$0x3FA8]  }
0x2d: {  	s3 =	simm.s32 $0x108;
	s8 =	sld [smem:$0x3FA9]  }
0x2e: {  	s3 =	simm.s32 @!p0 $0x1082;
	s9 =	sld [smem:$0x3FAA]  }
0x2f: {  	lr =	sadd.s32 s0, s3;
	s0 =	sld [smem:$0x3FA1]  }
0x30: {  	s3 =	sld [smem:$0x3FA4]  }
0x31: {  	[smem:$0x3FAD] =	sst s10  }
0x32: {  	s10 =	sld [smem:$0x3FAB];
	_ =	sdelay $0x3  }
0x33: {  	p0 =	seq.s32 s10, $0x1;
	s10 =	sld [smem:$0x3FAD];
	_ =	sdelay $0x3  }
0x34: {  	[smem:$0x3FAD] =	sst s10  }
0x35: {  	s10 =	sld [smem:$0x3FAC];
	_ =	sdelay $0x3  }
0x36: {  	p1 =	seq.s32 s10, $0x1;
	s10 =	sld [smem:$0x3FAD];
	_ =	sdelay $0x3  }
0x37: {  	[smem:$0x3FAD] =	sst s10  }
0x38: {  	s10 =	sld [smem:$0x3FAE]  }
0x39: {  	_ = 	snop;
	(pc) =	sbr.ind lr, $3  }
0x3a: {  	_ = 	snop  }
0x3b: {  	_ = 	snop  }
0x3c: {  	p2 =	seq.s32 s10, $0x1;
	s10 =	sld [smem:$0x3FAD]  }
0x3d: {  	_ =	shalt  }
0x3e: {  	_ =	shalt  }
0x3f: {  	_ =	shalt  }
0x40: {  	_ =	shalt  }
0x41: {  	_ =	shalt  }
0x42: {  	_ =	shalt  }
0x43: {  	_ =	shalt  }
0x44: {  	_ =	shalt  }
0x45: {  	_ =	shalt  }
0x46: {  	_ =	shalt  }
0x47: {  	_ =	shalt  }
0x48: {  	_ =	shalt  }
0x49: {  	_ =	shalt  }
0x4a: {  	_ =	shalt  }
0x4b: {  	_ =	shalt  }
0x4c: {  	_ =	shalt  }
0x4d: {  	_ =	shalt  }
0x4e: {  	_ =	shalt  }
0x4f: {  	_ =	shalt  }
0x50: {  	_ =	shalt  }
0x51: {  	_ =	shalt  }
0x52: {  	_ =	shalt  }
0x53: {  	_ =	shalt  }
0x54: {  	_ =	shalt  }
0x55: {  	_ =	shalt  }
0x56: {  	_ =	shalt  }
0x57: {  	_ =	shalt  }
0x58: {  	_ =	shalt  }
0x59: {  	_ =	shalt  }
0x5a: {  	_ =	shalt  }
0x5b: {  	_ =	shalt  }
0x5c: {  	_ =	shalt  }
0x5d: {  	_ =	shalt  }
0x5e: {  	_ =	shalt  }
0x5f: {  	_ =	shalt  }
0x60: {  	_ =	shalt  }
0x61: {  	_ =	shalt  }
0x62: {  	_ =	shalt  }
0x63: {  	_ =	shalt  }
0x64: {  	_ =	shalt  }
0x65: {  	_ =	shalt  }
0x66: {  	_ =	shalt  }
0x67: {  	_ =	shalt  }
0x68: {  	_ =	shalt  }
0x69: {  	_ =	shalt  }
0x6a: {  	_ =	shalt  }
0x6b: {  	_ =	shalt  }
0x6c: {  	_ =	shalt  }
0x6d: {  	_ =	shalt  }
0x6e: {  	_ =	shalt  }
0x6f: {  	_ =	shalt  }
0x70: {  	_ =	shalt  }
0x71: {  	_ =	shalt  }
0x72: {  	_ =	shalt  }
0x73: {  	_ =	shalt  }
0x74: {  	_ =	shalt  }
0x75: {  	_ =	shalt  }
0x76: {  	_ =	shalt  }
0x77: {  	_ =	shalt  }
0x78: {  	_ =	shalt  }
0x79: {  	_ =	shalt  }
0x7a: {  	_ =	shalt  }
0x7b: {  	_ =	shalt  }
0x7c: {  	_ =	shalt  }
0x7d: {  	_ =	shalt  }
0x7e: {  	_ =	shalt  }
0x7f: {  	_ =	shalt  }
0x80: {  	_ =	shalt  }
0x81: {  	_ =	shalt  }
0x82: {  	_ =	shalt  }
0x83: {  	_ =	shalt  }
0x84: {  	_ =	shalt  }
0x85: {  	_ =	shalt  }
0x86: {  	_ =	shalt  }
0x87: {  	_ =	shalt  }
.Lfunc_end0:
.L_simem_size_0:
called_computation.1_lowered:
.L_overlay_start_0:
0x88: {  	s2 =	sld [smem:$0x3FD9]  }
0x89: {  	s3 =	sld [smem:$0x3FFE];
	_ =	sdelay $0x1  }
0x8a: {  	s1 =	srdreg.scid  }
0x8b: {  	s0 =	sand.u32 $0x1, s1  }
0x8c: {  	s16 =	sshll.u32 s0, $0xA;
	s2 =	sadd.s32 s3, s2  }
0x8d: {  	s2 =	sadd.s32 s2, s16  }
0x8e: {  	[smem:$0x3FB9] =	sst s2  }
0x8f: {  	_ = 	snop  }
0x90: {  	(tm) =	ssettm $0x1  }
0x91: {  	s17 =	sld [smem:$0x3FFB];
	_ =	sdelay $0x3  }
0x92: {  	_ =	strace s17  }
0x93: {  	s2 =	sld [smem:$0x3FFC];
	_ =	sdelay $0x3  }
0x94: {  	_ =	strace s2  }
0x95: {  	s2 =	sld [smem:$0x3FFD];
	_ =	sdelay $0x3  }
0x96: {  	_ =	strace s2  }
0x97: {  	_ =	strace $0x8FFFFFFF  }
0x98: {  	s18 =	sld [smem:$0x3FDB];
	_ =	sdelay $0x1  }
0x99: {  	s19 =	simm.s32 $_scs_section_size  }
0x9a: {  	s4 =	simm.s32 $_size__tile_overlayer_lowered;
	s5 =	simm.s32 $_tile_overlayer_lowered  }
0x9b: {  	s22 =	simm.s32 $0x1BFF;
	s21 =	sshll.u32 s5, $0x1;
	s2 =	sadd.s32 s19, s18  }
0x9c: {  	s6 =	simm.s32 $0x0;
	s20 =	sshll.u32 s4, $0x1;
	s4 =	sadd.s32 s21, s2  }
0x9d: {  	[timem:s6], [sflag:s22] =	dma.local [hbm:s4], s20  }
0x9e: {  	_ =	swait.ge [sflag:s22], s20  }
0x9f: {  	s3 =	ssub.s32 $0x0, s20;
	[sflag:s22] =	ssyncset.done $0x0  }
0xa0: {  	[sflag:s22] =	ssyncadd.s32 s3;
	_ =	sdelay $0x1  }
0xa1: {  	s23 =	simm.s32 $0x1B8B  }
0xa2: {  	_ =	swait.ge [sflag:s23], $0x1  }
0xa3: {  	[sflag:s23] =	ssyncset.done $0x0  }
0xa4: {  	s25 =	simm.s32 $0x1B8E;
	s24 =	sld [smem:$0x3FFE];
	[sflag:s23] =	ssyncadd.s32 $0xFFFFFFFF  }
0xa5: {  	s26 =	simm.s32 $execute0_lowered;
	[smem:$0x3FD2] =	sst s25  }
0xa6: {  	s4 =	sshll.u32 s26, $0x1;
	_ =	strace $0x80000049;
	[dreg:$0x1] =	wrdreg $0xFFFFFFFF  }
0xa7: {  	s28 =	simm.s32 $_size_execute0_lowered;
	s2 =	sadd.s32 s2, s4;
	[dreg:$0x0] =	wrdreg $0x0  }
0xa8: {  	s4 =	sshll.u32 s28, $0x1;
	[dreg:$0x2] =	wrdreg s2  }
0xa9: {  	[dreg:$0x3] =	wrdreg s4  }
0xaa: {  	[dreg:$0x4] =	wrdreg $0xC0  }
0xab: {  	_ =	task [dreg:s6], $0x5FFFF  }
0xac: {  	[dreg:$0x1] =	wrdreg $0xFFFFFFFF  }
0xad: {  	[dreg:$0x0] =	wrdreg $0x60  }
0xae: {  	[dreg:$0x2] =	wrdreg s24  }
0xaf: {  	[dreg:$0x3] =	wrdreg $0x150000  }
0xb0: {  	[dreg:$0x4] =	wrdreg $0x9  }
0xb1: {  	_ =	task.clear_ibuf [dreg:s6], $0x5FFFF;
	_ =	strace $0x90000049  }
0xb2: {  	s29 =	simm.s32 $0x9;
	_ =	strace $0x8000004B  }
0xb3: {  	_ =	swait.ge [sflag:s29], $0x1  }
0xb4: {  	[sflag:s29] =	ssyncadd.s32 $0xFFFFFFFF  }
0xb5: {  	_ =	strace $0x9000004B  }
0xb6: {  	_ =	sfence  }
0xb7: {  	s30 =	sld [smem:$0x0];
	_ =	sdelay $0x2  }
0xb8: {  	s31 =	sshll.u32 s1, $0xD;
	s1 =	sshrl.u32 s1, $0x2  }
0xb9: {  	s3 =	sand.u32 $0x4000, s31;
	s1 =	sadd.s32 s1, s30  }
0xba: {  	s0 =	sor.u32 s3, s0;
	s1 =	sshll.u32 s1, $0x11  }
0xbb: {  	s0 =	sor.u32 s1, s0  }
0xbc: {  	s0 =	sadd.s32 $0x8F2B, s0  }
0xbd: {  	[sflag:s0] =	ssyncadd.remote.s32 $0x1  }
0xbe: {  	_ =	sfence.sel $0xFFFF  }
0xbf: {  	[dreg:$0x0] =	wrdreg $0xFFFFFFFF;
	(pc) =	sbr.abs _section_cstart, $3  }
0xc0: {  	[dreg:$0x1] =	wrdreg $0xFFFFFFFF  }
0xc1: {  	_ =	task.clear_ibuf [dreg:s6], $0x2FFFF;
	_ =	strace $0x9FFFFFFF  }
0xc2: {  	(tm) =	ssettm $0x7FFFFFFF  }
0xc3: {  	_ =	shalt  }
tec
execute0_lowered:
.L_overlay_start_1:
0x0: {  	(tag) =	ssettag $0x1  }
0x1: {  	s0 =	srdreg.scid;
	s1 =	rddreg [dreg:$0x0]  }
0x2: {  	s2 =	rddreg [dreg:$0x1];
	s9 =	stileid.u32  }
0x3: {  	s3 =	simm.s32 $0x0;
	s13 =	simm.s32 $0x5;
	s14 =	simm.s32 $0x2800  }
0x4: {  	s15 =	simm.s32 $0x5000;
	s16 =	simm.s32 $0x1;
	s17 =	simm.s32 $0x200  }
0x5: {  	s18 =	simm.s32 $0xD000;
	s19 =	simm.s32 $0x3;
	s21 =	simm.s32 $0x2  }
0x6: {  	s24 =	simm.s32 $0x4;
	s30 =	simm.s32 $0x2400;
	s31 =	simm.s32 $0x4A00  }
0x7: {  	s0 =	sand.u32 $0x1, s0;
	[smem:$0x7FF] =	sst s3;
	s7 =	smul.u32 $0x28000, s9  }
0x8: {  	s12 =	smul.u32 $0x9C40, s9;
	s4 =	sshll.u32 s0, $0x4;
	_ =	strace $0x8000004A  }
0x9: {  	s6 =	smul.u32 $0x13880, s0;
	s0 =	ssub.s32 $0x2, s0;
	s4 =	sor.u32 s9, s4  }
0xa: {  	s29 =	sshrl.u32 s0, $0x1;
	s7 =	sshrl.u32 s7, $0x2;
	s20 =	sshrl.u32 s12, $0x3  }
0xb: {  	s22 =	sadd.s32 s12, s2;
	s5 =	smul.u32 $0x500, s4;
	s4 =	sadd.s32 $0xC4C00, s1  }
0xc: {  	s0 =	ssub.s32 s0, s29;
	s7 =	sadd.s32 s7, s2;
	s25 =	sshrl.u32 s22, $0x3  }
0xd: {  	s22 =	simm.s32 $0x0;
	s9 =	sadd.s32 $0x4000, s7;
	s10 =	sadd.s32 $0x6000, s7  }
0xe: {  	s11 =	sadd.s32 $0x8000, s7;
	s12 =	smax.u32 s0, $0x1;
	s8 =	sadd.s32 s5, s1  }
0xf: {  	s0 =	simm.s32 $0x2600;
	s1 =	sadd.s32 s6, s1;
	s5 =	sadd.s32 $0xFA600, s8  }
0x10: {  	s6 =	sadd.s32 $0x1E800, s8;
	s8 =	sadd.s32 $0x2000, s7;
	s1 =	sadd.s32 $0x104600, s1  }
0x11: {  	v0 =	vimm.f32 $0.0e+00;
	s23 =	sadd.s32 s20, s1;
	s1 =	simm.s32 $0x4C00;
	s20 =	simm.s32 $0x4E00  }
.LBB2_1:
0x12: {  	[tilespmem:s3], [sflag:$0x5] =	stream.linear.gather [hbm4b:s5+s3], $0x2800, $0x38;
	[tilespmem:$0x1F000] =	vst v63  }
0x13: {  	_ =	swait.ge [sflag:s13], $0x2800  }
0x14: {  	[sflag:s13] =	ssyncset.done $0x0  }
0x15: {  	[sflag:s13] =	ssyncadd.s32 $0xFFFFD800  }
0x16: {  	[tilespmem:s14], [sflag:$0x5] =	stream.linear.gather [hbm4b:s6+s3], $0x2800, $0x38;
	[tilespmem:$0x1F000] =	vst v63  }
0x17: {  	_ =	swait.ge [sflag:s13], $0x2800  }
0x18: {  	[sflag:s13] =	ssyncset.done $0x0  }
0x19: {  	s28 =	simm.s32 $0x100;
	s26 =	simm.s32 $0x0;
	[sflag:s13] =	ssyncadd.s32 $0xFFFFD800  }
.LBB2_2:
0x1a: {  	p0 =	sne.s32 s28, $0x7F00;
	[tilespmem:s26+$0x5030] =	vst v0;
	s29 =	smov.u32 s28;
	s28 =	sadd.s32 $0x100, s28  }
.Ltmp0:
0x1b: {  	[tilespmem:s26+$0x5020] =	vst v0;
	(pc) =	sbr.rel @p0 .LBB2_2-.Ltmp0, $3  }
0x1c: {  	[tilespmem:s26+$0x5000] =	vst v0  }
0x1d: {  	[tilespmem:s26+$0x5010] =	vst v0;
	_ =	sdelay $0x1  }
0x1e: {  	s26 =	sshra.s32 s29, $0x2  }
0x1f: {  	[tilespmem:s26+$0x5030] =	vst v0  }
0x20: {  	[tilespmem:s26+$0x5020] =	vst v0  }
0x21: {  	[tilespmem:s26+$0x5000] =	vst v0  }
0x22: {  	[tilespmem:s26+$0x5010] =	vst v0  }
0x23: {  	[spmem:s7] =	stream.linear.scatter [tilespmem:s15], [sflag:$0x1], $0x2000, $0x38;
	[tilespmem:$0x1F000] =	vst v63  }
0x24: {  	_ = 	snop  }
0x25: {  	[spmem:s8] =	stream.linear.scatter [tilespmem:s15], [sflag:$0x1], $0x2000, $0x38;
	[tilespmem:$0x1F000] =	vst v63  }
0x26: {  	_ = 	snop  }
0x27: {  	[spmem:s9] =	stream.linear.scatter [tilespmem:s15], [sflag:$0x1], $0x2000, $0x38;
	[tilespmem:$0x1F000] =	vst v63  }
0x28: {  	_ = 	snop  }
0x29: {  	[spmem:s10] =	stream.linear.scatter [tilespmem:s15], [sflag:$0x1], $0x2000, $0x38;
	[tilespmem:$0x1F000] =	vst v63  }
0x2a: {  	_ = 	snop  }
0x2b: {  	[spmem:s11] =	stream.linear.scatter [tilespmem:s15], [sflag:$0x1], $0x2000, $0x38;
	[tilespmem:$0x1F000] =	vst v63  }
0x2c: {  	_ =	swait.ge [sflag:s16], $0x2000  }
0x2d: {  	[sflag:s16] =	ssyncset.done $0x0  }
0x2e: {  	[sflag:s16] =	ssyncadd.s32 $0xFFFFE000  }
0x2f: {  	_ =	swait.ge [sflag:s16], $0x2000  }
0x30: {  	[sflag:s16] =	ssyncset.done $0x0  }
0x31: {  	[sflag:s16] =	ssyncadd.s32 $0xFFFFE000  }
0x32: {  	_ =	swait.ge [sflag:s16], $0x2000  }
0x33: {  	[sflag:s16] =	ssyncset.done $0x0  }
0x34: {  	[sflag:s16] =	ssyncadd.s32 $0xFFFFE000  }
0x35: {  	_ =	swait.ge [sflag:s16], $0x2000  }
0x36: {  	[sflag:s16] =	ssyncset.done $0x0  }
0x37: {  	[sflag:s16] =	ssyncadd.s32 $0xFFFFE000  }
0x38: {  	_ =	swait.ge [sflag:s16], $0x2000  }
0x39: {  	[sflag:s16] =	ssyncset.done $0x0  }
0x3a: {  	[sflag:s16] =	ssyncadd.s32 $0xFFFFE000  }
0x3b: {  	[bflag:$0x0] =	sbarrier.arrive $0xFFFF  }
0x3c: {  	[tilespmem:s15], [sflag:$0x1] =	stream.indirect.gather [hbm4b:s4+s17], $0x40, s3, s17, $0xb8;
	[tilespmem:$0x1F000] =	vst v63  }
0x3d: {  	_ = 	snop  }
0x3e: {  	[tilespmem:s18], [sflag:$0x2] =	stream.indirect.gather [hbm4b:s4+s17], $0x40, s17, s17, $0xb8;
	[tilespmem:$0x1F000] =	vst v63  }
0x3f: {  	_ =	swait.ge [sflag:s16], $0x8000  }
0x40: {  	[sflag:s16] =	ssyncset.done $0x0  }
0x41: {  	[sflag:s16] =	ssyncadd.s32 $0xFFFF8000  }
0x42: {  	[spmem:s2] =	stream.indirect.scatter.add.f32 [tilespmem:s15], [sflag:$0x3], $0x40, s14, s17, $0xb8;
	[tilespmem:$0x1F000] =	vst v63  }
0x43: {  	_ =	swait.ge [sflag:s19], $0x8000  }
0x44: {  	[sflag:s19] =	ssyncset.done $0x0  }
0x45: {  	s29 =	simm.s32 $0x400;
	[sflag:s19] =	ssyncadd.s32 $0xFFFF8000  }
0x46: {  	[tilespmem:s15], [sflag:$0x1] =	stream.indirect.gather [hbm4b:s4+s17], $0x40, s29, s17, $0xb8;
	[tilespmem:$0x1F000] =	vst v63  }
0x47: {  	_ =	swait.ge [sflag:s21], $0x8000  }
0x48: {  	[sflag:s21] =	ssyncset.done $0x0  }
0x49: {  	s28 =	simm.s32 $0x2A00;
	[sflag:s21] =	ssyncadd.s32 $0xFFFF8000  }
0x4a: {  	[spmem:s2] =	stream.indirect.scatter.add.f32 [tilespmem:s18], [sflag:$0x4], $0x40, s28, s17, $0xb8;
	[tilespmem:$0x1F000] =	vst v63  }
0x4b: {  	_ =	swait.ge [sflag:s24], $0x8000  }
0x4c: {  	[sflag:s24] =	ssyncset.done $0x0  }
0x4d: {  	s29 =	simm.s32 $0x600;
	[sflag:s24] =	ssyncadd.s32 $0xFFFF8000  }
0x4e: {  	[tilespmem:s18], [sflag:$0x2] =	stream.indirect.gather [hbm4b:s4+s17], $0x40, s29, s17, $0xb8;
	[tilespmem:$0x1F000] =	vst v63  }
0x4f: {  	_ =	swait.ge [sflag:s16], $0x8000  }
0x50: {  	[sflag:s16] =	ssyncset.done $0x0  }
0x51: {  	s28 =	simm.s32 $0x2C00;
	[sflag:s16] =	ssyncadd.s32 $0xFFFF8000  }
0x52: {  	[spmem:s2] =	stream.indirect.scatter.add.f32 [tilespmem:s15], [sflag:$0x3], $0x40, s28, s17, $0xb8;
	[tilespmem:$0x1F000] =	vst v63  }
0x53: {  	_ =	swait.ge [sflag:s19], $0x8000  }
0x54: {  	[sflag:s19] =	ssyncset.done $0x0  }
0x55: {  	s29 =	simm.s32 $0x800;
	[sflag:s19] =	ssyncadd.s32 $0xFFFF8000  }
0x56: {  	[tilespmem:s15], [sflag:$0x1] =	stream.indirect.gather [hbm4b:s4+s17], $0x40, s29, s17, $0xb8;
	[tilespmem:$0x1F000] =	vst v63  }
0x57: {  	_ =	swait.ge [sflag:s21], $0x8000  }
0x58: {  	[sflag:s21] =	ssyncset.done $0x0  }
0x59: {  	s28 =	simm.s32 $0x2E00;
	[sflag:s21] =	ssyncadd.s32 $0xFFFF8000  }
0x5a: {  	[spmem:s2] =	stream.indirect.scatter.add.f32 [tilespmem:s18], [sflag:$0x4], $0x40, s28, s17, $0xb8;
	[tilespmem:$0x1F000] =	vst v63  }
0x5b: {  	_ =	swait.ge [sflag:s24], $0x8000  }
0x5c: {  	[sflag:s24] =	ssyncset.done $0x0  }
0x5d: {  	s29 =	simm.s32 $0xA00;
	[sflag:s24] =	ssyncadd.s32 $0xFFFF8000  }
0x5e: {  	[tilespmem:s18], [sflag:$0x2] =	stream.indirect.gather [hbm4b:s4+s17], $0x40, s29, s17, $0xb8;
	[tilespmem:$0x1F000] =	vst v63  }
0x5f: {  	_ =	swait.ge [sflag:s16], $0x8000  }
0x60: {  	[sflag:s16] =	ssyncset.done $0x0  }
0x61: {  	s28 =	simm.s32 $0x3000;
	[sflag:s16] =	ssyncadd.s32 $0xFFFF8000  }
0x62: {  	[spmem:s2] =	stream.indirect.scatter.add.f32 [tilespmem:s15], [sflag:$0x3], $0x40, s28, s17, $0xb8;
	[tilespmem:$0x1F000] =	vst v63  }
0x63: {  	_ =	swait.ge [sflag:s19], $0x8000  }
0x64: {  	[sflag:s19] =	ssyncset.done $0x0  }
0x65: {  	s29 =	simm.s32 $0xC00;
	[sflag:s19] =	ssyncadd.s32 $0xFFFF8000  }
0x66: {  	[tilespmem:s15], [sflag:$0x1] =	stream.indirect.gather [hbm4b:s4+s17], $0x40, s29, s17, $0xb8;
	[tilespmem:$0x1F000] =	vst v63  }
0x67: {  	_ =	swait.ge [sflag:s21], $0x8000  }
0x68: {  	[sflag:s21] =	ssyncset.done $0x0  }
0x69: {  	s28 =	simm.s32 $0x3200;
	[sflag:s21] =	ssyncadd.s32 $0xFFFF8000  }
0x6a: {  	[spmem:s2] =	stream.indirect.scatter.add.f32 [tilespmem:s18], [sflag:$0x4], $0x40, s28, s17, $0xb8;
	[tilespmem:$0x1F000] =	vst v63  }
0x6b: {  	_ =	swait.ge [sflag:s24], $0x8000  }
0x6c: {  	[sflag:s24] =	ssyncset.done $0x0  }
0x6d: {  	s29 =	simm.s32 $0xE00;
	[sflag:s24] =	ssyncadd.s32 $0xFFFF8000  }
0x6e: {  	[tilespmem:s18], [sflag:$0x2] =	stream.indirect.gather [hbm4b:s4+s17], $0x40, s29, s17, $0xb8;
	[tilespmem:$0x1F000] =	vst v63  }
0x6f: {  	_ =	swait.ge [sflag:s16], $0x8000  }
0x70: {  	[sflag:s16] =	ssyncset.done $0x0  }
0x71: {  	s28 =	simm.s32 $0x3400;
	[sflag:s16] =	ssyncadd.s32 $0xFFFF8000  }
0x72: {  	[spmem:s2] =	stream.indirect.scatter.add.f32 [tilespmem:s15], [sflag:$0x3], $0x40, s28, s17, $0xb8;
	[tilespmem:$0x1F000] =	vst v63  }
0x73: {  	_ =	swait.ge [sflag:s19], $0x8000  }
0x74: {  	[sflag:s19] =	ssyncset.done $0x0  }
0x75: {  	s29 =	simm.s32 $0x1000;
	[sflag:s19] =	ssyncadd.s32 $0xFFFF8000  }
0x76: {  	[tilespmem:s15], [sflag:$0x1] =	stream.indirect.gather [hbm4b:s4+s17], $0x40, s29, s17, $0xb8;
	[tilespmem:$0x1F000] =	vst v63  }
0x77: {  	_ =	swait.ge [sflag:s21], $0x8000  }
0x78: {  	[sflag:s21] =	ssyncset.done $0x0  }
0x79: {  	s28 =	simm.s32 $0x3600;
	[sflag:s21] =	ssyncadd.s32 $0xFFFF8000  }
0x7a: {  	[spmem:s2] =	stream.indirect.scatter.add.f32 [tilespmem:s18], [sflag:$0x4], $0x40, s28, s17, $0xb8;
	[tilespmem:$0x1F000] =	vst v63  }
0x7b: {  	_ =	swait.ge [sflag:s24], $0x8000  }
0x7c: {  	[sflag:s24] =	ssyncset.done $0x0  }
0x7d: {  	s29 =	simm.s32 $0x1200;
	[sflag:s24] =	ssyncadd.s32 $0xFFFF8000  }
0x7e: {  	[tilespmem:s18], [sflag:$0x2] =	stream.indirect.gather [hbm4b:s4+s17], $0x40, s29, s17, $0xb8;
	[tilespmem:$0x1F000] =	vst v63  }
0x7f: {  	_ =	swait.ge [sflag:s16], $0x8000  }
0x80: {  	[sflag:s16] =	ssyncset.done $0x0  }
0x81: {  	s28 =	simm.s32 $0x3800;
	[sflag:s16] =	ssyncadd.s32 $0xFFFF8000  }
0x82: {  	[spmem:s2] =	stream.indirect.scatter.add.f32 [tilespmem:s15], [sflag:$0x3], $0x40, s28, s17, $0xb8;
	[tilespmem:$0x1F000] =	vst v63  }
0x83: {  	_ =	swait.ge [sflag:s19], $0x8000  }
0x84: {  	[sflag:s19] =	ssyncset.done $0x0  }
0x85: {  	s29 =	simm.s32 $0x1400;
	[sflag:s19] =	ssyncadd.s32 $0xFFFF8000  }
0x86: {  	[tilespmem:s15], [sflag:$0x1] =	stream.indirect.gather [hbm4b:s4+s17], $0x40, s29, s17, $0xb8;
	[tilespmem:$0x1F000] =	vst v63  }
0x87: {  	_ =	swait.ge [sflag:s21], $0x8000  }
0x88: {  	[sflag:s21] =	ssyncset.done $0x0  }
0x89: {  	s28 =	simm.s32 $0x3A00;
	[sflag:s21] =	ssyncadd.s32 $0xFFFF8000  }
0x8a: {  	[spmem:s2] =	stream.indirect.scatter.add.f32 [tilespmem:s18], [sflag:$0x4], $0x40, s28, s17, $0xb8;
	[tilespmem:$0x1F000] =	vst v63  }
0x8b: {  	_ =	swait.ge [sflag:s24], $0x8000  }
0x8c: {  	[sflag:s24] =	ssyncset.done $0x0  }
0x8d: {  	s29 =	simm.s32 $0x1600;
	[sflag:s24] =	ssyncadd.s32 $0xFFFF8000  }
0x8e: {  	[tilespmem:s18], [sflag:$0x2] =	stream.indirect.gather [hbm4b:s4+s17], $0x40, s29, s17, $0xb8;
	[tilespmem:$0x1F000] =	vst v63  }
0x8f: {  	_ =	swait.ge [sflag:s16], $0x8000  }
0x90: {  	[sflag:s16] =	ssyncset.done $0x0  }
0x91: {  	s28 =	simm.s32 $0x3C00;
	[sflag:s16] =	ssyncadd.s32 $0xFFFF8000  }
0x92: {  	[spmem:s2] =	stream.indirect.scatter.add.f32 [tilespmem:s15], [sflag:$0x3], $0x40, s28, s17, $0xb8;
	[tilespmem:$0x1F000] =	vst v63  }
0x93: {  	_ =	swait.ge [sflag:s19], $0x8000  }
0x94: {  	[sflag:s19] =	ssyncset.done $0x0  }
0x95: {  	s29 =	simm.s32 $0x1800;
	[sflag:s19] =	ssyncadd.s32 $0xFFFF8000  }
0x96: {  	[tilespmem:s15], [sflag:$0x1] =	stream.indirect.gather [hbm4b:s4+s17], $0x40, s29, s17, $0xb8;
	[tilespmem:$0x1F000] =	vst v63  }
0x97: {  	_ =	swait.ge [sflag:s21], $0x8000  }
0x98: {  	[sflag:s21] =	ssyncset.done $0x0  }
0x99: {  	s28 =	simm.s32 $0x3E00;
	[sflag:s21] =	ssyncadd.s32 $0xFFFF8000  }
0x9a: {  	[spmem:s2] =	stream.indirect.scatter.add.f32 [tilespmem:s18], [sflag:$0x4], $0x40, s28, s17, $0xb8;
	[tilespmem:$0x1F000] =	vst v63  }
0x9b: {  	_ =	swait.ge [sflag:s24], $0x8000  }
0x9c: {  	[sflag:s24] =	ssyncset.done $0x0  }
0x9d: {  	s29 =	simm.s32 $0x1A00;
	[sflag:s24] =	ssyncadd.s32 $0xFFFF8000  }
0x9e: {  	[tilespmem:s18], [sflag:$0x2] =	stream.indirect.gather [hbm4b:s4+s17], $0x40, s29, s17, $0xb8;
	[tilespmem:$0x1F000] =	vst v63  }
0x9f: {  	_ =	swait.ge [sflag:s16], $0x8000  }
0xa0: {  	[sflag:s16] =	ssyncset.done $0x0  }
0xa1: {  	s28 =	simm.s32 $0x4000;
	[sflag:s16] =	ssyncadd.s32 $0xFFFF8000  }
0xa2: {  	[spmem:s2] =	stream.indirect.scatter.add.f32 [tilespmem:s15], [sflag:$0x3], $0x40, s28, s17, $0xb8;
	[tilespmem:$0x1F000] =	vst v63  }
0xa3: {  	_ =	swait.ge [sflag:s19], $0x8000  }
0xa4: {  	[sflag:s19] =	ssyncset.done $0x0  }
0xa5: {  	s29 =	simm.s32 $0x1C00;
	[sflag:s19] =	ssyncadd.s32 $0xFFFF8000  }
0xa6: {  	[tilespmem:s15], [sflag:$0x1] =	stream.indirect.gather [hbm4b:s4+s17], $0x40, s29, s17, $0xb8;
	[tilespmem:$0x1F000] =	vst v63  }
0xa7: {  	_ =	swait.ge [sflag:s21], $0x8000  }
0xa8: {  	[sflag:s21] =	ssyncset.done $0x0  }
0xa9: {  	s28 =	simm.s32 $0x4200;
	[sflag:s21] =	ssyncadd.s32 $0xFFFF8000  }
0xaa: {  	[spmem:s2] =	stream.indirect.scatter.add.f32 [tilespmem:s18], [sflag:$0x4], $0x40, s28, s17, $0xb8;
	[tilespmem:$0x1F000] =	vst v63  }
0xab: {  	_ =	swait.ge [sflag:s24], $0x8000  }
0xac: {  	[sflag:s24] =	ssyncset.done $0x0  }
0xad: {  	s29 =	simm.s32 $0x1E00;
	[sflag:s24] =	ssyncadd.s32 $0xFFFF8000  }
0xae: {  	[tilespmem:s18], [sflag:$0x2] =	stream.indirect.gather [hbm4b:s4+s17], $0x40, s29, s17, $0xb8;
	[tilespmem:$0x1F000] =	vst v63  }
0xaf: {  	_ =	swait.ge [sflag:s16], $0x8000  }
0xb0: {  	[sflag:s16] =	ssyncset.done $0x0  }
0xb1: {  	s28 =	simm.s32 $0x4400;
	[sflag:s16] =	ssyncadd.s32 $0xFFFF8000  }
0xb2: {  	[spmem:s2] =	stream.indirect.scatter.add.f32 [tilespmem:s15], [sflag:$0x3], $0x40, s28, s17, $0xb8;
	[tilespmem:$0x1F000] =	vst v63  }
0xb3: {  	_ =	swait.ge [sflag:s19], $0x8000  }
0xb4: {  	[sflag:s19] =	ssyncset.done $0x0  }
0xb5: {  	s29 =	simm.s32 $0x2000;
	[sflag:s19] =	ssyncadd.s32 $0xFFFF8000  }
0xb6: {  	[tilespmem:s15], [sflag:$0x1] =	stream.indirect.gather [hbm4b:s4+s17], $0x40, s29, s17, $0xb8;
	[tilespmem:$0x1F000] =	vst v63  }
0xb7: {  	_ =	swait.ge [sflag:s21], $0x8000  }
0xb8: {  	[sflag:s21] =	ssyncset.done $0x0  }
0xb9: {  	s28 =	simm.s32 $0x4600;
	[sflag:s21] =	ssyncadd.s32 $0xFFFF8000  }
0xba: {  	[spmem:s2] =	stream.indirect.scatter.add.f32 [tilespmem:s18], [sflag:$0x4], $0x40, s28, s17, $0xb8;
	[tilespmem:$0x1F000] =	vst v63  }
0xbb: {  	_ =	swait.ge [sflag:s24], $0x8000  }
0xbc: {  	[sflag:s24] =	ssyncset.done $0x0  }
0xbd: {  	s29 =	simm.s32 $0x2200;
	[sflag:s24] =	ssyncadd.s32 $0xFFFF8000  }
0xbe: {  	[tilespmem:s18], [sflag:$0x2] =	stream.indirect.gather [hbm4b:s4+s17], $0x40, s29, s17, $0xb8;
	[tilespmem:$0x1F000] =	vst v63  }
0xbf: {  	_ =	swait.ge [sflag:s16], $0x8000  }
0xc0: {  	[sflag:s16] =	ssyncset.done $0x0  }
0xc1: {  	s28 =	simm.s32 $0x4800;
	[sflag:s16] =	ssyncadd.s32 $0xFFFF8000  }
0xc2: {  	[spmem:s2] =	stream.indirect.scatter.add.f32 [tilespmem:s15], [sflag:$0x3], $0x40, s28, s17, $0xb8;
	[tilespmem:$0x1F000] =	vst v63  }
0xc3: {  	_ =	swait.ge [sflag:s19], $0x8000  }
0xc4: {  	[sflag:s19] =	ssyncset.done $0x0  }
0xc5: {  	[sflag:s19] =	ssyncadd.s32 $0xFFFF8000  }
0xc6: {  	[tilespmem:s15], [sflag:$0x1] =	stream.indirect.gather [hbm4b:s4+s17], $0x40, s30, s17, $0xb8;
	[tilespmem:$0x1F000] =	vst v63  }
0xc7: {  	_ =	swait.ge [sflag:s21], $0x8000  }
0xc8: {  	[sflag:s21] =	ssyncset.done $0x0  }
0xc9: {  	[sflag:s21] =	ssyncadd.s32 $0xFFFF8000  }
0xca: {  	[spmem:s2] =	stream.indirect.scatter.add.f32 [tilespmem:s18], [sflag:$0x4], $0x40, s31, s17, $0xb8;
	[tilespmem:$0x1F000] =	vst v63  }
0xcb: {  	_ =	swait.ge [sflag:s24], $0x8000  }
0xcc: {  	[sflag:s24] =	ssyncset.done $0x0  }
0xcd: {  	[sflag:s24] =	ssyncadd.s32 $0xFFFF8000  }
0xce: {  	[tilespmem:s18], [sflag:$0x2] =	stream.indirect.gather [hbm4b:s4+s17], $0x40, s0, s17, $0xb8;
	[tilespmem:$0x1F000] =	vst v63  }
0xcf: {  	_ =	swait.ge [sflag:s16], $0x8000  }
0xd0: {  	[sflag:s16] =	ssyncset.done $0x0  }
0xd1: {  	[sflag:s16] =	ssyncadd.s32 $0xFFFF8000  }
0xd2: {  	[spmem:s2] =	stream.indirect.scatter.add.f32 [tilespmem:s15], [sflag:$0x3], $0x40, s1, s17, $0xb8;
	[tilespmem:$0x1F000] =	vst v63  }
0xd3: {  	_ =	swait.ge [sflag:s19], $0x8000  }
0xd4: {  	[sflag:s19] =	ssyncset.done $0x0  }
0xd5: {  	[sflag:s19] =	ssyncadd.s32 $0xFFFF8000  }
0xd6: {  	_ =	swait.ge [sflag:s21], $0x8000  }
0xd7: {  	[sflag:s21] =	ssyncset.done $0x0  }
0xd8: {  	[sflag:s21] =	ssyncadd.s32 $0xFFFF8000  }
0xd9: {  	[spmem:s2] =	stream.indirect.scatter.add.f32 [tilespmem:s18], [sflag:$0x4], $0x40, s20, s17, $0xb8;
	[tilespmem:$0x1F000] =	vst v63  }
0xda: {  	_ =	swait.ge [sflag:s24], $0x8000  }
0xdb: {  	s22 =	sadd.s32 $0x1, s22;
	s29 =	stileid.u32;
	[sflag:s24] =	ssyncset.done $0x0  }
0xdc: {  	p0 =	sne.s32 s22, s12;
	s26 =	sshll.u32 s29, $0x6;
	[sflag:s24] =	ssyncadd.s32 $0xFFFF8000  }
.Ltmp1:
0xdd: {  	s26 =	sor.u32 $0x1C05, s26;
	[bflag:$0x0] =	sbarrier.arrive $0xFFFF;
	(pc) =	sbr.rel @p0 .LBB2_1-.Ltmp1, $4  }
0xde: {  	[hbm:s23], [sflag:s26] =	dma.local [spmem:s25], $0x1388  }
0xdf: {  	_ =	swait.ge [sflag:s13], $0x1388  }
0xe0: {  	[sflag:s13] =	ssyncset.done $0x0  }
0xe1: {  	[sflag:s13] =	ssyncadd.s32 $0xFFFFEC78  }
0xe2: {  	_ =	sfence.sel $0x180000  }
0xe3: {  	[bflag:$0x0] =	sbarrier.arrive $0xFFFF  }
0xe4: {  	_ =	strace $0x9000004A  }
0xe5: {  	s0 =	stileid.u32;
	[bflag:$0x2] =	sbarrier.arrive $0xFFFF  }
0xe6: {  	p0 =	sne.s32 s0, $0x0;
	s0 =	rddreg [dreg:$0x2]  }
0xe7: {  	s0 =	sadd.s32 @!p0 $0x100000, s0  }
0xe8: {  	[sflag:s0] =	ssyncadd.tile.s32 @!p0 $0x1;
	_ =	shalt  }
.Lfunc_end2:
_tile_overlayer_lowered:
.L_overlay_start_2:
0xe9: {  	(tag) =	ssettag $0x2  }
0xea: {  	s0 =	rddreg [dreg:$0x0];
	s2 =	stileid.u32  }
0xeb: {  	s1 =	rddreg [dreg:$0x1];
	p0 =	sne.s32 s2, $0x0  }
0xec: {  	s3 =	rddreg [dreg:$0x2];
	[bflag:$0x3] =	sbarrier.arrive $0xFFFF;
	s2 =	simm.s32 @!p0 $0x1C05  }
0xed: {  	[timem:s3], [sflag:s2] =	dma.local @!p0 [hbm:s0], s1  }
0xee: {  	s0 =	simm.s32 @!p0 $0x5  }
0xef: {  	_ =	swait.ge @!p0 [sflag:s0], s1  }
0xf0: {  	s1 =	ssub.s32 @!p0 $0x0, s1;
	[sflag:s0] =	ssyncset.done @!p0 $0x0  }
0xf1: {  	[sflag:s0] =	ssyncadd.s32 @!p0 s1  }
0xf2: {  	[bflag:$0x3] =	sbarrier.arrive $0xFFFF  }
0xf3: {  	_ =	shalt  }

// kernel: kernel.18.cloned.1.call-start
scs
__scs_entry_jumppad:
0x0: {  	(pc) =	sbr.rel $0x88, $3  }
0x1: {  	(tag) =	ssettag $0x0;
	lr =	simm.s32 $0x1  }
0x2: {  	[smem:$0x3F92] =	sst lr;
	_ =	strace $0xD0000000  }
0x3: {  	_ = 	snop  }
0x4: {  	_ = 	snop  }
0x5: {  	_ = 	snop  }
0x6: {  	_ = 	snop  }
0x7: {  	_ = 	snop  }
__scs_overlays_trampoline_lowered:
0x8: {  	[smem:$0x3FA1] =	sst s0  }
0x9: {  	[smem:$0x3FA2] =	sst s1  }
0xa: {  	[smem:$0x3FA3] =	sst s2  }
0xb: {  	[smem:$0x3FA4] =	sst s3  }
0xc: {  	[smem:$0x3FA5] =	sst s4  }
0xd: {  	[smem:$0x3FA6] =	sst s5  }
0xe: {  	[smem:$0x3FA7] =	sst s6  }
0xf: {  	[smem:$0x3FA8] =	sst s7  }
0x10: {  	[smem:$0x3FA9] =	sst s8  }
0x11: {  	[smem:$0x3FAA] =	sst s9;
	s0 =	simm.s32 @!p0 $0x0  }
0x12: {  	s1 =	sld [smem:$0x3F90];
	s0 =	simm.s32 @p0 $0x1  }
0x13: {  	[smem:$0x3FAB] =	sst s0;
	s0 =	simm.s32 @!p1 $0x0  }
0x14: {  	s2 =	sld [smem:$0x3F8F];
	s0 =	simm.s32 @p1 $0x1  }
0x15: {  	[smem:$0x3FAC] =	sst s0;
	s0 =	simm.s32 @!p2 $0x0  }
0x16: {  	s3 =	sld [smem:$0x3FDB];
	s0 =	simm.s32 @p2 $0x1  }
0x17: {  	s4 =	simm.s32 $0x1BF5;
	[smem:$0x3FAE] =	sst s0  }
0x18: {  	s0 =	sld [smem:$0x3F91];
	_ =	swait.ge [sflag:s4], $0x0  }
0x19: {  	s7 =	sld [smem:$0x3F92]  }
0x1a: {  	s8 =	sadd.s32 $0xFFFFE003, lr  }
0x1b: {  	s9 =	sadd.s32 $0xFFFFFEF7, lr;
	s5 =	simm.s32 $0xFFFFFFFF;
	p2 =	slt.u32 s8, $0xFFFFF086  }
0x1c: {  	p1 =	slt.u32 s9, $0xF7A;
	s5 =	simm.s32 @!p2 $0x0  }
0x1d: {  	s5 =	simm.s32 @p1 $0x1;
	p0 =	seq.s32 s7, s2  }
0x1e: {  	s7 =	smul.u32 @!p0 $0xF7A, s2;
	p2 =	seq.s32 @!p0 s5, $0x0  }
0x1f: {  	s9 =	smul.u32 $0xF7A, s1;
	s8 =	simm.s32 @!p0 $0x1BF5;
	p2 =	por !p2, p0  }
0x20: {  	[sflag:s8] =	ssyncset.s32 @!p0 $0xFFFFF086;
	s6 =	sadd.s32 @!p0 s3, s7;
	s7 =	simm.s32 @!p0 $0x108  }
0x21: {  	s3 =	sadd.s32 s3, s9;
	s6 =	sadd.s32 @!p0 $0x88, s6;
	s7 =	simm.s32 @p2 $0x1082  }
0x22: {  	[simem:s7], [sflag:s8] =	dma.local @!p0 [hbm:s6], $0xF7A  }
0x23: {  	s9 =	sor.u32 $0xD0000000, s2;
	s6 =	simm.s32 $0x108;
	_ =	swait.ge @!p0 [sflag:s8], $0x0  }
0x24: {  	s3 =	sadd.s32 $0x88, s3;
	s6 =	simm.s32 @!p1 $0x1082;
	[sflag:s4] =	ssyncset.s32 $0xFFFFF086  }
0x25: {  	[simem:s6], [sflag:s4] =	dma.local [hbm:s3], $0xF7A  }
0x26: {  	[smem:$0x3F92] =	sst s1;
	(tag) =	ssettag s2;
	_ =	strace s9  }
0x27: {  	s1 =	sld [smem:$0x3FA2]  }
0x28: {  	s2 =	sld [smem:$0x3FA3]  }
0x29: {  	s4 =	sld [smem:$0x3FA5]  }
0x2a: {  	p0 =	seq.s32 s5, $0x0;
	s5 =	sld [smem:$0x3FA6]  }
0x2b: {  	s6 =	sld [smem:$0x3FA7]  }
0x2c: {  	s7 =	sld [smem:$0x3FA8]  }
0x2d: {  	s3 =	simm.s32 $0x108;
	s8 =	sld [smem:$0x3FA9]  }
0x2e: {  	s3 =	simm.s32 @!p0 $0x1082;
	s9 =	sld [smem:$0x3FAA]  }
0x2f: {  	lr =	sadd.s32 s0, s3;
	s0 =	sld [smem:$0x3FA1]  }
0x30: {  	s3 =	sld [smem:$0x3FA4]  }
0x31: {  	[smem:$0x3FAD] =	sst s10  }
0x32: {  	s10 =	sld [smem:$0x3FAB];
	_ =	sdelay $0x3  }
0x33: {  	p0 =	seq.s32 s10, $0x1;
	s10 =	sld [smem:$0x3FAD];
	_ =	sdelay $0x3  }
0x34: {  	[smem:$0x3FAD] =	sst s10  }
0x35: {  	s10 =	sld [smem:$0x3FAC];
	_ =	sdelay $0x3  }
0x36: {  	p1 =	seq.s32 s10, $0x1;
	s10 =	sld [smem:$0x3FAD];
	_ =	sdelay $0x3  }
0x37: {  	[smem:$0x3FAD] =	sst s10  }
0x38: {  	s10 =	sld [smem:$0x3FAE]  }
0x39: {  	_ = 	snop;
	(pc) =	sbr.ind lr, $3  }
0x3a: {  	_ = 	snop  }
0x3b: {  	_ = 	snop  }
0x3c: {  	p2 =	seq.s32 s10, $0x1;
	s10 =	sld [smem:$0x3FAD]  }
0x3d: {  	_ =	shalt  }
0x3e: {  	_ =	shalt  }
0x3f: {  	_ =	shalt  }
0x40: {  	_ =	shalt  }
0x41: {  	_ =	shalt  }
0x42: {  	_ =	shalt  }
0x43: {  	_ =	shalt  }
0x44: {  	_ =	shalt  }
0x45: {  	_ =	shalt  }
0x46: {  	_ =	shalt  }
0x47: {  	_ =	shalt  }
0x48: {  	_ =	shalt  }
0x49: {  	_ =	shalt  }
0x4a: {  	_ =	shalt  }
0x4b: {  	_ =	shalt  }
0x4c: {  	_ =	shalt  }
0x4d: {  	_ =	shalt  }
0x4e: {  	_ =	shalt  }
0x4f: {  	_ =	shalt  }
0x50: {  	_ =	shalt  }
0x51: {  	_ =	shalt  }
0x52: {  	_ =	shalt  }
0x53: {  	_ =	shalt  }
0x54: {  	_ =	shalt  }
0x55: {  	_ =	shalt  }
0x56: {  	_ =	shalt  }
0x57: {  	_ =	shalt  }
0x58: {  	_ =	shalt  }
0x59: {  	_ =	shalt  }
0x5a: {  	_ =	shalt  }
0x5b: {  	_ =	shalt  }
0x5c: {  	_ =	shalt  }
0x5d: {  	_ =	shalt  }
0x5e: {  	_ =	shalt  }
0x5f: {  	_ =	shalt  }
0x60: {  	_ =	shalt  }
0x61: {  	_ =	shalt  }
0x62: {  	_ =	shalt  }
0x63: {  	_ =	shalt  }
0x64: {  	_ =	shalt  }
0x65: {  	_ =	shalt  }
0x66: {  	_ =	shalt  }
0x67: {  	_ =	shalt  }
0x68: {  	_ =	shalt  }
0x69: {  	_ =	shalt  }
0x6a: {  	_ =	shalt  }
0x6b: {  	_ =	shalt  }
0x6c: {  	_ =	shalt  }
0x6d: {  	_ =	shalt  }
0x6e: {  	_ =	shalt  }
0x6f: {  	_ =	shalt  }
0x70: {  	_ =	shalt  }
0x71: {  	_ =	shalt  }
0x72: {  	_ =	shalt  }
0x73: {  	_ =	shalt  }
0x74: {  	_ =	shalt  }
0x75: {  	_ =	shalt  }
0x76: {  	_ =	shalt  }
0x77: {  	_ =	shalt  }
0x78: {  	_ =	shalt  }
0x79: {  	_ =	shalt  }
0x7a: {  	_ =	shalt  }
0x7b: {  	_ =	shalt  }
0x7c: {  	_ =	shalt  }
0x7d: {  	_ =	shalt  }
0x7e: {  	_ =	shalt  }
0x7f: {  	_ =	shalt  }
0x80: {  	_ =	shalt  }
0x81: {  	_ =	shalt  }
0x82: {  	_ =	shalt  }
0x83: {  	_ =	shalt  }
0x84: {  	_ =	shalt  }
0x85: {  	_ =	shalt  }
0x86: {  	_ =	shalt  }
0x87: {  	_ =	shalt  }
.Lfunc_end0:
.L_simem_size_0:
called_computation.2_lowered:
.L_overlay_start_0:
0x88: {  	s2 =	sld [smem:$0x3FD9]  }
0x89: {  	s3 =	sld [smem:$0x3FFE];
	_ =	sdelay $0x1  }
0x8a: {  	s1 =	srdreg.scid  }
0x8b: {  	s0 =	sand.u32 $0x1, s1  }
0x8c: {  	s16 =	sshll.u32 s0, $0xA;
	s2 =	sadd.s32 s3, s2  }
0x8d: {  	s2 =	sadd.s32 s2, s16  }
0x8e: {  	[smem:$0x3FB9] =	sst s2  }
0x8f: {  	_ = 	snop  }
0x90: {  	(tm) =	ssettm $0x1  }
0x91: {  	s17 =	sld [smem:$0x3FFB];
	_ =	sdelay $0x3  }
0x92: {  	_ =	strace s17  }
0x93: {  	s2 =	sld [smem:$0x3FFC];
	_ =	sdelay $0x3  }
0x94: {  	_ =	strace s2  }
0x95: {  	s2 =	sld [smem:$0x3FFD];
	_ =	sdelay $0x3  }
0x96: {  	_ =	strace s2  }
0x97: {  	_ =	strace $0x8FFFFFFF  }
0x98: {  	s18 =	sld [smem:$0x3FDB];
	_ =	sdelay $0x1  }
0x99: {  	s19 =	simm.s32 $_scs_section_size  }
0x9a: {  	s4 =	simm.s32 $_size__tile_overlayer_lowered;
	s5 =	simm.s32 $_tile_overlayer_lowered  }
0x9b: {  	s22 =	simm.s32 $0x1BFF;
	s21 =	sshll.u32 s5, $0x1;
	s2 =	sadd.s32 s19, s18  }
0x9c: {  	s6 =	simm.s32 $0x0;
	s20 =	sshll.u32 s4, $0x1;
	s4 =	sadd.s32 s21, s2  }
0x9d: {  	[timem:s6], [sflag:s22] =	dma.local [hbm:s4], s20  }
0x9e: {  	_ =	swait.ge [sflag:s22], s20  }
0x9f: {  	s3 =	ssub.s32 $0x0, s20;
	[sflag:s22] =	ssyncset.done $0x0  }
0xa0: {  	[sflag:s22] =	ssyncadd.s32 s3;
	_ =	sdelay $0x1  }
0xa1: {  	s23 =	simm.s32 $0x1B8B  }
0xa2: {  	_ =	swait.ge [sflag:s23], $0x1  }
0xa3: {  	[sflag:s23] =	ssyncset.done $0x0  }
0xa4: {  	s25 =	simm.s32 $0x1B8E;
	s24 =	sld [smem:$0x3FFE];
	[sflag:s23] =	ssyncadd.s32 $0xFFFFFFFF  }
0xa5: {  	s26 =	simm.s32 $execute0_lowered;
	[smem:$0x3FD2] =	sst s25  }
0xa6: {  	s4 =	sshll.u32 s26, $0x1;
	_ =	strace $0x8000004C;
	[dreg:$0x1] =	wrdreg $0xFFFFFFFF  }
0xa7: {  	s28 =	simm.s32 $_size_execute0_lowered;
	s2 =	sadd.s32 s2, s4;
	[dreg:$0x0] =	wrdreg $0x0  }
0xa8: {  	s4 =	sshll.u32 s28, $0x1;
	[dreg:$0x2] =	wrdreg s2  }
0xa9: {  	[dreg:$0x3] =	wrdreg s4  }
0xaa: {  	[dreg:$0x4] =	wrdreg $0xC0  }
0xab: {  	_ =	task [dreg:s6], $0x5FFFF  }
0xac: {  	[dreg:$0x1] =	wrdreg $0xFFFFFFFF  }
0xad: {  	[dreg:$0x0] =	wrdreg $0x60  }
0xae: {  	[dreg:$0x2] =	wrdreg s24  }
0xaf: {  	[dreg:$0x3] =	wrdreg $0x150000  }
0xb0: {  	[dreg:$0x4] =	wrdreg $0x9  }
0xb1: {  	_ =	task.clear_ibuf [dreg:s6], $0x5FFFF;
	_ =	strace $0x9000004C  }
0xb2: {  	s29 =	simm.s32 $0x9;
	_ =	strace $0x8000004E  }
0xb3: {  	_ =	swait.ge [sflag:s29], $0x1  }
0xb4: {  	[sflag:s29] =	ssyncadd.s32 $0xFFFFFFFF  }
0xb5: {  	_ =	strace $0x9000004E  }
0xb6: {  	_ =	sfence  }
0xb7: {  	s30 =	sld [smem:$0x0];
	_ =	sdelay $0x2  }
0xb8: {  	s31 =	sshll.u32 s1, $0xD;
	s1 =	sshrl.u32 s1, $0x2  }
0xb9: {  	s3 =	sand.u32 $0x4000, s31;
	s1 =	sadd.s32 s1, s30  }
0xba: {  	s0 =	sor.u32 s3, s0;
	s1 =	sshll.u32 s1, $0x11  }
0xbb: {  	s0 =	sor.u32 s1, s0  }
0xbc: {  	s0 =	sadd.s32 $0x8F2B, s0  }
0xbd: {  	[sflag:s0] =	ssyncadd.remote.s32 $0x1  }
0xbe: {  	_ =	sfence.sel $0xFFFF  }
0xbf: {  	[dreg:$0x0] =	wrdreg $0xFFFFFFFF;
	(pc) =	sbr.abs _section_cstart, $3  }
0xc0: {  	[dreg:$0x1] =	wrdreg $0xFFFFFFFF  }
0xc1: {  	_ =	task.clear_ibuf [dreg:s6], $0x2FFFF;
	_ =	strace $0x9FFFFFFF  }
0xc2: {  	(tm) =	ssettm $0x7FFFFFFF  }
0xc3: {  	_ =	shalt  }
tec
execute0_lowered:
.L_overlay_start_1:
0x0: {  	(tag) =	ssettag $0x1  }
0x1: {  	s0 =	srdreg.scid;
	s1 =	rddreg [dreg:$0x0]  }
0x2: {  	s2 =	rddreg [dreg:$0x1];
	s9 =	stileid.u32  }
0x3: {  	s3 =	simm.s32 $0x0;
	s13 =	simm.s32 $0x5;
	s14 =	simm.s32 $0x2800  }
0x4: {  	s15 =	simm.s32 $0x5000;
	s16 =	simm.s32 $0x1;
	s17 =	simm.s32 $0x200  }
0x5: {  	s18 =	simm.s32 $0xD000;
	s19 =	simm.s32 $0x3;
	s21 =	simm.s32 $0x2  }
0x6: {  	s24 =	simm.s32 $0x4;
	s30 =	simm.s32 $0x2400;
	s31 =	simm.s32 $0x4A00  }
0x7: {  	s0 =	sand.u32 $0x1, s0;
	[smem:$0x7FF] =	sst s3;
	s7 =	smul.u32 $0x28000, s9  }
0x8: {  	s12 =	smul.u32 $0x9C40, s9;
	s4 =	sshll.u32 s0, $0x4;
	_ =	strace $0x8000004D  }
0x9: {  	s6 =	smul.u32 $0x13880, s0;
	s0 =	ssub.s32 $0x2, s0;
	s4 =	sor.u32 s9, s4  }
0xa: {  	s29 =	sshrl.u32 s0, $0x1;
	s7 =	sshrl.u32 s7, $0x2;
	s20 =	sshrl.u32 s12, $0x3  }
0xb: {  	s22 =	sadd.s32 s12, s2;
	s5 =	smul.u32 $0x500, s4;
	s4 =	sadd.s32 $0xC4C00, s1  }
0xc: {  	s0 =	ssub.s32 s0, s29;
	s7 =	sadd.s32 s7, s2;
	s25 =	sshrl.u32 s22, $0x3  }
0xd: {  	s22 =	simm.s32 $0x0;
	s9 =	sadd.s32 $0x4000, s7;
	s10 =	sadd.s32 $0x6000, s7  }
0xe: {  	s11 =	sadd.s32 $0x8000, s7;
	s12 =	smax.u32 s0, $0x1;
	s8 =	sadd.s32 s5, s1  }
0xf: {  	s0 =	simm.s32 $0x2600;
	s1 =	sadd.s32 s6, s1;
	s5 =	sadd.s32 $0xFA600, s8  }
0x10: {  	s6 =	sadd.s32 $0x1E800, s8;
	s8 =	sadd.s32 $0x2000, s7;
	s1 =	sadd.s32 $0x104600, s1  }
0x11: {  	v0 =	vimm.f32 $0.0e+00;
	s23 =	sadd.s32 s20, s1;
	s1 =	simm.s32 $0x4C00;
	s20 =	simm.s32 $0x4E00  }
.LBB2_1:
0x12: {  	[tilespmem:s3], [sflag:$0x5] =	stream.linear.gather [hbm4b:s5+s3], $0x2800, $0x38;
	[tilespmem:$0x1F000] =	vst v63  }
0x13: {  	_ =	swait.ge [sflag:s13], $0x2800  }
0x14: {  	[sflag:s13] =	ssyncset.done $0x0  }
0x15: {  	[sflag:s13] =	ssyncadd.s32 $0xFFFFD800  }
0x16: {  	[tilespmem:s14], [sflag:$0x5] =	stream.linear.gather [hbm4b:s6+s3], $0x2800, $0x38;
	[tilespmem:$0x1F000] =	vst v63  }
0x17: {  	_ =	swait.ge [sflag:s13], $0x2800  }
0x18: {  	[sflag:s13] =	ssyncset.done $0x0  }
0x19: {  	s28 =	simm.s32 $0x100;
	s26 =	simm.s32 $0x0;
	[sflag:s13] =	ssyncadd.s32 $0xFFFFD800  }
.LBB2_2:
0x1a: {  	p0 =	sne.s32 s28, $0x7F00;
	[tilespmem:s26+$0x5030] =	vst v0;
	s29 =	smov.u32 s28;
	s28 =	sadd.s32 $0x100, s28  }
.Ltmp0:
0x1b: {  	[tilespmem:s26+$0x5020] =	vst v0;
	(pc) =	sbr.rel @p0 .LBB2_2-.Ltmp0, $3  }
0x1c: {  	[tilespmem:s26+$0x5000] =	vst v0  }
0x1d: {  	[tilespmem:s26+$0x5010] =	vst v0;
	_ =	sdelay $0x1  }
0x1e: {  	s26 =	sshra.s32 s29, $0x2  }
0x1f: {  	[tilespmem:s26+$0x5030] =	vst v0  }
0x20: {  	[tilespmem:s26+$0x5020] =	vst v0  }
0x21: {  	[tilespmem:s26+$0x5000] =	vst v0  }
0x22: {  	[tilespmem:s26+$0x5010] =	vst v0  }
0x23: {  	[spmem:s7] =	stream.linear.scatter [tilespmem:s15], [sflag:$0x1], $0x2000, $0x38;
	[tilespmem:$0x1F000] =	vst v63  }
0x24: {  	_ = 	snop  }
0x25: {  	[spmem:s8] =	stream.linear.scatter [tilespmem:s15], [sflag:$0x1], $0x2000, $0x38;
	[tilespmem:$0x1F000] =	vst v63  }
0x26: {  	_ = 	snop  }
0x27: {  	[spmem:s9] =	stream.linear.scatter [tilespmem:s15], [sflag:$0x1], $0x2000, $0x38;
	[tilespmem:$0x1F000] =	vst v63  }
0x28: {  	_ = 	snop  }
0x29: {  	[spmem:s10] =	stream.linear.scatter [tilespmem:s15], [sflag:$0x1], $0x2000, $0x38;
	[tilespmem:$0x1F000] =	vst v63  }
0x2a: {  	_ = 	snop  }
0x2b: {  	[spmem:s11] =	stream.linear.scatter [tilespmem:s15], [sflag:$0x1], $0x2000, $0x38;
	[tilespmem:$0x1F000] =	vst v63  }
0x2c: {  	_ =	swait.ge [sflag:s16], $0x2000  }
0x2d: {  	[sflag:s16] =	ssyncset.done $0x0  }
0x2e: {  	[sflag:s16] =	ssyncadd.s32 $0xFFFFE000  }
0x2f: {  	_ =	swait.ge [sflag:s16], $0x2000  }
0x30: {  	[sflag:s16] =	ssyncset.done $0x0  }
0x31: {  	[sflag:s16] =	ssyncadd.s32 $0xFFFFE000  }
0x32: {  	_ =	swait.ge [sflag:s16], $0x2000  }
0x33: {  	[sflag:s16] =	ssyncset.done $0x0  }
0x34: {  	[sflag:s16] =	ssyncadd.s32 $0xFFFFE000  }
0x35: {  	_ =	swait.ge [sflag:s16], $0x2000  }
0x36: {  	[sflag:s16] =	ssyncset.done $0x0  }
0x37: {  	[sflag:s16] =	ssyncadd.s32 $0xFFFFE000  }
0x38: {  	_ =	swait.ge [sflag:s16], $0x2000  }
0x39: {  	[sflag:s16] =	ssyncset.done $0x0  }
0x3a: {  	[sflag:s16] =	ssyncadd.s32 $0xFFFFE000  }
0x3b: {  	[bflag:$0x0] =	sbarrier.arrive $0xFFFF  }
0x3c: {  	[tilespmem:s15], [sflag:$0x1] =	stream.indirect.gather [hbm4b:s4+s17], $0x40, s3, s17, $0xb8;
	[tilespmem:$0x1F000] =	vst v63  }
0x3d: {  	_ = 	snop  }
0x3e: {  	[tilespmem:s18], [sflag:$0x2] =	stream.indirect.gather [hbm4b:s4+s17], $0x40, s17, s17, $0xb8;
	[tilespmem:$0x1F000] =	vst v63  }
0x3f: {  	_ =	swait.ge [sflag:s16], $0x8000  }
0x40: {  	[sflag:s16] =	ssyncset.done $0x0  }
0x41: {  	[sflag:s16] =	ssyncadd.s32 $0xFFFF8000  }
0x42: {  	[spmem:s2] =	stream.indirect.scatter.add.f32 [tilespmem:s15], [sflag:$0x3], $0x40, s14, s17, $0xb8;
	[tilespmem:$0x1F000] =	vst v63  }
0x43: {  	_ =	swait.ge [sflag:s19], $0x8000  }
0x44: {  	[sflag:s19] =	ssyncset.done $0x0  }
0x45: {  	s29 =	simm.s32 $0x400;
	[sflag:s19] =	ssyncadd.s32 $0xFFFF8000  }
0x46: {  	[tilespmem:s15], [sflag:$0x1] =	stream.indirect.gather [hbm4b:s4+s17], $0x40, s29, s17, $0xb8;
	[tilespmem:$0x1F000] =	vst v63  }
0x47: {  	_ =	swait.ge [sflag:s21], $0x8000  }
0x48: {  	[sflag:s21] =	ssyncset.done $0x0  }
0x49: {  	s28 =	simm.s32 $0x2A00;
	[sflag:s21] =	ssyncadd.s32 $0xFFFF8000  }
0x4a: {  	[spmem:s2] =	stream.indirect.scatter.add.f32 [tilespmem:s18], [sflag:$0x4], $0x40, s28, s17, $0xb8;
	[tilespmem:$0x1F000] =	vst v63  }
0x4b: {  	_ =	swait.ge [sflag:s24], $0x8000  }
0x4c: {  	[sflag:s24] =	ssyncset.done $0x0  }
0x4d: {  	s29 =	simm.s32 $0x600;
	[sflag:s24] =	ssyncadd.s32 $0xFFFF8000  }
0x4e: {  	[tilespmem:s18], [sflag:$0x2] =	stream.indirect.gather [hbm4b:s4+s17], $0x40, s29, s17, $0xb8;
	[tilespmem:$0x1F000] =	vst v63  }
0x4f: {  	_ =	swait.ge [sflag:s16], $0x8000  }
0x50: {  	[sflag:s16] =	ssyncset.done $0x0  }
0x51: {  	s28 =	simm.s32 $0x2C00;
	[sflag:s16] =	ssyncadd.s32 $0xFFFF8000  }
0x52: {  	[spmem:s2] =	stream.indirect.scatter.add.f32 [tilespmem:s15], [sflag:$0x3], $0x40, s28, s17, $0xb8;
	[tilespmem:$0x1F000] =	vst v63  }
0x53: {  	_ =	swait.ge [sflag:s19], $0x8000  }
0x54: {  	[sflag:s19] =	ssyncset.done $0x0  }
0x55: {  	s29 =	simm.s32 $0x800;
	[sflag:s19] =	ssyncadd.s32 $0xFFFF8000  }
0x56: {  	[tilespmem:s15], [sflag:$0x1] =	stream.indirect.gather [hbm4b:s4+s17], $0x40, s29, s17, $0xb8;
	[tilespmem:$0x1F000] =	vst v63  }
0x57: {  	_ =	swait.ge [sflag:s21], $0x8000  }
0x58: {  	[sflag:s21] =	ssyncset.done $0x0  }
0x59: {  	s28 =	simm.s32 $0x2E00;
	[sflag:s21] =	ssyncadd.s32 $0xFFFF8000  }
0x5a: {  	[spmem:s2] =	stream.indirect.scatter.add.f32 [tilespmem:s18], [sflag:$0x4], $0x40, s28, s17, $0xb8;
	[tilespmem:$0x1F000] =	vst v63  }
0x5b: {  	_ =	swait.ge [sflag:s24], $0x8000  }
0x5c: {  	[sflag:s24] =	ssyncset.done $0x0  }
0x5d: {  	s29 =	simm.s32 $0xA00;
	[sflag:s24] =	ssyncadd.s32 $0xFFFF8000  }
0x5e: {  	[tilespmem:s18], [sflag:$0x2] =	stream.indirect.gather [hbm4b:s4+s17], $0x40, s29, s17, $0xb8;
	[tilespmem:$0x1F000] =	vst v63  }
0x5f: {  	_ =	swait.ge [sflag:s16], $0x8000  }
0x60: {  	[sflag:s16] =	ssyncset.done $0x0  }
0x61: {  	s28 =	simm.s32 $0x3000;
	[sflag:s16] =	ssyncadd.s32 $0xFFFF8000  }
0x62: {  	[spmem:s2] =	stream.indirect.scatter.add.f32 [tilespmem:s15], [sflag:$0x3], $0x40, s28, s17, $0xb8;
	[tilespmem:$0x1F000] =	vst v63  }
0x63: {  	_ =	swait.ge [sflag:s19], $0x8000  }
0x64: {  	[sflag:s19] =	ssyncset.done $0x0  }
0x65: {  	s29 =	simm.s32 $0xC00;
	[sflag:s19] =	ssyncadd.s32 $0xFFFF8000  }
0x66: {  	[tilespmem:s15], [sflag:$0x1] =	stream.indirect.gather [hbm4b:s4+s17], $0x40, s29, s17, $0xb8;
	[tilespmem:$0x1F000] =	vst v63  }
0x67: {  	_ =	swait.ge [sflag:s21], $0x8000  }
0x68: {  	[sflag:s21] =	ssyncset.done $0x0  }
0x69: {  	s28 =	simm.s32 $0x3200;
	[sflag:s21] =	ssyncadd.s32 $0xFFFF8000  }
0x6a: {  	[spmem:s2] =	stream.indirect.scatter.add.f32 [tilespmem:s18], [sflag:$0x4], $0x40, s28, s17, $0xb8;
	[tilespmem:$0x1F000] =	vst v63  }
0x6b: {  	_ =	swait.ge [sflag:s24], $0x8000  }
0x6c: {  	[sflag:s24] =	ssyncset.done $0x0  }
0x6d: {  	s29 =	simm.s32 $0xE00;
	[sflag:s24] =	ssyncadd.s32 $0xFFFF8000  }
0x6e: {  	[tilespmem:s18], [sflag:$0x2] =	stream.indirect.gather [hbm4b:s4+s17], $0x40, s29, s17, $0xb8;
	[tilespmem:$0x1F000] =	vst v63  }
0x6f: {  	_ =	swait.ge [sflag:s16], $0x8000  }
0x70: {  	[sflag:s16] =	ssyncset.done $0x0  }
0x71: {  	s28 =	simm.s32 $0x3400;
	[sflag:s16] =	ssyncadd.s32 $0xFFFF8000  }
0x72: {  	[spmem:s2] =	stream.indirect.scatter.add.f32 [tilespmem:s15], [sflag:$0x3], $0x40, s28, s17, $0xb8;
	[tilespmem:$0x1F000] =	vst v63  }
0x73: {  	_ =	swait.ge [sflag:s19], $0x8000  }
0x74: {  	[sflag:s19] =	ssyncset.done $0x0  }
0x75: {  	s29 =	simm.s32 $0x1000;
	[sflag:s19] =	ssyncadd.s32 $0xFFFF8000  }
0x76: {  	[tilespmem:s15], [sflag:$0x1] =	stream.indirect.gather [hbm4b:s4+s17], $0x40, s29, s17, $0xb8;
	[tilespmem:$0x1F000] =	vst v63  }
0x77: {  	_ =	swait.ge [sflag:s21], $0x8000  }
0x78: {  	[sflag:s21] =	ssyncset.done $0x0  }
0x79: {  	s28 =	simm.s32 $0x3600;
	[sflag:s21] =	ssyncadd.s32 $0xFFFF8000  }
0x7a: {  	[spmem:s2] =	stream.indirect.scatter.add.f32 [tilespmem:s18], [sflag:$0x4], $0x40, s28, s17, $0xb8;
	[tilespmem:$0x1F000] =	vst v63  }
0x7b: {  	_ =	swait.ge [sflag:s24], $0x8000  }
0x7c: {  	[sflag:s24] =	ssyncset.done $0x0  }
0x7d: {  	s29 =	simm.s32 $0x1200;
	[sflag:s24] =	ssyncadd.s32 $0xFFFF8000  }
0x7e: {  	[tilespmem:s18], [sflag:$0x2] =	stream.indirect.gather [hbm4b:s4+s17], $0x40, s29, s17, $0xb8;
	[tilespmem:$0x1F000] =	vst v63  }
0x7f: {  	_ =	swait.ge [sflag:s16], $0x8000  }
0x80: {  	[sflag:s16] =	ssyncset.done $0x0  }
0x81: {  	s28 =	simm.s32 $0x3800;
	[sflag:s16] =	ssyncadd.s32 $0xFFFF8000  }
0x82: {  	[spmem:s2] =	stream.indirect.scatter.add.f32 [tilespmem:s15], [sflag:$0x3], $0x40, s28, s17, $0xb8;
	[tilespmem:$0x1F000] =	vst v63  }
0x83: {  	_ =	swait.ge [sflag:s19], $0x8000  }
0x84: {  	[sflag:s19] =	ssyncset.done $0x0  }
0x85: {  	s29 =	simm.s32 $0x1400;
	[sflag:s19] =	ssyncadd.s32 $0xFFFF8000  }
0x86: {  	[tilespmem:s15], [sflag:$0x1] =	stream.indirect.gather [hbm4b:s4+s17], $0x40, s29, s17, $0xb8;
	[tilespmem:$0x1F000] =	vst v63  }
0x87: {  	_ =	swait.ge [sflag:s21], $0x8000  }
0x88: {  	[sflag:s21] =	ssyncset.done $0x0  }
0x89: {  	s28 =	simm.s32 $0x3A00;
	[sflag:s21] =	ssyncadd.s32 $0xFFFF8000  }
0x8a: {  	[spmem:s2] =	stream.indirect.scatter.add.f32 [tilespmem:s18], [sflag:$0x4], $0x40, s28, s17, $0xb8;
	[tilespmem:$0x1F000] =	vst v63  }
0x8b: {  	_ =	swait.ge [sflag:s24], $0x8000  }
0x8c: {  	[sflag:s24] =	ssyncset.done $0x0  }
0x8d: {  	s29 =	simm.s32 $0x1600;
	[sflag:s24] =	ssyncadd.s32 $0xFFFF8000  }
0x8e: {  	[tilespmem:s18], [sflag:$0x2] =	stream.indirect.gather [hbm4b:s4+s17], $0x40, s29, s17, $0xb8;
	[tilespmem:$0x1F000] =	vst v63  }
0x8f: {  	_ =	swait.ge [sflag:s16], $0x8000  }
0x90: {  	[sflag:s16] =	ssyncset.done $0x0  }
0x91: {  	s28 =	simm.s32 $0x3C00;
	[sflag:s16] =	ssyncadd.s32 $0xFFFF8000  }
0x92: {  	[spmem:s2] =	stream.indirect.scatter.add.f32 [tilespmem:s15], [sflag:$0x3], $0x40, s28, s17, $0xb8;
	[tilespmem:$0x1F000] =	vst v63  }
0x93: {  	_ =	swait.ge [sflag:s19], $0x8000  }
0x94: {  	[sflag:s19] =	ssyncset.done $0x0  }
0x95: {  	s29 =	simm.s32 $0x1800;
	[sflag:s19] =	ssyncadd.s32 $0xFFFF8000  }
0x96: {  	[tilespmem:s15], [sflag:$0x1] =	stream.indirect.gather [hbm4b:s4+s17], $0x40, s29, s17, $0xb8;
	[tilespmem:$0x1F000] =	vst v63  }
0x97: {  	_ =	swait.ge [sflag:s21], $0x8000  }
0x98: {  	[sflag:s21] =	ssyncset.done $0x0  }
0x99: {  	s28 =	simm.s32 $0x3E00;
	[sflag:s21] =	ssyncadd.s32 $0xFFFF8000  }
0x9a: {  	[spmem:s2] =	stream.indirect.scatter.add.f32 [tilespmem:s18], [sflag:$0x4], $0x40, s28, s17, $0xb8;
	[tilespmem:$0x1F000] =	vst v63  }
0x9b: {  	_ =	swait.ge [sflag:s24], $0x8000  }
0x9c: {  	[sflag:s24] =	ssyncset.done $0x0  }
0x9d: {  	s29 =	simm.s32 $0x1A00;
	[sflag:s24] =	ssyncadd.s32 $0xFFFF8000  }
0x9e: {  	[tilespmem:s18], [sflag:$0x2] =	stream.indirect.gather [hbm4b:s4+s17], $0x40, s29, s17, $0xb8;
	[tilespmem:$0x1F000] =	vst v63  }
0x9f: {  	_ =	swait.ge [sflag:s16], $0x8000  }
0xa0: {  	[sflag:s16] =	ssyncset.done $0x0  }
0xa1: {  	s28 =	simm.s32 $0x4000;
	[sflag:s16] =	ssyncadd.s32 $0xFFFF8000  }
0xa2: {  	[spmem:s2] =	stream.indirect.scatter.add.f32 [tilespmem:s15], [sflag:$0x3], $0x40, s28, s17, $0xb8;
	[tilespmem:$0x1F000] =	vst v63  }
0xa3: {  	_ =	swait.ge [sflag:s19], $0x8000  }
0xa4: {  	[sflag:s19] =	ssyncset.done $0x0  }
0xa5: {  	s29 =	simm.s32 $0x1C00;
	[sflag:s19] =	ssyncadd.s32 $0xFFFF8000  }
0xa6: {  	[tilespmem:s15], [sflag:$0x1] =	stream.indirect.gather [hbm4b:s4+s17], $0x40, s29, s17, $0xb8;
	[tilespmem:$0x1F000] =	vst v63  }
0xa7: {  	_ =	swait.ge [sflag:s21], $0x8000  }
0xa8: {  	[sflag:s21] =	ssyncset.done $0x0  }
0xa9: {  	s28 =	simm.s32 $0x4200;
	[sflag:s21] =	ssyncadd.s32 $0xFFFF8000  }
0xaa: {  	[spmem:s2] =	stream.indirect.scatter.add.f32 [tilespmem:s18], [sflag:$0x4], $0x40, s28, s17, $0xb8;
	[tilespmem:$0x1F000] =	vst v63  }
0xab: {  	_ =	swait.ge [sflag:s24], $0x8000  }
0xac: {  	[sflag:s24] =	ssyncset.done $0x0  }
0xad: {  	s29 =	simm.s32 $0x1E00;
	[sflag:s24] =	ssyncadd.s32 $0xFFFF8000  }
0xae: {  	[tilespmem:s18], [sflag:$0x2] =	stream.indirect.gather [hbm4b:s4+s17], $0x40, s29, s17, $0xb8;
	[tilespmem:$0x1F000] =	vst v63  }
0xaf: {  	_ =	swait.ge [sflag:s16], $0x8000  }
0xb0: {  	[sflag:s16] =	ssyncset.done $0x0  }
0xb1: {  	s28 =	simm.s32 $0x4400;
	[sflag:s16] =	ssyncadd.s32 $0xFFFF8000  }
0xb2: {  	[spmem:s2] =	stream.indirect.scatter.add.f32 [tilespmem:s15], [sflag:$0x3], $0x40, s28, s17, $0xb8;
	[tilespmem:$0x1F000] =	vst v63  }
0xb3: {  	_ =	swait.ge [sflag:s19], $0x8000  }
0xb4: {  	[sflag:s19] =	ssyncset.done $0x0  }
0xb5: {  	s29 =	simm.s32 $0x2000;
	[sflag:s19] =	ssyncadd.s32 $0xFFFF8000  }
0xb6: {  	[tilespmem:s15], [sflag:$0x1] =	stream.indirect.gather [hbm4b:s4+s17], $0x40, s29, s17, $0xb8;
	[tilespmem:$0x1F000] =	vst v63  }
0xb7: {  	_ =	swait.ge [sflag:s21], $0x8000  }
0xb8: {  	[sflag:s21] =	ssyncset.done $0x0  }
0xb9: {  	s28 =	simm.s32 $0x4600;
	[sflag:s21] =	ssyncadd.s32 $0xFFFF8000  }
0xba: {  	[spmem:s2] =	stream.indirect.scatter.add.f32 [tilespmem:s18], [sflag:$0x4], $0x40, s28, s17, $0xb8;
	[tilespmem:$0x1F000] =	vst v63  }
0xbb: {  	_ =	swait.ge [sflag:s24], $0x8000  }
0xbc: {  	[sflag:s24] =	ssyncset.done $0x0  }
0xbd: {  	s29 =	simm.s32 $0x2200;
	[sflag:s24] =	ssyncadd.s32 $0xFFFF8000  }
0xbe: {  	[tilespmem:s18], [sflag:$0x2] =	stream.indirect.gather [hbm4b:s4+s17], $0x40, s29, s17, $0xb8;
	[tilespmem:$0x1F000] =	vst v63  }
0xbf: {  	_ =	swait.ge [sflag:s16], $0x8000  }
0xc0: {  	[sflag:s16] =	ssyncset.done $0x0  }
0xc1: {  	s28 =	simm.s32 $0x4800;
	[sflag:s16] =	ssyncadd.s32 $0xFFFF8000  }
0xc2: {  	[spmem:s2] =	stream.indirect.scatter.add.f32 [tilespmem:s15], [sflag:$0x3], $0x40, s28, s17, $0xb8;
	[tilespmem:$0x1F000] =	vst v63  }
0xc3: {  	_ =	swait.ge [sflag:s19], $0x8000  }
0xc4: {  	[sflag:s19] =	ssyncset.done $0x0  }
0xc5: {  	[sflag:s19] =	ssyncadd.s32 $0xFFFF8000  }
0xc6: {  	[tilespmem:s15], [sflag:$0x1] =	stream.indirect.gather [hbm4b:s4+s17], $0x40, s30, s17, $0xb8;
	[tilespmem:$0x1F000] =	vst v63  }
0xc7: {  	_ =	swait.ge [sflag:s21], $0x8000  }
0xc8: {  	[sflag:s21] =	ssyncset.done $0x0  }
0xc9: {  	[sflag:s21] =	ssyncadd.s32 $0xFFFF8000  }
0xca: {  	[spmem:s2] =	stream.indirect.scatter.add.f32 [tilespmem:s18], [sflag:$0x4], $0x40, s31, s17, $0xb8;
	[tilespmem:$0x1F000] =	vst v63  }
0xcb: {  	_ =	swait.ge [sflag:s24], $0x8000  }
0xcc: {  	[sflag:s24] =	ssyncset.done $0x0  }
0xcd: {  	[sflag:s24] =	ssyncadd.s32 $0xFFFF8000  }
0xce: {  	[tilespmem:s18], [sflag:$0x2] =	stream.indirect.gather [hbm4b:s4+s17], $0x40, s0, s17, $0xb8;
	[tilespmem:$0x1F000] =	vst v63  }
0xcf: {  	_ =	swait.ge [sflag:s16], $0x8000  }
0xd0: {  	[sflag:s16] =	ssyncset.done $0x0  }
0xd1: {  	[sflag:s16] =	ssyncadd.s32 $0xFFFF8000  }
0xd2: {  	[spmem:s2] =	stream.indirect.scatter.add.f32 [tilespmem:s15], [sflag:$0x3], $0x40, s1, s17, $0xb8;
	[tilespmem:$0x1F000] =	vst v63  }
0xd3: {  	_ =	swait.ge [sflag:s19], $0x8000  }
0xd4: {  	[sflag:s19] =	ssyncset.done $0x0  }
0xd5: {  	[sflag:s19] =	ssyncadd.s32 $0xFFFF8000  }
0xd6: {  	_ =	swait.ge [sflag:s21], $0x8000  }
0xd7: {  	[sflag:s21] =	ssyncset.done $0x0  }
0xd8: {  	[sflag:s21] =	ssyncadd.s32 $0xFFFF8000  }
0xd9: {  	[spmem:s2] =	stream.indirect.scatter.add.f32 [tilespmem:s18], [sflag:$0x4], $0x40, s20, s17, $0xb8;
	[tilespmem:$0x1F000] =	vst v63  }
0xda: {  	_ =	swait.ge [sflag:s24], $0x8000  }
0xdb: {  	s22 =	sadd.s32 $0x1, s22;
	s29 =	stileid.u32;
	[sflag:s24] =	ssyncset.done $0x0  }
0xdc: {  	p0 =	sne.s32 s22, s12;
	s26 =	sshll.u32 s29, $0x6;
	[sflag:s24] =	ssyncadd.s32 $0xFFFF8000  }
.Ltmp1:
0xdd: {  	s26 =	sor.u32 $0x1C05, s26;
	[bflag:$0x0] =	sbarrier.arrive $0xFFFF;
	(pc) =	sbr.rel @p0 .LBB2_1-.Ltmp1, $4  }
0xde: {  	[hbm:s23], [sflag:s26] =	dma.local [spmem:s25], $0x1388  }
0xdf: {  	_ =	swait.ge [sflag:s13], $0x1388  }
0xe0: {  	[sflag:s13] =	ssyncset.done $0x0  }
0xe1: {  	[sflag:s13] =	ssyncadd.s32 $0xFFFFEC78  }
0xe2: {  	_ =	sfence.sel $0x180000  }
0xe3: {  	[bflag:$0x0] =	sbarrier.arrive $0xFFFF  }
0xe4: {  	_ =	strace $0x9000004D  }
0xe5: {  	s0 =	stileid.u32;
	[bflag:$0x2] =	sbarrier.arrive $0xFFFF  }
0xe6: {  	p0 =	sne.s32 s0, $0x0;
	s0 =	rddreg [dreg:$0x2]  }
0xe7: {  	s0 =	sadd.s32 @!p0 $0x100000, s0  }
0xe8: {  	[sflag:s0] =	ssyncadd.tile.s32 @!p0 $0x1;
	_ =	shalt  }
.Lfunc_end2:
_tile_overlayer_lowered:
.L_overlay_start_2:
0xe9: {  	(tag) =	ssettag $0x2  }
0xea: {  	s0 =	rddreg [dreg:$0x0];
	s2 =	stileid.u32  }
0xeb: {  	s1 =	rddreg [dreg:$0x1];
	p0 =	sne.s32 s2, $0x0  }
0xec: {  	s3 =	rddreg [dreg:$0x2];
	[bflag:$0x3] =	sbarrier.arrive $0xFFFF;
	s2 =	simm.s32 @!p0 $0x1C05  }
0xed: {  	[timem:s3], [sflag:s2] =	dma.local @!p0 [hbm:s0], s1  }
0xee: {  	s0 =	simm.s32 @!p0 $0x5  }
0xef: {  	_ =	swait.ge @!p0 [sflag:s0], s1  }
0xf0: {  	s1 =	ssub.s32 @!p0 $0x0, s1;
	[sflag:s0] =	ssyncset.done @!p0 $0x0  }
0xf1: {  	[sflag:s0] =	ssyncadd.s32 @!p0 s1  }
0xf2: {  	[bflag:$0x3] =	sbarrier.arrive $0xFFFF  }
0xf3: {  	_ =	shalt  }

// kernel: kernel.21.cloned.1.call-start
scs
__scs_entry_jumppad:
0x0: {  	(pc) =	sbr.rel $0x88, $3  }
0x1: {  	(tag) =	ssettag $0x0;
	lr =	simm.s32 $0x1  }
0x2: {  	[smem:$0x3F92] =	sst lr;
	_ =	strace $0xD0000000  }
0x3: {  	_ = 	snop  }
0x4: {  	_ = 	snop  }
0x5: {  	_ = 	snop  }
0x6: {  	_ = 	snop  }
0x7: {  	_ = 	snop  }
__scs_overlays_trampoline_lowered:
0x8: {  	[smem:$0x3FA1] =	sst s0  }
0x9: {  	[smem:$0x3FA2] =	sst s1  }
0xa: {  	[smem:$0x3FA3] =	sst s2  }
0xb: {  	[smem:$0x3FA4] =	sst s3  }
0xc: {  	[smem:$0x3FA5] =	sst s4  }
0xd: {  	[smem:$0x3FA6] =	sst s5  }
0xe: {  	[smem:$0x3FA7] =	sst s6  }
0xf: {  	[smem:$0x3FA8] =	sst s7  }
0x10: {  	[smem:$0x3FA9] =	sst s8  }
0x11: {  	[smem:$0x3FAA] =	sst s9;
	s0 =	simm.s32 @!p0 $0x0  }
0x12: {  	s1 =	sld [smem:$0x3F90];
	s0 =	simm.s32 @p0 $0x1  }
0x13: {  	[smem:$0x3FAB] =	sst s0;
	s0 =	simm.s32 @!p1 $0x0  }
0x14: {  	s2 =	sld [smem:$0x3F8F];
	s0 =	simm.s32 @p1 $0x1  }
0x15: {  	[smem:$0x3FAC] =	sst s0;
	s0 =	simm.s32 @!p2 $0x0  }
0x16: {  	s3 =	sld [smem:$0x3FDB];
	s0 =	simm.s32 @p2 $0x1  }
0x17: {  	s4 =	simm.s32 $0x1BF5;
	[smem:$0x3FAE] =	sst s0  }
0x18: {  	s0 =	sld [smem:$0x3F91];
	_ =	swait.ge [sflag:s4], $0x0  }
0x19: {  	s7 =	sld [smem:$0x3F92]  }
0x1a: {  	s8 =	sadd.s32 $0xFFFFE003, lr  }
0x1b: {  	s9 =	sadd.s32 $0xFFFFFEF7, lr;
	s5 =	simm.s32 $0xFFFFFFFF;
	p2 =	slt.u32 s8, $0xFFFFF086  }
0x1c: {  	p1 =	slt.u32 s9, $0xF7A;
	s5 =	simm.s32 @!p2 $0x0  }
0x1d: {  	s5 =	simm.s32 @p1 $0x1;
	p0 =	seq.s32 s7, s2  }
0x1e: {  	s7 =	smul.u32 @!p0 $0xF7A, s2;
	p2 =	seq.s32 @!p0 s5, $0x0  }
0x1f: {  	s9 =	smul.u32 $0xF7A, s1;
	s8 =	simm.s32 @!p0 $0x1BF5;
	p2 =	por !p2, p0  }
0x20: {  	[sflag:s8] =	ssyncset.s32 @!p0 $0xFFFFF086;
	s6 =	sadd.s32 @!p0 s3, s7;
	s7 =	simm.s32 @!p0 $0x108  }
0x21: {  	s3 =	sadd.s32 s3, s9;
	s6 =	sadd.s32 @!p0 $0x88, s6;
	s7 =	simm.s32 @p2 $0x1082  }
0x22: {  	[simem:s7], [sflag:s8] =	dma.local @!p0 [hbm:s6], $0xF7A  }
0x23: {  	s9 =	sor.u32 $0xD0000000, s2;
	s6 =	simm.s32 $0x108;
	_ =	swait.ge @!p0 [sflag:s8], $0x0  }
0x24: {  	s3 =	sadd.s32 $0x88, s3;
	s6 =	simm.s32 @!p1 $0x1082;
	[sflag:s4] =	ssyncset.s32 $0xFFFFF086  }
0x25: {  	[simem:s6], [sflag:s4] =	dma.local [hbm:s3], $0xF7A  }
0x26: {  	[smem:$0x3F92] =	sst s1;
	(tag) =	ssettag s2;
	_ =	strace s9  }
0x27: {  	s1 =	sld [smem:$0x3FA2]  }
0x28: {  	s2 =	sld [smem:$0x3FA3]  }
0x29: {  	s4 =	sld [smem:$0x3FA5]  }
0x2a: {  	p0 =	seq.s32 s5, $0x0;
	s5 =	sld [smem:$0x3FA6]  }
0x2b: {  	s6 =	sld [smem:$0x3FA7]  }
0x2c: {  	s7 =	sld [smem:$0x3FA8]  }
0x2d: {  	s3 =	simm.s32 $0x108;
	s8 =	sld [smem:$0x3FA9]  }
0x2e: {  	s3 =	simm.s32 @!p0 $0x1082;
	s9 =	sld [smem:$0x3FAA]  }
0x2f: {  	lr =	sadd.s32 s0, s3;
	s0 =	sld [smem:$0x3FA1]  }
0x30: {  	s3 =	sld [smem:$0x3FA4]  }
0x31: {  	[smem:$0x3FAD] =	sst s10  }
0x32: {  	s10 =	sld [smem:$0x3FAB];
	_ =	sdelay $0x3  }
0x33: {  	p0 =	seq.s32 s10, $0x1;
	s10 =	sld [smem:$0x3FAD];
	_ =	sdelay $0x3  }
0x34: {  	[smem:$0x3FAD] =	sst s10  }
0x35: {  	s10 =	sld [smem:$0x3FAC];
	_ =	sdelay $0x3  }
0x36: {  	p1 =	seq.s32 s10, $0x1;
	s10 =	sld [smem:$0x3FAD];
	_ =	sdelay $0x3  }
0x37: {  	[smem:$0x3FAD] =	sst s10  }
0x38: {  	s10 =	sld [smem:$0x3FAE]  }
0x39: {  	_ = 	snop;
	(pc) =	sbr.ind lr, $3  }
0x3a: {  	_ = 	snop  }
0x3b: {  	_ = 	snop  }
0x3c: {  	p2 =	seq.s32 s10, $0x1;
	s10 =	sld [smem:$0x3FAD]  }
0x3d: {  	_ =	shalt  }
0x3e: {  	_ =	shalt  }
0x3f: {  	_ =	shalt  }
0x40: {  	_ =	shalt  }
0x41: {  	_ =	shalt  }
0x42: {  	_ =	shalt  }
0x43: {  	_ =	shalt  }
0x44: {  	_ =	shalt  }
0x45: {  	_ =	shalt  }
0x46: {  	_ =	shalt  }
0x47: {  	_ =	shalt  }
0x48: {  	_ =	shalt  }
0x49: {  	_ =	shalt  }
0x4a: {  	_ =	shalt  }
0x4b: {  	_ =	shalt  }
0x4c: {  	_ =	shalt  }
0x4d: {  	_ =	shalt  }
0x4e: {  	_ =	shalt  }
0x4f: {  	_ =	shalt  }
0x50: {  	_ =	shalt  }
0x51: {  	_ =	shalt  }
0x52: {  	_ =	shalt  }
0x53: {  	_ =	shalt  }
0x54: {  	_ =	shalt  }
0x55: {  	_ =	shalt  }
0x56: {  	_ =	shalt  }
0x57: {  	_ =	shalt  }
0x58: {  	_ =	shalt  }
0x59: {  	_ =	shalt  }
0x5a: {  	_ =	shalt  }
0x5b: {  	_ =	shalt  }
0x5c: {  	_ =	shalt  }
0x5d: {  	_ =	shalt  }
0x5e: {  	_ =	shalt  }
0x5f: {  	_ =	shalt  }
0x60: {  	_ =	shalt  }
0x61: {  	_ =	shalt  }
0x62: {  	_ =	shalt  }
0x63: {  	_ =	shalt  }
0x64: {  	_ =	shalt  }
0x65: {  	_ =	shalt  }
0x66: {  	_ =	shalt  }
0x67: {  	_ =	shalt  }
0x68: {  	_ =	shalt  }
0x69: {  	_ =	shalt  }
0x6a: {  	_ =	shalt  }
0x6b: {  	_ =	shalt  }
0x6c: {  	_ =	shalt  }
0x6d: {  	_ =	shalt  }
0x6e: {  	_ =	shalt  }
0x6f: {  	_ =	shalt  }
0x70: {  	_ =	shalt  }
0x71: {  	_ =	shalt  }
0x72: {  	_ =	shalt  }
0x73: {  	_ =	shalt  }
0x74: {  	_ =	shalt  }
0x75: {  	_ =	shalt  }
0x76: {  	_ =	shalt  }
0x77: {  	_ =	shalt  }
0x78: {  	_ =	shalt  }
0x79: {  	_ =	shalt  }
0x7a: {  	_ =	shalt  }
0x7b: {  	_ =	shalt  }
0x7c: {  	_ =	shalt  }
0x7d: {  	_ =	shalt  }
0x7e: {  	_ =	shalt  }
0x7f: {  	_ =	shalt  }
0x80: {  	_ =	shalt  }
0x81: {  	_ =	shalt  }
0x82: {  	_ =	shalt  }
0x83: {  	_ =	shalt  }
0x84: {  	_ =	shalt  }
0x85: {  	_ =	shalt  }
0x86: {  	_ =	shalt  }
0x87: {  	_ =	shalt  }
.Lfunc_end0:
.L_simem_size_0:
called_computation.3_lowered:
.L_overlay_start_0:
0x88: {  	s2 =	sld [smem:$0x3FD9]  }
0x89: {  	s3 =	sld [smem:$0x3FFE];
	_ =	sdelay $0x1  }
0x8a: {  	s1 =	srdreg.scid  }
0x8b: {  	s0 =	sand.u32 $0x1, s1  }
0x8c: {  	s16 =	sshll.u32 s0, $0xA;
	s2 =	sadd.s32 s3, s2  }
0x8d: {  	s2 =	sadd.s32 s2, s16  }
0x8e: {  	[smem:$0x3FB9] =	sst s2  }
0x8f: {  	_ = 	snop  }
0x90: {  	(tm) =	ssettm $0x1  }
0x91: {  	s17 =	sld [smem:$0x3FFB];
	_ =	sdelay $0x3  }
0x92: {  	_ =	strace s17  }
0x93: {  	s2 =	sld [smem:$0x3FFC];
	_ =	sdelay $0x3  }
0x94: {  	_ =	strace s2  }
0x95: {  	s2 =	sld [smem:$0x3FFD];
	_ =	sdelay $0x3  }
0x96: {  	_ =	strace s2  }
0x97: {  	_ =	strace $0x8FFFFFFF  }
0x98: {  	s18 =	sld [smem:$0x3FDB];
	_ =	sdelay $0x1  }
0x99: {  	s19 =	simm.s32 $_scs_section_size  }
0x9a: {  	s4 =	simm.s32 $_size__tile_overlayer_lowered;
	s5 =	simm.s32 $_tile_overlayer_lowered  }
0x9b: {  	s22 =	simm.s32 $0x1BFF;
	s21 =	sshll.u32 s5, $0x1;
	s2 =	sadd.s32 s19, s18  }
0x9c: {  	s6 =	simm.s32 $0x0;
	s20 =	sshll.u32 s4, $0x1;
	s4 =	sadd.s32 s21, s2  }
0x9d: {  	[timem:s6], [sflag:s22] =	dma.local [hbm:s4], s20  }
0x9e: {  	_ =	swait.ge [sflag:s22], s20  }
0x9f: {  	s3 =	ssub.s32 $0x0, s20;
	[sflag:s22] =	ssyncset.done $0x0  }
0xa0: {  	[sflag:s22] =	ssyncadd.s32 s3;
	_ =	sdelay $0x1  }
0xa1: {  	s23 =	simm.s32 $0x1B8B  }
0xa2: {  	_ =	swait.ge [sflag:s23], $0x1  }
0xa3: {  	[sflag:s23] =	ssyncset.done $0x0  }
0xa4: {  	s25 =	simm.s32 $0x1B8E;
	s24 =	sld [smem:$0x3FFE];
	[sflag:s23] =	ssyncadd.s32 $0xFFFFFFFF  }
0xa5: {  	s26 =	simm.s32 $execute0_lowered;
	[smem:$0x3FD2] =	sst s25  }
0xa6: {  	s4 =	sshll.u32 s26, $0x1;
	_ =	strace $0x8000004F;
	[dreg:$0x1] =	wrdreg $0xFFFFFFFF  }
0xa7: {  	s28 =	simm.s32 $_size_execute0_lowered;
	s2 =	sadd.s32 s2, s4;
	[dreg:$0x0] =	wrdreg $0x0  }
0xa8: {  	s4 =	sshll.u32 s28, $0x1;
	[dreg:$0x2] =	wrdreg s2  }
0xa9: {  	[dreg:$0x3] =	wrdreg s4  }
0xaa: {  	[dreg:$0x4] =	wrdreg $0xC0  }
0xab: {  	_ =	task [dreg:s6], $0x5FFFF  }
0xac: {  	[dreg:$0x1] =	wrdreg $0xFFFFFFFF  }
0xad: {  	[dreg:$0x0] =	wrdreg $0x60  }
0xae: {  	[dreg:$0x2] =	wrdreg s24  }
0xaf: {  	[dreg:$0x3] =	wrdreg $0x9  }
0xb0: {  	_ =	task.clear_ibuf [dreg:s6], $0x4FFFF;
	_ =	strace $0x9000004F  }
0xb1: {  	s29 =	simm.s32 $0x9;
	_ =	strace $0x80000051  }
0xb2: {  	_ =	swait.ge [sflag:s29], $0x1  }
0xb3: {  	[sflag:s29] =	ssyncadd.s32 $0xFFFFFFFF  }
0xb4: {  	_ =	strace $0x90000051  }
0xb5: {  	_ =	sfence  }
0xb6: {  	s30 =	sld [smem:$0x0];
	_ =	sdelay $0x2  }
0xb7: {  	s31 =	sshll.u32 s1, $0xD;
	s1 =	sshrl.u32 s1, $0x2  }
0xb8: {  	s3 =	sand.u32 $0x4000, s31;
	s1 =	sadd.s32 s1, s30  }
0xb9: {  	s0 =	sor.u32 s3, s0;
	s1 =	sshll.u32 s1, $0x11  }
0xba: {  	s0 =	sor.u32 s1, s0  }
0xbb: {  	s0 =	sadd.s32 $0x8F2B, s0  }
0xbc: {  	[sflag:s0] =	ssyncadd.remote.s32 $0x1  }
0xbd: {  	_ =	sfence.sel $0xFFFF  }
0xbe: {  	[dreg:$0x0] =	wrdreg $0xFFFFFFFF;
	(pc) =	sbr.abs _section_cstart, $3  }
0xbf: {  	[dreg:$0x1] =	wrdreg $0xFFFFFFFF  }
0xc0: {  	_ =	task.clear_ibuf [dreg:s6], $0x2FFFF;
	_ =	strace $0x9FFFFFFF  }
0xc1: {  	(tm) =	ssettm $0x7FFFFFFF  }
tec
execute0_lowered:
.L_overlay_start_1:
0x0: {  	(tag) =	ssettag $0x1  }
0x1: {  	s1 =	srdreg.scid  }
0x2: {  	s0 =	stileid.u32;
	s6 =	sand.u32 $0x1, s1  }
0x3: {  	s8 =	rddreg [dreg:$0x0];
	s2 =	sshll.u32 s0, $0x8;
	s1 =	sshll.u32 s6, $0xC  }
0x4: {  	s4 =	simm.s32 $0x3;
	s5 =	sadd.s32 $0x3800, s8;
	s7 =	sor.u32 s2, s1  }
0x5: {  	s10 =	ssub.s32 $0x2, s6;
	s2 =	simm.s32 $0x0;
	s3 =	sshrl.u32 s7, $0x3  }
0x6: {  	s6 =	simm.s32 $0x100;
	[smem:$0x7FF] =	sst s2;
	s3 =	sadd.s32 s3, s8  }
0x7: {  	s1 =	rddreg [dreg:$0x1];
	_ =	strace $0x80000050;
	s3 =	sadd.s32 $0xEBE00, s3  }
0x8: {  	[tilespmem:s2], [sflag:$0x3] =	stream.linear.gather [hbm4b:s3+s2], $0x100, $0x38;
	[tilespmem:$0x4100] =	vst v63  }
0x9: {  	s31 =	sshrl.u32 s10, $0x1;
	s9 =	sshll.u32 s7, $0x3;
	_ =	swait.ge [sflag:s4], $0x100  }
0xa: {  	s8 =	sadd.s32 s9, s8;
	s9 =	ssub.s32 s10, s31;
	[sflag:s4] =	ssyncset.done $0x0  }
0xb: {  	s7 =	simm.s32 $0x1;
	s10 =	smax.u32 s9, $0x1;
	[sflag:s4] =	ssyncadd.s32 $0xFFFFFF00  }
0xc: {  	[tilespmem:s6], [sflag:$0x1] =	stream.indirect.gather [hbm4b:s5+s6], $0x40, s2, s6, $0xb8;
	[tilespmem:$0x4100] =	vst v63  }
0xd: {  	p0 =	sne.s32 s10, $0x1;
	_ =	swait.ge [sflag:s7], $0x4000  }
.Ltmp0:
0xe: {  	[sflag:s7] =	ssyncset.done $0x0;
	(pc) =	sbr.rel @!p0 .LBB2_2-.Ltmp0, $4  }
0xf: {  	s8 =	sadd.s32 $0x2AA00, s8;
	s9 =	simm.s32 $0x2;
	[sflag:s7] =	ssyncadd.s32 $0xFFFFC000  }
0x10: {  	[hbm4b:s8+s2] =	stream.linear.scatter [tilespmem:s6], [sflag:$0x2], $0x4000, $0x38;
	[tilespmem:$0x4100] =	vst v63  }
0x11: {  	_ =	swait.ge [sflag:s9], $0x4000  }
0x12: {  	s10 =	sadd.s32 $0xFFFFFFFF, s10;
	[sflag:s9] =	ssyncset.done $0x0  }
.LBB2_1:
0x13: {  	p0 =	sne.s32 s10, $0x1;
	s10 =	sadd.s32 $0xFFFFFFFF, s10;
	[sflag:s9] =	ssyncadd.s32 $0xFFFFC000  }
0x14: {  	[tilespmem:s2], [sflag:$0x3] =	stream.linear.gather [hbm4b:s3+s2], $0x100, $0x38;
	[tilespmem:$0x4100] =	vst v63  }
0x15: {  	_ =	swait.ge [sflag:s4], $0x100  }
0x16: {  	[sflag:s4] =	ssyncset.done $0x0  }
0x17: {  	[sflag:s4] =	ssyncadd.s32 $0xFFFFFF00  }
0x18: {  	[tilespmem:s6], [sflag:$0x1] =	stream.indirect.gather [hbm4b:s5+s6], $0x40, s2, s6, $0xb8;
	[tilespmem:$0x4100] =	vst v63  }
0x19: {  	_ =	swait.ge [sflag:s7], $0x4000  }
.Ltmp1:
0x1a: {  	[sflag:s7] =	ssyncset.done $0x0;
	(pc) =	sbr.rel @p0 .LBB2_1-.Ltmp1, $4  }
0x1b: {  	[sflag:s7] =	ssyncadd.s32 $0xFFFFC000  }
0x1c: {  	[hbm4b:s8+s2] =	stream.linear.scatter [tilespmem:s6], [sflag:$0x2], $0x4000, $0x38;
	[tilespmem:$0x4100] =	vst v63  }
0x1d: {  	_ =	swait.ge [sflag:s9], $0x4000  }
0x1e: {  	[sflag:s9] =	ssyncset.done $0x0  }
.LBB2_2:
0x1f: {  	[sflag:s9] =	ssyncadd.s32 $0xFFFFC000  }
0x20: {  	_ =	sfence.sel $0x180000  }
0x21: {  	[bflag:$0x0] =	sbarrier.arrive $0xFFFF  }
0x22: {  	p0 =	sne.s32 s0, $0x0;
	_ =	strace $0x90000050  }
0x23: {  	s0 =	sadd.s32 @!p0 $0x100000, s1;
	[bflag:$0x2] =	sbarrier.arrive $0xFFFF  }
0x24: {  	[sflag:s0] =	ssyncadd.tile.s32 @!p0 $0x1;
	_ =	shalt  }
.Lfunc_end2:
_tile_overlayer_lowered:
.L_overlay_start_2:
0x25: {  	(tag) =	ssettag $0x2  }
0x26: {  	s0 =	rddreg [dreg:$0x0];
	s2 =	stileid.u32  }
0x27: {  	s1 =	rddreg [dreg:$0x1];
	p0 =	sne.s32 s2, $0x0  }
0x28: {  	s3 =	rddreg [dreg:$0x2];
	[bflag:$0x3] =	sbarrier.arrive $0xFFFF;
	s2 =	simm.s32 @!p0 $0x1C03  }
0x29: {  	[timem:s3], [sflag:s2] =	dma.local @!p0 [hbm:s0], s1  }
0x2a: {  	s0 =	simm.s32 @!p0 $0x3  }
0x2b: {  	_ =	swait.ge @!p0 [sflag:s0], s1  }
0x2c: {  	s1 =	ssub.s32 @!p0 $0x0, s1;
	[sflag:s0] =	ssyncset.done @!p0 $0x0  }
0x2d: {  	[sflag:s0] =	ssyncadd.s32 @!p0 s1  }
0x2e: {  	[bflag:$0x3] =	sbarrier.arrive $0xFFFF  }
0x2f: {  	_ =	shalt  }

</sc_bundles>
